<compile_context>
chip_gen: v7x
topology: tpu7x:2x2x1
jax: 0.10.2.dev20260603
libtpu: 0.0.44.dev20260713+nightly
codegen_flags: <defaults>
</compile_context>

<pallas_src>
import functools

import jax
import jax.numpy as jnp
import numpy as np
from jax import lax
from jax.experimental import pallas as pl
from jax.experimental.pallas import tpu as pltpu
from jax.experimental.pallas import tpu_sc as plsc

S, D = 2048, 1024
H, KVH, HD = 16, 8, 64
HHD = HD // 2
E, FF = 8, 2048
THETA = 10000.0
EPS = 1e-5
RB = 256
NRB = S // RB

A = 2 * S
BLK = 256
PADMAX = A + E * BLK
NBLK = PADMAX // BLK
BUFROWS = A + PADMAX
NW = 32
PB = PADMAX // NW
CH = 64

_INTERPRET = False


def _ln(x, w, b):
    mu = jnp.mean(x, axis=-1, keepdims=True)
    xc = x - mu
    var = jnp.mean(xc * xc, axis=-1, keepdims=True)
    return xc * jax.lax.rsqrt(var + EPS) * w + b



def _qkv_body(x_ref, cos_ref, sin_ref, ln1w_ref, ln1b_ref, wq_ref, bq_ref,
              wk_ref, bk_ref, wv_ref, bv_ref, q_ref, k_ref, v_ref):
    x = x_ref[...]
    h = _ln(x, ln1w_ref[...], ln1b_ref[...]).astype(jnp.bfloat16)
    q = jnp.dot(h, wq_ref[...], preferred_element_type=jnp.float32) + bq_ref[...]
    k = jnp.dot(h, wk_ref[...], preferred_element_type=jnp.float32) + bk_ref[...]
    v = jnp.dot(h, wv_ref[...], preferred_element_type=jnp.float32) + bv_ref[...]
    cos = cos_ref[...]
    sin = sin_ref[...]
    cq = jnp.concatenate([cos] * H, axis=1)
    sq = jnp.concatenate([sin] * H, axis=1)
    ck = jnp.concatenate([cos] * KVH, axis=1)
    sk = jnp.concatenate([sin] * KVH, axis=1)
    q1, q2 = q[:, :H * HHD], q[:, H * HHD:]
    k1, k2 = k[:, :KVH * HHD], k[:, KVH * HHD:]
    q_ref[...] = jnp.concatenate(
        [q1 * cq - q2 * sq, q2 * cq + q1 * sq], axis=1).astype(jnp.bfloat16)
    k_ref[...] = jnp.concatenate(
        [k1 * ck - k2 * sk, k2 * ck + k1 * sk], axis=1).astype(jnp.bfloat16)
    v_ref[...] = v.astype(jnp.bfloat16)



def _attn_body(q_ref, k_ref, v_ref, o_ref):
    qi = pl.program_id(0)
    q = q_ref[...]
    k = k_ref[...]
    v = v_ref[...]
    rows = qi * RB + jax.lax.broadcasted_iota(jnp.int32, (RB, S), 0)
    cols = jax.lax.broadcasted_iota(jnp.int32, (RB, S), 1)
    causal = cols <= rows
    for h in range(H):
        kv = h // (H // KVH)
        q1 = q[:, h * HHD:(h + 1) * HHD]
        q2 = q[:, H * HHD + h * HHD: H * HHD + (h + 1) * HHD]
        k1 = k[:, kv * HHD:(kv + 1) * HHD]
        k2 = k[:, KVH * HHD + kv * HHD: KVH * HHD + (kv + 1) * HHD]
        s = jax.lax.dot_general(q1, k1, (((1,), (1,)), ((), ())),
                                preferred_element_type=jnp.float32)
        s = s + jax.lax.dot_general(q2, k2, (((1,), (1,)), ((), ())),
                                    preferred_element_type=jnp.float32)
        s = jnp.where(causal, s * 0.125, jnp.float32(-1e30))
        m = jnp.max(s, axis=1, keepdims=True)
        p = jnp.exp(s - m)
        l = jnp.sum(p, axis=1, keepdims=True)
        vh = v[:, kv * HD:(kv + 1) * HD]
        o = jnp.dot(p.astype(jnp.bfloat16), vh,
                    preferred_element_type=jnp.float32) / l
        o_ref[:, h * HD:(h + 1) * HD] = o.astype(jnp.bfloat16)



def _post_body(x_ref, attn_ref, wo_ref, bo_ref, ln2w_ref, ln2b_ref, wr_ref,
               x2_ref, h2_ref, i1_ref, i2_ref, g1_ref, g2_ref):
    x2 = x_ref[...] + jnp.dot(attn_ref[...], wo_ref[...],
                              preferred_element_type=jnp.float32) + bo_ref[...]
    h2 = _ln(x2, ln2w_ref[...], ln2b_ref[...])
    logits128 = jnp.dot(h2, wr_ref[...], preferred_element_type=jnp.float32)
    logits = logits128[:, :E]
    m = jnp.max(logits, axis=1, keepdims=True)
    p = jnp.exp(logits - m)
    rp = p / jnp.sum(p, axis=1, keepdims=True)
    iota = jax.lax.broadcasted_iota(jnp.int32, (RB, E), 1)
    v1 = jnp.max(rp, axis=1, keepdims=True)
    i1 = jnp.min(jnp.where(rp == v1, iota, E), axis=1, keepdims=True)
    rp2 = jnp.where(iota == i1, -1.0, rp)
    v2 = jnp.max(rp2, axis=1, keepdims=True)
    i2 = jnp.min(jnp.where(rp2 == v2, iota, E), axis=1, keepdims=True)
    denom = v1 + v2
    x2_ref[...] = x2
    h2_ref[...] = h2
    i1_ref[...] = i1
    i2_ref[...] = i2
    g1_ref[...] = v1 / denom
    g2_ref[...] = v2 / denom



CB = 512
NCB = A // CB


def _posmap_body(ee_ref, pos_ref, bexp_ref, carry_ref, offs_ref):
    p = pl.program_id(0)
    b = pl.program_id(1)
    iotaL = jax.lax.broadcasted_iota(jnp.int32, (CB, 128), 1)
    e_blk = ee_ref[...]
    onehot = jnp.logical_and(iotaL == e_blk, iotaL < E).astype(jnp.float32)
    r = jax.lax.broadcasted_iota(jnp.int32, (CB, CB), 0)
    cc = jax.lax.broadcasted_iota(jnp.int32, (CB, CB), 1)
    ltri = (cc <= r).astype(jnp.float32)

    @pl.when(b == 0)
    def _():
        carry_ref[...] = jnp.zeros((8, 128), jnp.float32)

    carry = carry_ref[0:1, :]
    cum = jnp.dot(ltri, onehot, preferred_element_type=jnp.float32) + carry
    carry_ref[0:1, :] = carry + jnp.sum(onehot, axis=0, keepdims=True)

    @pl.when(jnp.logical_and(p == 0, b == NCB - 1))
    def _():
        cnt = carry_ref[0:1, :]
        padded = jnp.floor((cnt + (BLK - 1)) / BLK) * BLK
        li = jax.lax.broadcasted_iota(jnp.int32, (128, 128), 0)
        lj = jax.lax.broadcasted_iota(jnp.int32, (128, 128), 1)
        strict = (li < lj).astype(jnp.float32)
        offs = jnp.dot(padded, strict, preferred_element_type=jnp.float32)
        offs_ref[0:1, :] = offs
        bsv = (jax.lax.broadcasted_iota(jnp.int32, (1, 128), 1)
               * BLK).astype(jnp.float32)
        bexpv = jnp.zeros((1, 128), jnp.float32)
        for e_ in range(E):
            oe = offs[0:1, e_:e_ + 1]
            pe = padded[0:1, e_:e_ + 1]
            inseg = jnp.logical_and(bsv >= oe, bsv < oe + pe)
            bexpv = bexpv + jnp.where(inseg, float(e_), 0.0)
        total = offs[0:1, E:E + 1]
        bexpv = jnp.where(bsv >= total, float(E - 1), bexpv)
        bexp_ref[...] = bexpv.astype(jnp.int32)

    @pl.when(p == 1)
    def _():
        offs = offs_ref[0:1, :]
        posf = jnp.sum(onehot * (offs + cum - 1.0), axis=1, keepdims=True)
        pos_ref[...] = posf.astype(jnp.int32)



PB2 = A // NW


def _scatter_h2_body(h2_hbm, pos_hbm, h2s_hbm, idx_v, rows_v, sem):
    c = lax.axis_index("c")
    s = lax.axis_index("s")
    w = s * 2 + c
    base = w * PB2
    srcbase = base - S * (w // (NW // 2))
    for j in range(PB2 // CH):
        sl = pl.ds(base + j * CH, CH)
        pltpu.sync_copy(pos_hbm.at[sl], idx_v)
        pltpu.sync_copy(
            h2_hbm.at[pl.ds(pl.multiple_of(srcbase + j * CH, CH), CH)], rows_v)
        pltpu.async_copy(rows_v, h2s_hbm.at[idx_v], sem).wait()


def _gatherback_body(y_hbm, pos_hbm, buf_hbm, idx_v, rows_v, sem):
    c = lax.axis_index("c")
    s = lax.axis_index("s")
    w = s * 2 + c
    base = w * PB2
    for j in range(PB2 // CH):
        sl = pl.ds(base + j * CH, CH)
        pltpu.sync_copy(pos_hbm.at[sl], idx_v)
        pltpu.async_copy(y_hbm.at[idx_v], rows_v, sem).wait()
        pltpu.sync_copy(rows_v, buf_hbm.at[sl])



def _gffn_body(bexp_ref, h2s_ref, w1_ref, w3_ref, w2_ref, out_ref):
    h2 = h2s_ref[...].astype(jnp.bfloat16)
    a = jnp.dot(h2, w1_ref[0], preferred_element_type=jnp.float32)
    b = jnp.dot(h2, w3_ref[0], preferred_element_type=jnp.float32)
    act = (a * jax.nn.sigmoid(a) * b).astype(jnp.bfloat16)
    y = jnp.dot(act, w2_ref[0], preferred_element_type=jnp.float32)
    out_ref[...] = y


def _combine_body(x2_ref, g1_ref, g2_ref, ba_ref, bb_ref, o_ref):
    o_ref[...] = (x2_ref[...] + g1_ref[...] * ba_ref[...]
                  + g2_ref[...] * bb_ref[...])


def _split_halves(w):
    g = w.shape[-1] // HD
    w3d = w.reshape(*w.shape[:-1], g, HD)
    return jnp.concatenate(
        [w3d[..., :HHD].reshape(*w.shape[:-1], g * HHD),
         w3d[..., HHD:].reshape(*w.shape[:-1], g * HHD)], axis=-1)


def kernel(hidden_states, attention_mask, position_ids, ln1_w, ln1_b, wq, bq,
           wk, bk, wv, bv, wo, bo, ln2_w, ln2_b, w_router, w1, w3, w2):
    x = hidden_states.reshape(S, D)
    pos = position_ids.reshape(S).astype(jnp.float32)
    inv = jnp.asarray(1.0 / (THETA ** (np.arange(0, HD, 2) / HD)), jnp.float32)
    ang = pos[:, None] * inv[None, :]
    cos = jnp.cos(ang)
    sin = jnp.sin(ang)

    wq_p = _split_halves(wq)
    bq_p = _split_halves(bq[None, :])[0]
    wk_p = _split_halves(wk)
    bk_p = _split_halves(bk[None, :])[0]
    wr_pad = jnp.pad(w_router, ((0, 0), (0, 128 - E)))

    row_spec = pl.BlockSpec((RB, D), lambda i: (i, 0))
    full = lambda *shape: pl.BlockSpec(shape, lambda *i: (0,) * len(shape))

    qf, kf, vf = pl.pallas_call(
        _qkv_body,
        grid=(NRB,),
        in_specs=[
            row_spec,
            pl.BlockSpec((RB, HHD), lambda i: (i, 0)),
            pl.BlockSpec((RB, HHD), lambda i: (i, 0)),
            full(D), full(D),
            full(D, H * HD), full(H * HD),
            full(D, KVH * HD), full(KVH * HD),
            full(D, KVH * HD), full(KVH * HD),
        ],
        out_specs=[
            pl.BlockSpec((RB, H * HD), lambda i: (i, 0)),
            pl.BlockSpec((RB, KVH * HD), lambda i: (i, 0)),
            pl.BlockSpec((RB, KVH * HD), lambda i: (i, 0)),
        ],
        out_shape=[
            jax.ShapeDtypeStruct((S, H * HD), jnp.bfloat16),
            jax.ShapeDtypeStruct((S, KVH * HD), jnp.bfloat16),
            jax.ShapeDtypeStruct((S, KVH * HD), jnp.bfloat16),
        ],
        interpret=_INTERPRET,
    )(x, cos, sin, ln1_w, ln1_b, wq_p.astype(jnp.bfloat16),
      bq_p, wk_p.astype(jnp.bfloat16), bk_p, wv.astype(jnp.bfloat16), bv)

    attn = pl.pallas_call(
        _attn_body,
        grid=(NRB,),
        in_specs=[
            pl.BlockSpec((RB, H * HD), lambda i: (i, 0)),
            full(S, KVH * HD),
            full(S, KVH * HD),
        ],
        out_specs=pl.BlockSpec((RB, H * HD), lambda i: (i, 0)),
        out_shape=jax.ShapeDtypeStruct((S, H * HD), jnp.bfloat16),
        interpret=_INTERPRET,
    )(qf, kf, vf)

    col_spec = pl.BlockSpec((RB, 1), lambda i: (i, 0))
    x2, h2, i1, i2, g1, g2 = pl.pallas_call(
        _post_body,
        grid=(NRB,),
        in_specs=[
            row_spec,
            pl.BlockSpec((RB, H * HD), lambda i: (i, 0)),
            full(H * HD, D), full(D),
            full(D), full(D),
            full(D, 128),
        ],
        out_specs=[row_spec, row_spec, col_spec, col_spec, col_spec, col_spec],
        out_shape=[
            jax.ShapeDtypeStruct((S, D), jnp.float32),
            jax.ShapeDtypeStruct((S, D), jnp.float32),
            jax.ShapeDtypeStruct((S, 1), jnp.int32),
            jax.ShapeDtypeStruct((S, 1), jnp.int32),
            jax.ShapeDtypeStruct((S, 1), jnp.float32),
            jax.ShapeDtypeStruct((S, 1), jnp.float32),
        ],
        interpret=_INTERPRET,
    )(x, attn, wo.astype(jnp.bfloat16), bo, ln2_w, ln2_b, wr_pad)

    ee = jnp.concatenate([i1, i2], axis=0)
    pos2d, bexp = pl.pallas_call(
        _posmap_body,
        grid=(2, NCB),
        in_specs=[pl.BlockSpec((CB, 1), lambda p, b: (b, 0))],
        out_specs=[
            pl.BlockSpec((CB, 1), lambda p, b: (b, 0)),
            pl.BlockSpec((1, 128), lambda p, b: (0, 0)),
        ],
        out_shape=[
            jax.ShapeDtypeStruct((A, 1), jnp.int32),
            jax.ShapeDtypeStruct((1, 128), jnp.int32),
        ],
        scratch_shapes=[
            pltpu.VMEM((8, 128), jnp.float32),
            pltpu.VMEM((8, 128), jnp.float32),
        ],
        interpret=_INTERPRET,
    )(ee)
    pos = pos2d.reshape(A)
    bexp1 = bexp.reshape(128)

    mesh = plsc.VectorSubcoreMesh(core_axis_name="c", subcore_axis_name="s")
    h2s = pl.kernel(
        _scatter_h2_body,
        out_type=jax.ShapeDtypeStruct((PADMAX, D), jnp.float32),
        mesh=mesh,
        scratch_types=[
            pltpu.VMEM((CH,), jnp.int32),
            pltpu.VMEM((CH, D), jnp.float32),
            pltpu.SemaphoreType.DMA,
        ],
    )(h2, pos)

    w1b = w1.astype(jnp.bfloat16)
    w3b = w3.astype(jnp.bfloat16)
    w2b = w2.astype(jnp.bfloat16)

    y_sorted = pl.pallas_call(
        _gffn_body,
        grid_spec=pltpu.PrefetchScalarGridSpec(
            num_scalar_prefetch=1,
            grid=(NBLK,),
            in_specs=[
                pl.BlockSpec((BLK, D), lambda i, bx: (i, 0)),
                pl.BlockSpec((1, D, FF), lambda i, bx: (bx[i], 0, 0)),
                pl.BlockSpec((1, D, FF), lambda i, bx: (bx[i], 0, 0)),
                pl.BlockSpec((1, FF, D), lambda i, bx: (bx[i], 0, 0)),
            ],
            out_specs=pl.BlockSpec((BLK, D), lambda i, bx: (i, 0)),
        ),
        out_shape=jax.ShapeDtypeStruct((PADMAX, D), jnp.float32),
        interpret=_INTERPRET,
    )(bexp1, h2s, w1b, w3b, w2b)

    buf = pl.kernel(
        _gatherback_body,
        out_type=jax.ShapeDtypeStruct((A, D), jnp.float32),
        mesh=mesh,
        scratch_types=[
            pltpu.VMEM((CH,), jnp.int32),
            pltpu.VMEM((CH, D), jnp.float32),
            pltpu.SemaphoreType.DMA,
        ],
    )(y_sorted, pos)

    out = pl.pallas_call(
        _combine_body,
        grid=(NRB,),
        in_specs=[
            row_spec,
            pl.BlockSpec((RB, 1), lambda i: (i, 0)),
            pl.BlockSpec((RB, 1), lambda i: (i, 0)),
            pl.BlockSpec((RB, D), lambda i: (i, 0)),
            pl.BlockSpec((RB, D), lambda i: (i + NRB, 0)),
        ],
        out_specs=row_spec,
        out_shape=jax.ShapeDtypeStruct((S, D), jnp.float32),
        interpret=_INTERPRET,
    )(x2, g1, g2, buf, buf)

    return out.reshape(1, S, D)

# --- scband reference (transcript-rebuilt; emitter-appended) ---
"""Pipeline reference for scband-phi-moe-decoder-layer-57354993271389 (READ-ONLY COPY).

The authoritative reference and input builder live on the scoring server;
editing this copy changes nothing except your own understanding.
"""

import jax, jax.numpy as jnp
import numpy as np

B, S, D = 1, 2048, 1024
H, KVH, HD = 16, 8, 64
E, TOPK, FF = 8, 2, 2048
THETA = 10000.0
EPS = 1e-5


def setup_inputs(seed: int = 0):
    key = jax.random.key(seed)
    ks = jax.random.split(key, 12)
    init = lambda k, shape: jax.random.normal(k, shape, dtype=jnp.float32) * 0.02
    return {
        'hidden_states': jax.random.normal(ks[0], (B, S, D), dtype=jnp.float32),
        'attention_mask': jnp.ones((B, S), dtype=jnp.bool_),
        'position_ids': jnp.broadcast_to(jnp.arange(S, dtype=jnp.int32), (B, S)),
        'ln1_w': jnp.ones((D,), jnp.float32), 'ln1_b': jnp.zeros((D,), jnp.float32),
        'wq': init(ks[1], (D, H * HD)), 'bq': jnp.zeros((H * HD,), jnp.float32),
        'wk': init(ks[2], (D, KVH * HD)), 'bk': jnp.zeros((KVH * HD,), jnp.float32),
        'wv': init(ks[3], (D, KVH * HD)), 'bv': jnp.zeros((KVH * HD,), jnp.float32),
        'wo': init(ks[4], (H * HD, D)), 'bo': jnp.zeros((D,), jnp.float32),
        'ln2_w': jnp.ones((D,), jnp.float32), 'ln2_b': jnp.zeros((D,), jnp.float32),
        'w_router': init(ks[5], (D, E)),
        'w1': init(ks[6], (E, D, FF)),
        'w3': init(ks[7], (E, D, FF)),
        'w2': init(ks[8], (E, FF, D)),
    }


def _layernorm(x, w, b):
    mu = x.mean(-1, keepdims=True)
    var = ((x - mu) ** 2).mean(-1, keepdims=True)
    return (x - mu) / jnp.sqrt(var + EPS) * w + b


def _rope(x, pos):
    inv = 1.0 / (THETA ** (jnp.arange(0, HD, 2, dtype=jnp.float32) / HD))
    ang = pos[..., None].astype(jnp.float32) * inv  # [B,S,HD/2]
    cos = jnp.cos(ang)[:, :, None, :]
    sin = jnp.sin(ang)[:, :, None, :]
    x1, x2 = x[..., : HD // 2], x[..., HD // 2 :]
    return jnp.concatenate([x1 * cos - x2 * sin, x2 * cos + x1 * sin], axis=-1)


def reference(hidden_states, attention_mask, position_ids, ln1_w, ln1_b, wq, bq, wk, bk, wv, bv, wo, bo, ln2_w, ln2_b, w_router, w1, w3, w2):
    x = hidden_states
    # --- PhiMoEAttention (GQA + neox RoPE, causal) ---
    h = _layernorm(x, ln1_w, ln1_b)
    q = (h @ wq + bq).reshape(B, S, H, HD)
    k = (h @ wk + bk).reshape(B, S, KVH, HD)
    v = (h @ wv + bv).reshape(B, S, KVH, HD)
    q = _rope(q, position_ids)
    k = _rope(k, position_ids)
    k = jnp.repeat(k, H // KVH, axis=2)
    v = jnp.repeat(v, H // KVH, axis=2)
    scores = jnp.einsum('bqhd,bkhd->bhqk', q, k) / np.sqrt(HD)
    causal = jnp.tril(jnp.ones((S, S), dtype=bool))
    mask = causal[None, None, :, :] & attention_mask[:, None, None, :]
    scores = jnp.where(mask, scores, jnp.finfo(scores.dtype).min)
    probs = jax.nn.softmax(scores, axis=-1)
    attn = jnp.einsum('bhqk,bkhd->bqhd', probs, v).reshape(B, S, H * HD)
    x = x + attn @ wo + bo
    # --- PhiMoeSparseMoeBlock (top-2 routing over E experts) ---
    h2 = _layernorm(x, ln2_w, ln2_b).reshape(B * S, D)
    router_logits = h2 @ w_router
    rp = jax.nn.softmax(router_logits, axis=-1)
    topv, topi = jax.lax.top_k(rp, TOPK)
    topv = topv / topv.sum(-1, keepdims=True)
    moe = jnp.zeros((B * S, D), dtype=h2.dtype)
    for e in range(E):
        gate = ((topi == e).astype(h2.dtype) * topv).sum(-1)  # [T]
        act = jax.nn.silu(h2 @ w1[e]) * (h2 @ w3[e])
        moe = moe + gate[:, None] * (act @ w2[e])
    x = x + moe.reshape(B, S, D)
    return x

if __name__ == "__main__":
    import jax
    _d = setup_inputs()
    print(jax.jit(kernel)(*tuple(_d.values())))

</pallas_src>

<mosaic_0001>
#map = affine_map<(d0, d1) -> (0, 0)>
#map1 = affine_map<(d0, d1) -> (0)>
module attributes {stable_mosaic.version = 14 : i64} {
  func.func @_gatherback_body(%arg0: i32, %arg1: i32, %arg2: memref<6144x1024xf32, #tpu.memory_space<hbm>>, %arg3: memref<4096xi32, #tpu.memory_space<hbm>>, %arg4: memref<4096x1024xf32, #tpu.memory_space<hbm>>, %arg5: memref<64xi32, #tpu.memory_space<vmem>>, %arg6: memref<64x1024xf32, #tpu.memory_space<vmem>>, %arg7: memref<!tpu.dma_semaphore, #tpu.memory_space<semaphore_mem>>) attributes {dimension_semantics = [#tpu.dimension_semantics<core_parallel>, #tpu.dimension_semantics<subcore_parallel>], iteration_bounds = array<i64: 2, 16>, scalar_prefetch = 0 : i64, scratch_operands = 3 : i64, tpu.core_type = #tpu.core_type<sc_vector_subcore>, window_params = [{transform_indices = #map}, {transform_indices = #map1}, {transform_indices = #map}]} {
    %mul3A = arith.constant 2 : i32
    %mul3A_0 = arith.muli %arg1, %mul3A : i32
    %add3A = arith.addi %mul3A_0, %arg0 : i32
    %mul3A_1 = arith.constant 128 : i32
    %mul3A_2 = arith.muli %add3A, %mul3A_1 : i32
    %add3A_3 = arith.constant 0 : i32
    %add3A_4 = arith.addi %mul3A_2, %add3A_3 : i32
    "tpu.region"() ({
      %run_scoped3A = tpu.sem_alloc : memref<!tpu.dma_semaphore, #tpu.memory_space<semaphore_mem>>
      %dma_start3A_17 = tpu.memref_slice %arg3[%add3A_4] : memref<4096xi32, #tpu.memory_space<hbm>> -> memref<64xi32, #tpu.memory_space<hbm>>
      %dma_start3A_18 = tpu.memref_slice %arg3[%add3A_4] : memref<4096xi32, #tpu.memory_space<hbm>> -> memref<64xi32, #tpu.memory_space<hbm>>
      tpu.enqueue_dma source(%dma_start3A_18 : memref<64xi32, #tpu.memory_space<hbm>>) target(%arg5 : memref<64xi32, #tpu.memory_space<vmem>>) target_semaphore(%run_scoped3A : memref<!tpu.dma_semaphore, #tpu.memory_space<semaphore_mem>>)
      %dma_wait3A_19 = tpu.memref_slice %arg3[%add3A_4] : memref<4096xi32, #tpu.memory_space<hbm>> -> memref<64xi32, #tpu.memory_space<hbm>>
      %dma_wait3A_20 = tpu.memref_slice %arg3[%add3A_4] : memref<4096xi32, #tpu.memory_space<hbm>> -> memref<64xi32, #tpu.memory_space<hbm>>
      tpu.wait_dma2 semaphore(%run_scoped3A : memref<!tpu.dma_semaphore, #tpu.memory_space<semaphore_mem>>) src(%dma_wait3A_20 : memref<64xi32, #tpu.memory_space<hbm>>) dst(%arg5 : memref<64xi32, #tpu.memory_space<vmem>>)
      tpu.yield
    }) : () -> ()
    %dma_start3A = arith.constant 0 : i32
    %dma_start3A_5 = arith.constant 0 : i32
    %dma_start3A_6 = tpu.memref_slice %arg2[%dma_start3A, %dma_start3A_5] : memref<6144x1024xf32, #tpu.memory_space<hbm>> -> memref<6144x1024xf32, #tpu.memory_space<hbm>>
    tpu.enqueue_indirect_dma source(%dma_start3A_6 : memref<6144x1024xf32, #tpu.memory_space<hbm>>) target(%arg6 : memref<64x1024xf32, #tpu.memory_space<vmem>>) offsets(%arg5 : memref<64xi32, #tpu.memory_space<vmem>>) semaphore(%arg7 : memref<!tpu.dma_semaphore, #tpu.memory_space<semaphore_mem>>)
    %dma_wait3A = arith.constant 0 : i32
    %dma_wait3A_7 = arith.constant 0 : i32
    %dma_wait3A_8 = tpu.memref_slice %arg2[%dma_wait3A, %dma_wait3A_7] : memref<6144x1024xf32, #tpu.memory_space<hbm>> -> memref<6144x1024xf32, #tpu.memory_space<hbm>>
    tpu.wait_indirect_dma semaphore(%arg7 : memref<!tpu.dma_semaphore, #tpu.memory_space<semaphore_mem>>) src(%dma_wait3A_8 : memref<6144x1024xf32, #tpu.memory_space<hbm>>) dst(%arg6 : memref<64x1024xf32, #tpu.memory_space<vmem>>)
    "tpu.region"() ({
      %run_scoped3A = tpu.sem_alloc : memref<!tpu.dma_semaphore, #tpu.memory_space<semaphore_mem>>
      %dma_start3A_17 = arith.constant 0 : i32
      %dma_start3A_18 = tpu.memref_slice %arg4[%add3A_4, %dma_start3A_17] : memref<4096x1024xf32, #tpu.memory_space<hbm>> -> memref<64x1024xf32, #tpu.memory_space<hbm>>
      %dma_start3A_19 = arith.constant 0 : i32
      %dma_start3A_20 = tpu.memref_slice %arg4[%add3A_4, %dma_start3A_19] : memref<4096x1024xf32, #tpu.memory_space<hbm>> -> memref<64x1024xf32, #tpu.memory_space<hbm>>
      tpu.enqueue_dma source(%arg6 : memref<64x1024xf32, #tpu.memory_space<vmem>>) target(%dma_start3A_20 : memref<64x1024xf32, #tpu.memory_space<hbm>>) target_semaphore(%run_scoped3A : memref<!tpu.dma_semaphore, #tpu.memory_space<semaphore_mem>>)
      %dma_wait3A_21 = arith.constant 0 : i32
      %dma_wait3A_22 = tpu.memref_slice %arg4[%add3A_4, %dma_wait3A_21] : memref<4096x1024xf32, #tpu.memory_space<hbm>> -> memref<64x1024xf32, #tpu.memory_space<hbm>>
      %dma_wait3A_23 = arith.constant 0 : i32
      %dma_wait3A_24 = tpu.memref_slice %arg4[%add3A_4, %dma_wait3A_23] : memref<4096x1024xf32, #tpu.memory_space<hbm>> -> memref<64x1024xf32, #tpu.memory_space<hbm>>
      tpu.wait_dma2 semaphore(%run_scoped3A : memref<!tpu.dma_semaphore, #tpu.memory_space<semaphore_mem>>) src(%arg6 : memref<64x1024xf32, #tpu.memory_space<vmem>>) dst(%dma_wait3A_24 : memref<64x1024xf32, #tpu.memory_space<hbm>>)
      tpu.yield
    }) : () -> ()
    %add3A_9 = arith.constant 64 : i32
    %add3A_10 = arith.addi %mul3A_2, %add3A_9 : i32
    "tpu.region"() ({
      %run_scoped3A = tpu.sem_alloc : memref<!tpu.dma_semaphore, #tpu.memory_space<semaphore_mem>>
      %dma_start3A_17 = tpu.memref_slice %arg3[%add3A_10] : memref<4096xi32, #tpu.memory_space<hbm>> -> memref<64xi32, #tpu.memory_space<hbm>>
      %dma_start3A_18 = tpu.memref_slice %arg3[%add3A_10] : memref<4096xi32, #tpu.memory_space<hbm>> -> memref<64xi32, #tpu.memory_space<hbm>>
      tpu.enqueue_dma source(%dma_start3A_18 : memref<64xi32, #tpu.memory_space<hbm>>) target(%arg5 : memref<64xi32, #tpu.memory_space<vmem>>) target_semaphore(%run_scoped3A : memref<!tpu.dma_semaphore, #tpu.memory_space<semaphore_mem>>)
      %dma_wait3A_19 = tpu.memref_slice %arg3[%add3A_10] : memref<4096xi32, #tpu.memory_space<hbm>> -> memref<64xi32, #tpu.memory_space<hbm>>
      %dma_wait3A_20 = tpu.memref_slice %arg3[%add3A_10] : memref<4096xi32, #tpu.memory_space<hbm>> -> memref<64xi32, #tpu.memory_space<hbm>>
      tpu.wait_dma2 semaphore(%run_scoped3A : memref<!tpu.dma_semaphore, #tpu.memory_space<semaphore_mem>>) src(%dma_wait3A_20 : memref<64xi32, #tpu.memory_space<hbm>>) dst(%arg5 : memref<64xi32, #tpu.memory_space<vmem>>)
      tpu.yield
    }) : () -> ()
    %dma_start3A_11 = arith.constant 0 : i32
    %dma_start3A_12 = arith.constant 0 : i32
    %dma_start3A_13 = tpu.memref_slice %arg2[%dma_start3A_11, %dma_start3A_12] : memref<6144x1024xf32, #tpu.memory_space<hbm>> -> memref<6144x1024xf32, #tpu.memory_space<hbm>>
    tpu.enqueue_indirect_dma source(%dma_start3A_13 : memref<6144x1024xf32, #tpu.memory_space<hbm>>) target(%arg6 : memref<64x1024xf32, #tpu.memory_space<vmem>>) offsets(%arg5 : memref<64xi32, #tpu.memory_space<vmem>>) semaphore(%arg7 : memref<!tpu.dma_semaphore, #tpu.memory_space<semaphore_mem>>)
    %dma_wait3A_14 = arith.constant 0 : i32
    %dma_wait3A_15 = arith.constant 0 : i32
    %dma_wait3A_16 = tpu.memref_slice %arg2[%dma_wait3A_14, %dma_wait3A_15] : memref<6144x1024xf32, #tpu.memory_space<hbm>> -> memref<6144x1024xf32, #tpu.memory_space<hbm>>
    tpu.wait_indirect_dma semaphore(%arg7 : memref<!tpu.dma_semaphore, #tpu.memory_space<semaphore_mem>>) src(%dma_wait3A_16 : memref<6144x1024xf32, #tpu.memory_space<hbm>>) dst(%arg6 : memref<64x1024xf32, #tpu.memory_space<vmem>>)
    "tpu.region"() ({
      %run_scoped3A = tpu.sem_alloc : memref<!tpu.dma_semaphore, #tpu.memory_space<semaphore_mem>>
      %dma_start3A_17 = arith.constant 0 : i32
      %dma_start3A_18 = tpu.memref_slice %arg4[%add3A_10, %dma_start3A_17] : memref<4096x1024xf32, #tpu.memory_space<hbm>> -> memref<64x1024xf32, #tpu.memory_space<hbm>>
      %dma_start3A_19 = arith.constant 0 : i32
      %dma_start3A_20 = tpu.memref_slice %arg4[%add3A_10, %dma_start3A_19] : memref<4096x1024xf32, #tpu.memory_space<hbm>> -> memref<64x1024xf32, #tpu.memory_space<hbm>>
      tpu.enqueue_dma source(%arg6 : memref<64x1024xf32, #tpu.memory_space<vmem>>) target(%dma_start3A_20 : memref<64x1024xf32, #tpu.memory_space<hbm>>) target_semaphore(%run_scoped3A : memref<!tpu.dma_semaphore, #tpu.memory_space<semaphore_mem>>)
      %dma_wait3A_21 = arith.constant 0 : i32
      %dma_wait3A_22 = tpu.memref_slice %arg4[%add3A_10, %dma_wait3A_21] : memref<4096x1024xf32, #tpu.memory_space<hbm>> -> memref<64x1024xf32, #tpu.memory_space<hbm>>
      %dma_wait3A_23 = arith.constant 0 : i32
      %dma_wait3A_24 = tpu.memref_slice %arg4[%add3A_10, %dma_wait3A_23] : memref<4096x1024xf32, #tpu.memory_space<hbm>> -> memref<64x1024xf32, #tpu.memory_space<hbm>>
      tpu.wait_dma2 semaphore(%run_scoped3A : memref<!tpu.dma_semaphore, #tpu.memory_space<semaphore_mem>>) src(%arg6 : memref<64x1024xf32, #tpu.memory_space<vmem>>) dst(%dma_wait3A_24 : memref<64x1024xf32, #tpu.memory_space<hbm>>)
      tpu.yield
    }) : () -> ()
    return
  }
}

#map = affine_map<(d0, d1) -> (0, 0)>
#map1 = affine_map<(d0, d1) -> (0)>
module attributes {stable_mosaic.version = 14 : i64} {
  func.func @_scatter_h2_body(%arg0: i32, %arg1: i32, %arg2: memref<2048x1024xf32, #tpu.memory_space<hbm>>, %arg3: memref<4096xi32, #tpu.memory_space<hbm>>, %arg4: memref<6144x1024xf32, #tpu.memory_space<hbm>>, %arg5: memref<64xi32, #tpu.memory_space<vmem>>, %arg6: memref<64x1024xf32, #tpu.memory_space<vmem>>, %arg7: memref<!tpu.dma_semaphore, #tpu.memory_space<semaphore_mem>>) attributes {dimension_semantics = [#tpu.dimension_semantics<core_parallel>, #tpu.dimension_semantics<subcore_parallel>], iteration_bounds = array<i64: 2, 16>, scalar_prefetch = 0 : i64, scratch_operands = 3 : i64, tpu.core_type = #tpu.core_type<sc_vector_subcore>, window_params = [{transform_indices = #map}, {transform_indices = #map1}, {transform_indices = #map}]} {
    %mul3A = arith.constant 2 : i32
    %mul3A_0 = arith.muli %arg1, %mul3A : i32
    %add3A = arith.addi %mul3A_0, %arg0 : i32
    %mul3A_1 = arith.constant 128 : i32
    %mul3A_2 = arith.muli %add3A, %mul3A_1 : i32
    %jit3A = arith.constant 16 : i32
    %div3A = arith.divsi %add3A, %jit3A : i32
    %sign3A = arith.constant 0 : i32
    %sign3A_3 = arith.cmpi sgt, %add3A, %sign3A : i32
    %sign3A_4 = arith.extui %sign3A_3 : i1 to i32
    %sign3A_5 = arith.constant 0 : i32
    %sign3A_6 = arith.cmpi slt, %add3A, %sign3A_5 : i32
    %sign3A_7 = arith.extui %sign3A_6 : i1 to i32
    %sign3A_8 = arith.subi %sign3A_4, %sign3A_7 : i32
    %sign3A_9 = arith.constant 0 : i32
    %sign3A_10 = arith.cmpi sgt, %jit3A, %sign3A_9 : i32
    %sign3A_11 = arith.extui %sign3A_10 : i1 to i32
    %sign3A_12 = arith.constant 0 : i32
    %sign3A_13 = arith.cmpi slt, %jit3A, %sign3A_12 : i32
    %sign3A_14 = arith.extui %sign3A_13 : i1 to i32
    %sign3A_15 = arith.subi %sign3A_11, %sign3A_14 : i32
    %ne3A = arith.cmpi ne, %sign3A_8, %sign3A_15 : i32
    %rem3A = arith.remsi %add3A, %jit3A : i32
    %ne3A_16 = arith.constant 0 : i32
    %ne3A_17 = arith.cmpi ne, %rem3A, %ne3A_16 : i32
    %and3A = arith.andi %ne3A, %ne3A_17 : i1
    %sub3A = arith.constant 1 : i32
    %sub3A_18 = arith.subi %div3A, %sub3A : i32
    %select_n3A = arith.select %and3A, %sub3A_18, %div3A : i32
    %mul3A_19 = arith.constant 2048 : i32
    %mul3A_20 = arith.muli %mul3A_19, %select_n3A : i32
    %sub3A_21 = arith.subi %mul3A_2, %mul3A_20 : i32
    %add3A_22 = arith.constant 0 : i32
    %add3A_23 = arith.addi %mul3A_2, %add3A_22 : i32
    "tpu.region"() ({
      %run_scoped3A = tpu.sem_alloc : memref<!tpu.dma_semaphore, #tpu.memory_space<semaphore_mem>>
      %dma_start3A_41 = tpu.memref_slice %arg3[%add3A_23] : memref<4096xi32, #tpu.memory_space<hbm>> -> memref<64xi32, #tpu.memory_space<hbm>>
      %dma_start3A_42 = tpu.memref_slice %arg3[%add3A_23] : memref<4096xi32, #tpu.memory_space<hbm>> -> memref<64xi32, #tpu.memory_space<hbm>>
      tpu.enqueue_dma source(%dma_start3A_42 : memref<64xi32, #tpu.memory_space<hbm>>) target(%arg5 : memref<64xi32, #tpu.memory_space<vmem>>) target_semaphore(%run_scoped3A : memref<!tpu.dma_semaphore, #tpu.memory_space<semaphore_mem>>)
      %dma_wait3A_43 = tpu.memref_slice %arg3[%add3A_23] : memref<4096xi32, #tpu.memory_space<hbm>> -> memref<64xi32, #tpu.memory_space<hbm>>
      %dma_wait3A_44 = tpu.memref_slice %arg3[%add3A_23] : memref<4096xi32, #tpu.memory_space<hbm>> -> memref<64xi32, #tpu.memory_space<hbm>>
      tpu.wait_dma2 semaphore(%run_scoped3A : memref<!tpu.dma_semaphore, #tpu.memory_space<semaphore_mem>>) src(%dma_wait3A_44 : memref<64xi32, #tpu.memory_space<hbm>>) dst(%arg5 : memref<64xi32, #tpu.memory_space<vmem>>)
      tpu.yield
    }) : () -> ()
    %add3A_24 = arith.constant 0 : i32
    %add3A_25 = arith.addi %sub3A_21, %add3A_24 : i32
    %multiple_of3A = tpu.assume_multiple %add3A_25, 64 : i32
    "tpu.region"() ({
      %run_scoped3A = tpu.sem_alloc : memref<!tpu.dma_semaphore, #tpu.memory_space<semaphore_mem>>
      %dma_start3A_41 = arith.constant 0 : i32
      %dma_start3A_42 = tpu.memref_slice %arg2[%multiple_of3A, %dma_start3A_41] : memref<2048x1024xf32, #tpu.memory_space<hbm>> -> memref<64x1024xf32, #tpu.memory_space<hbm>>
      %dma_start3A_43 = arith.constant 0 : i32
      %dma_start3A_44 = tpu.memref_slice %arg2[%multiple_of3A, %dma_start3A_43] : memref<2048x1024xf32, #tpu.memory_space<hbm>> -> memref<64x1024xf32, #tpu.memory_space<hbm>>
      tpu.enqueue_dma source(%dma_start3A_44 : memref<64x1024xf32, #tpu.memory_space<hbm>>) target(%arg6 : memref<64x1024xf32, #tpu.memory_space<vmem>>) target_semaphore(%run_scoped3A : memref<!tpu.dma_semaphore, #tpu.memory_space<semaphore_mem>>)
      %dma_wait3A_45 = arith.constant 0 : i32
      %dma_wait3A_46 = tpu.memref_slice %arg2[%multiple_of3A, %dma_wait3A_45] : memref<2048x1024xf32, #tpu.memory_space<hbm>> -> memref<64x1024xf32, #tpu.memory_space<hbm>>
      %dma_wait3A_47 = arith.constant 0 : i32
      %dma_wait3A_48 = tpu.memref_slice %arg2[%multiple_of3A, %dma_wait3A_47] : memref<2048x1024xf32, #tpu.memory_space<hbm>> -> memref<64x1024xf32, #tpu.memory_space<hbm>>
      tpu.wait_dma2 semaphore(%run_scoped3A : memref<!tpu.dma_semaphore, #tpu.memory_space<semaphore_mem>>) src(%dma_wait3A_48 : memref<64x1024xf32, #tpu.memory_space<hbm>>) dst(%arg6 : memref<64x1024xf32, #tpu.memory_space<vmem>>)
      tpu.yield
    }) : () -> ()
    %dma_start3A = arith.constant 0 : i32
    %dma_start3A_26 = arith.constant 0 : i32
    %dma_start3A_27 = tpu.memref_slice %arg4[%dma_start3A, %dma_start3A_26] : memref<6144x1024xf32, #tpu.memory_space<hbm>> -> memref<6144x1024xf32, #tpu.memory_space<hbm>>
    tpu.enqueue_indirect_dma source(%arg6 : memref<64x1024xf32, #tpu.memory_space<vmem>>) target(%dma_start3A_27 : memref<6144x1024xf32, #tpu.memory_space<hbm>>) offsets(%arg5 : memref<64xi32, #tpu.memory_space<vmem>>) semaphore(%arg7 : memref<!tpu.dma_semaphore, #tpu.memory_space<semaphore_mem>>)
    %dma_wait3A = arith.constant 0 : i32
    %dma_wait3A_28 = arith.constant 0 : i32
    %dma_wait3A_29 = tpu.memref_slice %arg4[%dma_wait3A, %dma_wait3A_28] : memref<6144x1024xf32, #tpu.memory_space<hbm>> -> memref<6144x1024xf32, #tpu.memory_space<hbm>>
    tpu.wait_indirect_dma semaphore(%arg7 : memref<!tpu.dma_semaphore, #tpu.memory_space<semaphore_mem>>) src(%arg6 : memref<64x1024xf32, #tpu.memory_space<vmem>>) dst(%dma_wait3A_29 : memref<6144x1024xf32, #tpu.memory_space<hbm>>)
    %add3A_30 = arith.constant 64 : i32
    %add3A_31 = arith.addi %mul3A_2, %add3A_30 : i32
    "tpu.region"() ({
      %run_scoped3A = tpu.sem_alloc : memref<!tpu.dma_semaphore, #tpu.memory_space<semaphore_mem>>
      %dma_start3A_41 = tpu.memref_slice %arg3[%add3A_31] : memref<4096xi32, #tpu.memory_space<hbm>> -> memref<64xi32, #tpu.memory_space<hbm>>
      %dma_start3A_42 = tpu.memref_slice %arg3[%add3A_31] : memref<4096xi32, #tpu.memory_space<hbm>> -> memref<64xi32, #tpu.memory_space<hbm>>
      tpu.enqueue_dma source(%dma_start3A_42 : memref<64xi32, #tpu.memory_space<hbm>>) target(%arg5 : memref<64xi32, #tpu.memory_space<vmem>>) target_semaphore(%run_scoped3A : memref<!tpu.dma_semaphore, #tpu.memory_space<semaphore_mem>>)
      %dma_wait3A_43 = tpu.memref_slice %arg3[%add3A_31] : memref<4096xi32, #tpu.memory_space<hbm>> -> memref<64xi32, #tpu.memory_space<hbm>>
      %dma_wait3A_44 = tpu.memref_slice %arg3[%add3A_31] : memref<4096xi32, #tpu.memory_space<hbm>> -> memref<64xi32, #tpu.memory_space<hbm>>
      tpu.wait_dma2 semaphore(%run_scoped3A : memref<!tpu.dma_semaphore, #tpu.memory_space<semaphore_mem>>) src(%dma_wait3A_44 : memref<64xi32, #tpu.memory_space<hbm>>) dst(%arg5 : memref<64xi32, #tpu.memory_space<vmem>>)
      tpu.yield
    }) : () -> ()
    %add3A_32 = arith.constant 64 : i32
    %add3A_33 = arith.addi %sub3A_21, %add3A_32 : i32
    %multiple_of3A_34 = tpu.assume_multiple %add3A_33, 64 : i32
    "tpu.region"() ({
      %run_scoped3A = tpu.sem_alloc : memref<!tpu.dma_semaphore, #tpu.memory_space<semaphore_mem>>
      %dma_start3A_41 = arith.constant 0 : i32
      %dma_start3A_42 = tpu.memref_slice %arg2[%multiple_of3A_34, %dma_start3A_41] : memref<2048x1024xf32, #tpu.memory_space<hbm>> -> memref<64x1024xf32, #tpu.memory_space<hbm>>
      %dma_start3A_43 = arith.constant 0 : i32
      %dma_start3A_44 = tpu.memref_slice %arg2[%multiple_of3A_34, %dma_start3A_43] : memref<2048x1024xf32, #tpu.memory_space<hbm>> -> memref<64x1024xf32, #tpu.memory_space<hbm>>
      tpu.enqueue_dma source(%dma_start3A_44 : memref<64x1024xf32, #tpu.memory_space<hbm>>) target(%arg6 : memref<64x1024xf32, #tpu.memory_space<vmem>>) target_semaphore(%run_scoped3A : memref<!tpu.dma_semaphore, #tpu.memory_space<semaphore_mem>>)
      %dma_wait3A_45 = arith.constant 0 : i32
      %dma_wait3A_46 = tpu.memref_slice %arg2[%multiple_of3A_34, %dma_wait3A_45] : memref<2048x1024xf32, #tpu.memory_space<hbm>> -> memref<64x1024xf32, #tpu.memory_space<hbm>>
      %dma_wait3A_47 = arith.constant 0 : i32
      %dma_wait3A_48 = tpu.memref_slice %arg2[%multiple_of3A_34, %dma_wait3A_47] : memref<2048x1024xf32, #tpu.memory_space<hbm>> -> memref<64x1024xf32, #tpu.memory_space<hbm>>
      tpu.wait_dma2 semaphore(%run_scoped3A : memref<!tpu.dma_semaphore, #tpu.memory_space<semaphore_mem>>) src(%dma_wait3A_48 : memref<64x1024xf32, #tpu.memory_space<hbm>>) dst(%arg6 : memref<64x1024xf32, #tpu.memory_space<vmem>>)
      tpu.yield
    }) : () -> ()
    %dma_start3A_35 = arith.constant 0 : i32
    %dma_start3A_36 = arith.constant 0 : i32
    %dma_start3A_37 = tpu.memref_slice %arg4[%dma_start3A_35, %dma_start3A_36] : memref<6144x1024xf32, #tpu.memory_space<hbm>> -> memref<6144x1024xf32, #tpu.memory_space<hbm>>
    tpu.enqueue_indirect_dma source(%arg6 : memref<64x1024xf32, #tpu.memory_space<vmem>>) target(%dma_start3A_37 : memref<6144x1024xf32, #tpu.memory_space<hbm>>) offsets(%arg5 : memref<64xi32, #tpu.memory_space<vmem>>) semaphore(%arg7 : memref<!tpu.dma_semaphore, #tpu.memory_space<semaphore_mem>>)
    %dma_wait3A_38 = arith.constant 0 : i32
    %dma_wait3A_39 = arith.constant 0 : i32
    %dma_wait3A_40 = tpu.memref_slice %arg4[%dma_wait3A_38, %dma_wait3A_39] : memref<6144x1024xf32, #tpu.memory_space<hbm>> -> memref<6144x1024xf32, #tpu.memory_space<hbm>>
    tpu.wait_indirect_dma semaphore(%arg7 : memref<!tpu.dma_semaphore, #tpu.memory_space<semaphore_mem>>) src(%arg6 : memref<64x1024xf32, #tpu.memory_space<vmem>>) dst(%dma_wait3A_40 : memref<6144x1024xf32, #tpu.memory_space<hbm>>)
    return
  }
}

module attributes {stable_mosaic.version = 14 : i64} {
  func.func @_qkv_body(%arg0: i32, %arg1: memref<256x1024xf32, #tpu.memory_space<vmem>>, %arg2: memref<256x32xf32, #tpu.memory_space<vmem>>, %arg3: memref<256x32xf32, #tpu.memory_space<vmem>>, %arg4: memref<1024xf32, #tpu.memory_space<vmem>>, %arg5: memref<1024xf32, #tpu.memory_space<vmem>>, %arg6: memref<1024x1024xbf16, #tpu.memory_space<vmem>>, %arg7: memref<1024xf32, #tpu.memory_space<vmem>>, %arg8: memref<1024x512xbf16, #tpu.memory_space<vmem>>, %arg9: memref<512xf32, #tpu.memory_space<vmem>>, %arg10: memref<1024x512xbf16, #tpu.memory_space<vmem>>, %arg11: memref<512xf32, #tpu.memory_space<vmem>>, %arg12: memref<256x1024xbf16, #tpu.memory_space<vmem>>, %arg13: memref<256x512xbf16, #tpu.memory_space<vmem>>, %arg14: memref<256x512xbf16, #tpu.memory_space<vmem>>) attributes {dimension_semantics = [#tpu.dimension_semantics<arbitrary>], iteration_bounds = array<i64: 8>, scalar_prefetch = 0 : i64, scratch_operands = 0 : i64, tpu.core_type = #tpu.core_type<tc>, window_params = [{transform_indices = @transform_0, window_bounds = array<i64: 256, 1024>}, {transform_indices = @transform_1, window_bounds = array<i64: 256, 32>}, {transform_indices = @transform_2, window_bounds = array<i64: 256, 32>}, {pipeline_mode = #tpu.pipeline_mode<synchronous>, transform_indices = @transform_3, window_bounds = array<i64: 1024>}, {pipeline_mode = #tpu.pipeline_mode<synchronous>, transform_indices = @transform_4, window_bounds = array<i64: 1024>}, {pipeline_mode = #tpu.pipeline_mode<synchronous>, transform_indices = @transform_5, window_bounds = array<i64: 1024, 1024>}, {pipeline_mode = #tpu.pipeline_mode<synchronous>, transform_indices = @transform_6, window_bounds = array<i64: 1024>}, {pipeline_mode = #tpu.pipeline_mode<synchronous>, transform_indices = @transform_7, window_bounds = array<i64: 1024, 512>}, {pipeline_mode = #tpu.pipeline_mode<synchronous>, transform_indices = @transform_8, window_bounds = array<i64: 512>}, {pipeline_mode = #tpu.pipeline_mode<synchronous>, transform_indices = @transform_9, window_bounds = array<i64: 1024, 512>}, {pipeline_mode = #tpu.pipeline_mode<synchronous>, transform_indices = @transform_10, window_bounds = array<i64: 512>}, {transform_indices = @transform_11, window_bounds = array<i64: 256, 1024>}, {transform_indices = @transform_12, window_bounds = array<i64: 256, 512>}, {transform_indices = @transform_13, window_bounds = array<i64: 256, 512>}]} {
    %get3A = arith.constant 0 : index
    %get3A_0 = arith.constant 0 : index
    %get3A_1 = vector.load %arg1[%get3A, %get3A_0] : memref<256x1024xf32, #tpu.memory_space<vmem>>, vector<256x1024xf32>
    %get3A_2 = arith.constant 0 : index
    %get3A_3 = vector.load %arg4[%get3A_2] : memref<1024xf32, #tpu.memory_space<vmem>>, vector<1024xf32>
    %get3A_4 = arith.constant 0 : index
    %get3A_5 = vector.load %arg5[%get3A_4] : memref<1024xf32, #tpu.memory_space<vmem>>, vector<1024xf32>
    %reduce_sum3A = arith.constant dense<0.000000e+00> : vector<256xf32>
    %reduce_sum3A_6 = vector.multi_reduction <add>, %get3A_1, %reduce_sum3A [1] : vector<256x1024xf32> to vector<256xf32>
    %broadcast_in_dim3A = vector.shape_cast %reduce_sum3A_6 : vector<256xf32> to vector<256x1xf32>
    %div3A = arith.constant 1.024000e+03 : f32
    %div3A_7 = vector.broadcast %div3A : f32 to vector<256x1xf32>
    %div3A_8 = arith.divf %broadcast_in_dim3A, %div3A_7 : vector<256x1xf32>
    %sub3A = vector.broadcast %div3A_8 : vector<256x1xf32> to vector<256x1024xf32>
    %sub3A_9 = arith.subf %get3A_1, %sub3A : vector<256x1024xf32>
    %mul3A = arith.mulf %sub3A_9, %sub3A_9 : vector<256x1024xf32>
    %reduce_sum3A_10 = arith.constant dense<0.000000e+00> : vector<256xf32>
    %reduce_sum3A_11 = vector.multi_reduction <add>, %mul3A, %reduce_sum3A_10 [1] : vector<256x1024xf32> to vector<256xf32>
    %broadcast_in_dim3A_12 = vector.shape_cast %reduce_sum3A_11 : vector<256xf32> to vector<256x1xf32>
    %div3A_13 = arith.constant 1.024000e+03 : f32
    %div3A_14 = vector.broadcast %div3A_13 : f32 to vector<256x1xf32>
    %div3A_15 = arith.divf %broadcast_in_dim3A_12, %div3A_14 : vector<256x1xf32>
    %add3A = arith.constant 9.99999974E-6 : f32
    %add3A_16 = vector.broadcast %add3A : f32 to vector<256x1xf32>
    %add3A_17 = arith.addf %div3A_15, %add3A_16 : vector<256x1xf32>
    %rsqrt3A = math.rsqrt %add3A_17 : vector<256x1xf32>
    %mul3A_18 = vector.broadcast %rsqrt3A : vector<256x1xf32> to vector<256x1024xf32>
    %mul3A_19 = arith.mulf %sub3A_9, %mul3A_18 : vector<256x1024xf32>
    %broadcast_in_dim3A_20 = vector.shape_cast %get3A_3 : vector<1024xf32> to vector<1x1024xf32>
    %mul3A_21 = vector.broadcast %broadcast_in_dim3A_20 : vector<1x1024xf32> to vector<256x1024xf32>
    %mul3A_22 = arith.mulf %mul3A_19, %mul3A_21 : vector<256x1024xf32>
    %broadcast_in_dim3A_23 = vector.shape_cast %get3A_5 : vector<1024xf32> to vector<1x1024xf32>
    %add3A_24 = vector.broadcast %broadcast_in_dim3A_23 : vector<1x1024xf32> to vector<256x1024xf32>
    %add3A_25 = arith.addf %mul3A_22, %add3A_24 : vector<256x1024xf32>
    %convert_element_type3A = arith.truncf %add3A_25 : vector<256x1024xf32> to vector<256x1024xbf16>
    %get3A_26 = arith.constant 0 : index
    %get3A_27 = arith.constant 0 : index
    %get3A_28 = vector.load %arg6[%get3A_26, %get3A_27] : memref<1024x1024xbf16, #tpu.memory_space<vmem>>, vector<1024x1024xbf16>
    %dot_general3A = arith.constant dense<0.000000e+00> : vector<256x1024xf32>
    %dot_general3A_29 = tpu.matmul %convert_element_type3A, %get3A_28, %dot_general3A {dimension_numbers = #tpu.dot_dimension_numbers<[1], [0], [0], [1], [0, 0, 1, 1], [], []>, transpose_lhs_hint = false} : vector<256x1024xbf16>, vector<1024x1024xbf16>, vector<256x1024xf32> -> vector<256x1024xf32>
    %get3A_30 = arith.constant 0 : index
    %get3A_31 = vector.load %arg7[%get3A_30] : memref<1024xf32, #tpu.memory_space<vmem>>, vector<1024xf32>
    %broadcast_in_dim3A_32 = vector.shape_cast %get3A_31 : vector<1024xf32> to vector<1x1024xf32>
    %add3A_33 = vector.broadcast %broadcast_in_dim3A_32 : vector<1x1024xf32> to vector<256x1024xf32>
    %add3A_34 = arith.addf %dot_general3A_29, %add3A_33 : vector<256x1024xf32>
    %get3A_35 = arith.constant 0 : index
    %get3A_36 = arith.constant 0 : index
    %get3A_37 = vector.load %arg8[%get3A_35, %get3A_36] : memref<1024x512xbf16, #tpu.memory_space<vmem>>, vector<1024x512xbf16>
    %dot_general3A_38 = arith.constant dense<0.000000e+00> : vector<256x512xf32>
    %dot_general3A_39 = tpu.matmul %convert_element_type3A, %get3A_37, %dot_general3A_38 {dimension_numbers = #tpu.dot_dimension_numbers<[1], [0], [0], [1], [0, 0, 1, 1], [], []>, transpose_lhs_hint = false} : vector<256x1024xbf16>, vector<1024x512xbf16>, vector<256x512xf32> -> vector<256x512xf32>
    %get3A_40 = arith.constant 0 : index
    %get3A_41 = vector.load %arg9[%get3A_40] : memref<512xf32, #tpu.memory_space<vmem>>, vector<512xf32>
    %broadcast_in_dim3A_42 = vector.shape_cast %get3A_41 : vector<512xf32> to vector<1x512xf32>
    %add3A_43 = vector.broadcast %broadcast_in_dim3A_42 : vector<1x512xf32> to vector<256x512xf32>
    %add3A_44 = arith.addf %dot_general3A_39, %add3A_43 : vector<256x512xf32>
    %get3A_45 = arith.constant 0 : index
    %get3A_46 = arith.constant 0 : index
    %get3A_47 = vector.load %arg10[%get3A_45, %get3A_46] : memref<1024x512xbf16, #tpu.memory_space<vmem>>, vector<1024x512xbf16>
    %dot_general3A_48 = arith.constant dense<0.000000e+00> : vector<256x512xf32>
    %dot_general3A_49 = tpu.matmul %convert_element_type3A, %get3A_47, %dot_general3A_48 {dimension_numbers = #tpu.dot_dimension_numbers<[1], [0], [0], [1], [0, 0, 1, 1], [], []>, transpose_lhs_hint = false} : vector<256x1024xbf16>, vector<1024x512xbf16>, vector<256x512xf32> -> vector<256x512xf32>
    %get3A_50 = arith.constant 0 : index
    %get3A_51 = vector.load %arg11[%get3A_50] : memref<512xf32, #tpu.memory_space<vmem>>, vector<512xf32>
    %broadcast_in_dim3A_52 = vector.shape_cast %get3A_51 : vector<512xf32> to vector<1x512xf32>
    %add3A_53 = vector.broadcast %broadcast_in_dim3A_52 : vector<1x512xf32> to vector<256x512xf32>
    %add3A_54 = arith.addf %dot_general3A_49, %add3A_53 : vector<256x512xf32>
    %get3A_55 = arith.constant 0 : index
    %get3A_56 = arith.constant 0 : index
    %get3A_57 = vector.load %arg2[%get3A_55, %get3A_56] : memref<256x32xf32, #tpu.memory_space<vmem>>, vector<256x32xf32>
    %get3A_58 = arith.constant 0 : index
    %get3A_59 = arith.constant 0 : index
    %get3A_60 = vector.load %arg3[%get3A_58, %get3A_59] : memref<256x32xf32, #tpu.memory_space<vmem>>, vector<256x32xf32>
    %concatenate3A = tpu.concatenate %get3A_57, %get3A_57, %get3A_57, %get3A_57, %get3A_57, %get3A_57, %get3A_57, %get3A_57, %get3A_57, %get3A_57, %get3A_57, %get3A_57, %get3A_57, %get3A_57, %get3A_57, %get3A_57 in 1 : vector<256x32xf32>, vector<256x32xf32>, vector<256x32xf32>, vector<256x32xf32>, vector<256x32xf32>, vector<256x32xf32>, vector<256x32xf32>, vector<256x32xf32>, vector<256x32xf32>, vector<256x32xf32>, vector<256x32xf32>, vector<256x32xf32>, vector<256x32xf32>, vector<256x32xf32>, vector<256x32xf32>, vector<256x32xf32> -> vector<256x512xf32>
    %concatenate3A_61 = tpu.concatenate %get3A_60, %get3A_60, %get3A_60, %get3A_60, %get3A_60, %get3A_60, %get3A_60, %get3A_60, %get3A_60, %get3A_60, %get3A_60, %get3A_60, %get3A_60, %get3A_60, %get3A_60, %get3A_60 in 1 : vector<256x32xf32>, vector<256x32xf32>, vector<256x32xf32>, vector<256x32xf32>, vector<256x32xf32>, vector<256x32xf32>, vector<256x32xf32>, vector<256x32xf32>, vector<256x32xf32>, vector<256x32xf32>, vector<256x32xf32>, vector<256x32xf32>, vector<256x32xf32>, vector<256x32xf32>, vector<256x32xf32>, vector<256x32xf32> -> vector<256x512xf32>
    %concatenate3A_62 = tpu.concatenate %get3A_57, %get3A_57, %get3A_57, %get3A_57, %get3A_57, %get3A_57, %get3A_57, %get3A_57 in 1 : vector<256x32xf32>, vector<256x32xf32>, vector<256x32xf32>, vector<256x32xf32>, vector<256x32xf32>, vector<256x32xf32>, vector<256x32xf32>, vector<256x32xf32> -> vector<256x256xf32>
    %concatenate3A_63 = tpu.concatenate %get3A_60, %get3A_60, %get3A_60, %get3A_60, %get3A_60, %get3A_60, %get3A_60, %get3A_60 in 1 : vector<256x32xf32>, vector<256x32xf32>, vector<256x32xf32>, vector<256x32xf32>, vector<256x32xf32>, vector<256x32xf32>, vector<256x32xf32>, vector<256x32xf32> -> vector<256x256xf32>
    %slice3A = vector.extract_strided_slice %add3A_34 {offsets = [0, 0], sizes = [256, 512], strides = [1, 1]} : vector<256x1024xf32> to vector<256x512xf32>
    %slice3A_64 = vector.extract_strided_slice %add3A_34 {offsets = [0, 512], sizes = [256, 512], strides = [1, 1]} : vector<256x1024xf32> to vector<256x512xf32>
    %slice3A_65 = vector.extract_strided_slice %add3A_44 {offsets = [0, 0], sizes = [256, 256], strides = [1, 1]} : vector<256x512xf32> to vector<256x256xf32>
    %slice3A_66 = vector.extract_strided_slice %add3A_44 {offsets = [0, 256], sizes = [256, 256], strides = [1, 1]} : vector<256x512xf32> to vector<256x256xf32>
    %mul3A_67 = arith.mulf %slice3A, %concatenate3A : vector<256x512xf32>
    %mul3A_68 = arith.mulf %slice3A_64, %concatenate3A_61 : vector<256x512xf32>
    %sub3A_69 = arith.subf %mul3A_67, %mul3A_68 : vector<256x512xf32>
    %mul3A_70 = arith.mulf %slice3A_64, %concatenate3A : vector<256x512xf32>
    %mul3A_71 = arith.mulf %slice3A, %concatenate3A_61 : vector<256x512xf32>
    %add3A_72 = arith.addf %mul3A_70, %mul3A_71 : vector<256x512xf32>
    %concatenate3A_73 = tpu.concatenate %sub3A_69, %add3A_72 in 1 : vector<256x512xf32>, vector<256x512xf32> -> vector<256x1024xf32>
    %convert_element_type3A_74 = arith.truncf %concatenate3A_73 : vector<256x1024xf32> to vector<256x1024xbf16>
    %swap3A = arith.constant 0 : index
    %swap3A_75 = arith.constant 0 : index
    %swap3A_76 = vector.load %arg12[%swap3A, %swap3A_75] : memref<256x1024xbf16, #tpu.memory_space<vmem>>, vector<256x1024xbf16>
    tpu.vector_store %arg12[%swap3A, %swap3A_75], %convert_element_type3A_74 {strides = array<i32>} : memref<256x1024xbf16, #tpu.memory_space<vmem>>, vector<256x1024xbf16>,
    %mul3A_77 = arith.mulf %slice3A_65, %concatenate3A_62 : vector<256x256xf32>
    %mul3A_78 = arith.mulf %slice3A_66, %concatenate3A_63 : vector<256x256xf32>
    %sub3A_79 = arith.subf %mul3A_77, %mul3A_78 : vector<256x256xf32>
    %mul3A_80 = arith.mulf %slice3A_66, %concatenate3A_62 : vector<256x256xf32>
    %mul3A_81 = arith.mulf %slice3A_65, %concatenate3A_63 : vector<256x256xf32>
    %add3A_82 = arith.addf %mul3A_80, %mul3A_81 : vector<256x256xf32>
    %concatenate3A_83 = tpu.concatenate %sub3A_79, %add3A_82 in 1 : vector<256x256xf32>, vector<256x256xf32> -> vector<256x512xf32>
    %convert_element_type3A_84 = arith.truncf %concatenate3A_83 : vector<256x512xf32> to vector<256x512xbf16>
    %swap3A_85 = arith.constant 0 : index
    %swap3A_86 = arith.constant 0 : index
    %swap3A_87 = vector.load %arg13[%swap3A_85, %swap3A_86] : memref<256x512xbf16, #tpu.memory_space<vmem>>, vector<256x512xbf16>
    tpu.vector_store %arg13[%swap3A_85, %swap3A_86], %convert_element_type3A_84 {strides = array<i32>} : memref<256x512xbf16, #tpu.memory_space<vmem>>, vector<256x512xbf16>,
    %convert_element_type3A_88 = arith.truncf %add3A_54 : vector<256x512xf32> to vector<256x512xbf16>
    %swap3A_89 = arith.constant 0 : index
    %swap3A_90 = arith.constant 0 : index
    %swap3A_91 = vector.load %arg14[%swap3A_89, %swap3A_90] : memref<256x512xbf16, #tpu.memory_space<vmem>>, vector<256x512xbf16>
    tpu.vector_store %arg14[%swap3A_89, %swap3A_90], %convert_element_type3A_88 {strides = array<i32>} : memref<256x512xbf16, #tpu.memory_space<vmem>>, vector<256x512xbf16>,
    return
  }
  func.func @transform_0(%arg0: i32) -> (i32, i32) {
    %c0_i32 = arith.constant 0 : i32
    %c0_i32_0 = arith.constant 0 : i32
    return %arg0, %c0_i32 : i32, i32
  }
  func.func @transform_1(%arg0: i32) -> (i32, i32) {
    %c0_i32 = arith.constant 0 : i32
    %c0_i32_0 = arith.constant 0 : i32
    return %arg0, %c0_i32 : i32, i32
  }
  func.func @transform_2(%arg0: i32) -> (i32, i32) {
    %c0_i32 = arith.constant 0 : i32
    %c0_i32_0 = arith.constant 0 : i32
    return %arg0, %c0_i32 : i32, i32
  }
  func.func @transform_3(%arg0: i32) -> i32 {
    %c0_i32 = arith.constant 0 : i32
    %c0_i32_0 = arith.constant 0 : i32
    return %c0_i32 : i32
  }
  func.func @transform_4(%arg0: i32) -> i32 {
    %c0_i32 = arith.constant 0 : i32
    %c0_i32_0 = arith.constant 0 : i32
    return %c0_i32 : i32
  }
  func.func @transform_5(%arg0: i32) -> (i32, i32) {
    %c0_i32 = arith.constant 0 : i32
    %c0_i32_0 = arith.constant 0 : i32
    %c0_i32_1 = arith.constant 0 : i32
    return %c0_i32, %c0_i32_0 : i32, i32
  }
  func.func @transform_6(%arg0: i32) -> i32 {
    %c0_i32 = arith.constant 0 : i32
    %c0_i32_0 = arith.constant 0 : i32
    return %c0_i32 : i32
  }
  func.func @transform_7(%arg0: i32) -> (i32, i32) {
    %c0_i32 = arith.constant 0 : i32
    %c0_i32_0 = arith.constant 0 : i32
    %c0_i32_1 = arith.constant 0 : i32
    return %c0_i32, %c0_i32_0 : i32, i32
  }
  func.func @transform_8(%arg0: i32) -> i32 {
    %c0_i32 = arith.constant 0 : i32
    %c0_i32_0 = arith.constant 0 : i32
    return %c0_i32 : i32
  }
  func.func @transform_9(%arg0: i32) -> (i32, i32) {
    %c0_i32 = arith.constant 0 : i32
    %c0_i32_0 = arith.constant 0 : i32
    %c0_i32_1 = arith.constant 0 : i32
    return %c0_i32, %c0_i32_0 : i32, i32
  }
  func.func @transform_10(%arg0: i32) -> i32 {
    %c0_i32 = arith.constant 0 : i32
    %c0_i32_0 = arith.constant 0 : i32
    return %c0_i32 : i32
  }
  func.func @transform_11(%arg0: i32) -> (i32, i32) {
    %c0_i32 = arith.constant 0 : i32
    %c0_i32_0 = arith.constant 0 : i32
    return %arg0, %c0_i32 : i32, i32
  }
  func.func @transform_12(%arg0: i32) -> (i32, i32) {
    %c0_i32 = arith.constant 0 : i32
    %c0_i32_0 = arith.constant 0 : i32
    return %arg0, %c0_i32 : i32, i32
  }
  func.func @transform_13(%arg0: i32) -> (i32, i32) {
    %c0_i32 = arith.constant 0 : i32
    %c0_i32_0 = arith.constant 0 : i32
    return %arg0, %c0_i32 : i32, i32
  }
}

module attributes {stable_mosaic.version = 14 : i64} {
  func.func @_attn_body(%arg0: i32, %arg1: memref<256x1024xbf16, #tpu.memory_space<vmem>>, %arg2: memref<2048x512xbf16, #tpu.memory_space<vmem>>, %arg3: memref<2048x512xbf16, #tpu.memory_space<vmem>>, %arg4: memref<256x1024xbf16, #tpu.memory_space<vmem>>) attributes {dimension_semantics = [#tpu.dimension_semantics<arbitrary>], iteration_bounds = array<i64: 8>, scalar_prefetch = 0 : i64, scratch_operands = 0 : i64, tpu.core_type = #tpu.core_type<tc>, window_params = [{transform_indices = @transform_0, window_bounds = array<i64: 256, 1024>}, {pipeline_mode = #tpu.pipeline_mode<synchronous>, transform_indices = @transform_1, window_bounds = array<i64: 2048, 512>}, {pipeline_mode = #tpu.pipeline_mode<synchronous>, transform_indices = @transform_2, window_bounds = array<i64: 2048, 512>}, {transform_indices = @transform_3, window_bounds = array<i64: 256, 1024>}]} {
    %get3A = arith.constant 0 : index
    %get3A_0 = arith.constant 0 : index
    %get3A_1 = vector.load %arg1[%get3A, %get3A_0] : memref<256x1024xbf16, #tpu.memory_space<vmem>>, vector<256x1024xbf16>
    %get3A_2 = arith.constant 0 : index
    %get3A_3 = arith.constant 0 : index
    %get3A_4 = vector.load %arg2[%get3A_2, %get3A_3] : memref<2048x512xbf16, #tpu.memory_space<vmem>>, vector<2048x512xbf16>
    %get3A_5 = arith.constant 0 : index
    %get3A_6 = arith.constant 0 : index
    %get3A_7 = vector.load %arg3[%get3A_5, %get3A_6] : memref<2048x512xbf16, #tpu.memory_space<vmem>>, vector<2048x512xbf16>
    %mul3A = arith.constant 256 : i32
    %mul3A_8 = arith.muli %arg0, %mul3A : i32
    %iota3A = tpu.iota {dimensions = array<i32: 0>} : vector<256x2048xi32>
    %add3A = vector.broadcast %mul3A_8 : i32 to vector<256x2048xi32>
    %add3A_9 = arith.addi %add3A, %iota3A : vector<256x2048xi32>
    %iota3A_10 = tpu.iota {dimensions = array<i32: 1>} : vector<256x2048xi32>
    %le3A = arith.cmpi sle, %iota3A_10, %add3A_9 : vector<256x2048xi32>
    %slice3A = vector.extract_strided_slice %get3A_1 {offsets = [0, 0], sizes = [256, 32], strides = [1, 1]} : vector<256x1024xbf16> to vector<256x32xbf16>
    %slice3A_11 = vector.extract_strided_slice %get3A_1 {offsets = [0, 512], sizes = [256, 32], strides = [1, 1]} : vector<256x1024xbf16> to vector<256x32xbf16>
    %slice3A_12 = vector.extract_strided_slice %get3A_4 {offsets = [0, 0], sizes = [2048, 32], strides = [1, 1]} : vector<2048x512xbf16> to vector<2048x32xbf16>
    %slice3A_13 = vector.extract_strided_slice %get3A_4 {offsets = [0, 256], sizes = [2048, 32], strides = [1, 1]} : vector<2048x512xbf16> to vector<2048x32xbf16>
    %dot_general3A = arith.constant dense<0.000000e+00> : vector<256x2048xf32>
    %dot_general3A_14 = tpu.matmul %slice3A, %slice3A_12, %dot_general3A {dimension_numbers = #tpu.dot_dimension_numbers<[1], [1], [0], [0], [0, 0, 1, 0], [], []>, transpose_lhs_hint = false} : vector<256x32xbf16>, vector<2048x32xbf16>, vector<256x2048xf32> -> vector<256x2048xf32>
    %dot_general3A_15 = arith.constant dense<0.000000e+00> : vector<256x2048xf32>
    %dot_general3A_16 = tpu.matmul %slice3A_11, %slice3A_13, %dot_general3A_15 {dimension_numbers = #tpu.dot_dimension_numbers<[1], [1], [0], [0], [0, 0, 1, 0], [], []>, transpose_lhs_hint = false} : vector<256x32xbf16>, vector<2048x32xbf16>, vector<256x2048xf32> -> vector<256x2048xf32>
    %add3A_17 = arith.addf %dot_general3A_14, %dot_general3A_16 : vector<256x2048xf32>
    %mul3A_18 = arith.constant 1.250000e-01 : f32
    %mul3A_19 = vector.broadcast %mul3A_18 : f32 to vector<256x2048xf32>
    %mul3A_20 = arith.mulf %add3A_17, %mul3A_19 : vector<256x2048xf32>
    %jit3A = arith.constant -1.000000e+30 : f32
    %broadcast_in_dim3A = vector.broadcast %jit3A : f32 to vector<256x2048xf32>
    %select_n3A = arith.select %le3A, %mul3A_20, %broadcast_in_dim3A : vector<256x2048xi1>, vector<256x2048xf32>
    %reduce_max3A = arith.constant dense<0xFF800000> : vector<256xf32>
    %reduce_max3A_21 = vector.multi_reduction <maximumf>, %select_n3A, %reduce_max3A [1] : vector<256x2048xf32> to vector<256xf32>
    %broadcast_in_dim3A_22 = vector.shape_cast %reduce_max3A_21 : vector<256xf32> to vector<256x1xf32>
    %sub3A = vector.broadcast %broadcast_in_dim3A_22 : vector<256x1xf32> to vector<256x2048xf32>
    %sub3A_23 = arith.subf %select_n3A, %sub3A : vector<256x2048xf32>
    %exp3A = math.exp %sub3A_23 : vector<256x2048xf32>
    %reduce_sum3A = arith.constant dense<0.000000e+00> : vector<256xf32>
    %reduce_sum3A_24 = vector.multi_reduction <add>, %exp3A, %reduce_sum3A [1] : vector<256x2048xf32> to vector<256xf32>
    %broadcast_in_dim3A_25 = vector.shape_cast %reduce_sum3A_24 : vector<256xf32> to vector<256x1xf32>
    %slice3A_26 = vector.extract_strided_slice %get3A_7 {offsets = [0, 0], sizes = [2048, 64], strides = [1, 1]} : vector<2048x512xbf16> to vector<2048x64xbf16>
    %convert_element_type3A = arith.truncf %exp3A : vector<256x2048xf32> to vector<256x2048xbf16>
    %dot_general3A_27 = arith.constant dense<0.000000e+00> : vector<256x64xf32>
    %dot_general3A_28 = tpu.matmul %convert_element_type3A, %slice3A_26, %dot_general3A_27 {dimension_numbers = #tpu.dot_dimension_numbers<[1], [0], [0], [1], [0, 0, 1, 1], [], []>, transpose_lhs_hint = false} : vector<256x2048xbf16>, vector<2048x64xbf16>, vector<256x64xf32> -> vector<256x64xf32>
    %div3A = vector.broadcast %broadcast_in_dim3A_25 : vector<256x1xf32> to vector<256x64xf32>
    %div3A_29 = arith.divf %dot_general3A_28, %div3A : vector<256x64xf32>
    %convert_element_type3A_30 = arith.truncf %div3A_29 : vector<256x64xf32> to vector<256x64xbf16>
    %swap3A = arith.constant 0 : index
    %swap3A_31 = arith.constant 0 : index
    %swap3A_32 = vector.load %arg4[%swap3A, %swap3A_31] : memref<256x1024xbf16, #tpu.memory_space<vmem>>, vector<256x64xbf16>
    tpu.vector_store %arg4[%swap3A, %swap3A_31], %convert_element_type3A_30 {strides = array<i32>} : memref<256x1024xbf16, #tpu.memory_space<vmem>>, vector<256x64xbf16>,
    %slice3A_33 = vector.extract_strided_slice %get3A_1 {offsets = [0, 32], sizes = [256, 32], strides = [1, 1]} : vector<256x1024xbf16> to vector<256x32xbf16>
    %slice3A_34 = vector.extract_strided_slice %get3A_1 {offsets = [0, 544], sizes = [256, 32], strides = [1, 1]} : vector<256x1024xbf16> to vector<256x32xbf16>
    %slice3A_35 = vector.extract_strided_slice %get3A_4 {offsets = [0, 0], sizes = [2048, 32], strides = [1, 1]} : vector<2048x512xbf16> to vector<2048x32xbf16>
    %slice3A_36 = vector.extract_strided_slice %get3A_4 {offsets = [0, 256], sizes = [2048, 32], strides = [1, 1]} : vector<2048x512xbf16> to vector<2048x32xbf16>
    %dot_general3A_37 = arith.constant dense<0.000000e+00> : vector<256x2048xf32>
    %dot_general3A_38 = tpu.matmul %slice3A_33, %slice3A_35, %dot_general3A_37 {dimension_numbers = #tpu.dot_dimension_numbers<[1], [1], [0], [0], [0, 0, 1, 0], [], []>, transpose_lhs_hint = false} : vector<256x32xbf16>, vector<2048x32xbf16>, vector<256x2048xf32> -> vector<256x2048xf32>
    %dot_general3A_39 = arith.constant dense<0.000000e+00> : vector<256x2048xf32>
    %dot_general3A_40 = tpu.matmul %slice3A_34, %slice3A_36, %dot_general3A_39 {dimension_numbers = #tpu.dot_dimension_numbers<[1], [1], [0], [0], [0, 0, 1, 0], [], []>, transpose_lhs_hint = false} : vector<256x32xbf16>, vector<2048x32xbf16>, vector<256x2048xf32> -> vector<256x2048xf32>
    %add3A_41 = arith.addf %dot_general3A_38, %dot_general3A_40 : vector<256x2048xf32>
    %mul3A_42 = arith.constant 1.250000e-01 : f32
    %mul3A_43 = vector.broadcast %mul3A_42 : f32 to vector<256x2048xf32>
    %mul3A_44 = arith.mulf %add3A_41, %mul3A_43 : vector<256x2048xf32>
    %jit3A_45 = arith.constant -1.000000e+30 : f32
    %broadcast_in_dim3A_46 = vector.broadcast %jit3A_45 : f32 to vector<256x2048xf32>
    %select_n3A_47 = arith.select %le3A, %mul3A_44, %broadcast_in_dim3A_46 : vector<256x2048xi1>, vector<256x2048xf32>
    %reduce_max3A_48 = arith.constant dense<0xFF800000> : vector<256xf32>
    %reduce_max3A_49 = vector.multi_reduction <maximumf>, %select_n3A_47, %reduce_max3A_48 [1] : vector<256x2048xf32> to vector<256xf32>
    %broadcast_in_dim3A_50 = vector.shape_cast %reduce_max3A_49 : vector<256xf32> to vector<256x1xf32>
    %sub3A_51 = vector.broadcast %broadcast_in_dim3A_50 : vector<256x1xf32> to vector<256x2048xf32>
    %sub3A_52 = arith.subf %select_n3A_47, %sub3A_51 : vector<256x2048xf32>
    %exp3A_53 = math.exp %sub3A_52 : vector<256x2048xf32>
    %reduce_sum3A_54 = arith.constant dense<0.000000e+00> : vector<256xf32>
    %reduce_sum3A_55 = vector.multi_reduction <add>, %exp3A_53, %reduce_sum3A_54 [1] : vector<256x2048xf32> to vector<256xf32>
    %broadcast_in_dim3A_56 = vector.shape_cast %reduce_sum3A_55 : vector<256xf32> to vector<256x1xf32>
    %slice3A_57 = vector.extract_strided_slice %get3A_7 {offsets = [0, 0], sizes = [2048, 64], strides = [1, 1]} : vector<2048x512xbf16> to vector<2048x64xbf16>
    %convert_element_type3A_58 = arith.truncf %exp3A_53 : vector<256x2048xf32> to vector<256x2048xbf16>
    %dot_general3A_59 = arith.constant dense<0.000000e+00> : vector<256x64xf32>
    %dot_general3A_60 = tpu.matmul %convert_element_type3A_58, %slice3A_57, %dot_general3A_59 {dimension_numbers = #tpu.dot_dimension_numbers<[1], [0], [0], [1], [0, 0, 1, 1], [], []>, transpose_lhs_hint = false} : vector<256x2048xbf16>, vector<2048x64xbf16>, vector<256x64xf32> -> vector<256x64xf32>
    %div3A_61 = vector.broadcast %broadcast_in_dim3A_56 : vector<256x1xf32> to vector<256x64xf32>
    %div3A_62 = arith.divf %dot_general3A_60, %div3A_61 : vector<256x64xf32>
    %convert_element_type3A_63 = arith.truncf %div3A_62 : vector<256x64xf32> to vector<256x64xbf16>
    %swap3A_64 = arith.constant 0 : index
    %swap3A_65 = arith.constant 64 : index
    %swap3A_66 = vector.load %arg4[%swap3A_64, %swap3A_65] : memref<256x1024xbf16, #tpu.memory_space<vmem>>, vector<256x64xbf16>
    tpu.vector_store %arg4[%swap3A_64, %swap3A_65], %convert_element_type3A_63 {strides = array<i32>} : memref<256x1024xbf16, #tpu.memory_space<vmem>>, vector<256x64xbf16>,
    %slice3A_67 = vector.extract_strided_slice %get3A_1 {offsets = [0, 64], sizes = [256, 32], strides = [1, 1]} : vector<256x1024xbf16> to vector<256x32xbf16>
    %slice3A_68 = vector.extract_strided_slice %get3A_1 {offsets = [0, 576], sizes = [256, 32], strides = [1, 1]} : vector<256x1024xbf16> to vector<256x32xbf16>
    %slice3A_69 = vector.extract_strided_slice %get3A_4 {offsets = [0, 32], sizes = [2048, 32], strides = [1, 1]} : vector<2048x512xbf16> to vector<2048x32xbf16>
    %slice3A_70 = vector.extract_strided_slice %get3A_4 {offsets = [0, 288], sizes = [2048, 32], strides = [1, 1]} : vector<2048x512xbf16> to vector<2048x32xbf16>
    %dot_general3A_71 = arith.constant dense<0.000000e+00> : vector<256x2048xf32>
    %dot_general3A_72 = tpu.matmul %slice3A_67, %slice3A_69, %dot_general3A_71 {dimension_numbers = #tpu.dot_dimension_numbers<[1], [1], [0], [0], [0, 0, 1, 0], [], []>, transpose_lhs_hint = false} : vector<256x32xbf16>, vector<2048x32xbf16>, vector<256x2048xf32> -> vector<256x2048xf32>
    %dot_general3A_73 = arith.constant dense<0.000000e+00> : vector<256x2048xf32>
    %dot_general3A_74 = tpu.matmul %slice3A_68, %slice3A_70, %dot_general3A_73 {dimension_numbers = #tpu.dot_dimension_numbers<[1], [1], [0], [0], [0, 0, 1, 0], [], []>, transpose_lhs_hint = false} : vector<256x32xbf16>, vector<2048x32xbf16>, vector<256x2048xf32> -> vector<256x2048xf32>
    %add3A_75 = arith.addf %dot_general3A_72, %dot_general3A_74 : vector<256x2048xf32>
    %mul3A_76 = arith.constant 1.250000e-01 : f32
    %mul3A_77 = vector.broadcast %mul3A_76 : f32 to vector<256x2048xf32>
    %mul3A_78 = arith.mulf %add3A_75, %mul3A_77 : vector<256x2048xf32>
    %jit3A_79 = arith.constant -1.000000e+30 : f32
    %broadcast_in_dim3A_80 = vector.broadcast %jit3A_79 : f32 to vector<256x2048xf32>
    %select_n3A_81 = arith.select %le3A, %mul3A_78, %broadcast_in_dim3A_80 : vector<256x2048xi1>, vector<256x2048xf32>
    %reduce_max3A_82 = arith.constant dense<0xFF800000> : vector<256xf32>
    %reduce_max3A_83 = vector.multi_reduction <maximumf>, %select_n3A_81, %reduce_max3A_82 [1] : vector<256x2048xf32> to vector<256xf32>
    %broadcast_in_dim3A_84 = vector.shape_cast %reduce_max3A_83 : vector<256xf32> to vector<256x1xf32>
    %sub3A_85 = vector.broadcast %broadcast_in_dim3A_84 : vector<256x1xf32> to vector<256x2048xf32>
    %sub3A_86 = arith.subf %select_n3A_81, %sub3A_85 : vector<256x2048xf32>
    %exp3A_87 = math.exp %sub3A_86 : vector<256x2048xf32>
    %reduce_sum3A_88 = arith.constant dense<0.000000e+00> : vector<256xf32>
    %reduce_sum3A_89 = vector.multi_reduction <add>, %exp3A_87, %reduce_sum3A_88 [1] : vector<256x2048xf32> to vector<256xf32>
    %broadcast_in_dim3A_90 = vector.shape_cast %reduce_sum3A_89 : vector<256xf32> to vector<256x1xf32>
    %slice3A_91 = vector.extract_strided_slice %get3A_7 {offsets = [0, 64], sizes = [2048, 64], strides = [1, 1]} : vector<2048x512xbf16> to vector<2048x64xbf16>
    %convert_element_type3A_92 = arith.truncf %exp3A_87 : vector<256x2048xf32> to vector<256x2048xbf16>
    %dot_general3A_93 = arith.constant dense<0.000000e+00> : vector<256x64xf32>
    %dot_general3A_94 = tpu.matmul %convert_element_type3A_92, %slice3A_91, %dot_general3A_93 {dimension_numbers = #tpu.dot_dimension_numbers<[1], [0], [0], [1], [0, 0, 1, 1], [], []>, transpose_lhs_hint = false} : vector<256x2048xbf16>, vector<2048x64xbf16>, vector<256x64xf32> -> vector<256x64xf32>
    %div3A_95 = vector.broadcast %broadcast_in_dim3A_90 : vector<256x1xf32> to vector<256x64xf32>
    %div3A_96 = arith.divf %dot_general3A_94, %div3A_95 : vector<256x64xf32>
    %convert_element_type3A_97 = arith.truncf %div3A_96 : vector<256x64xf32> to vector<256x64xbf16>
    %swap3A_98 = arith.constant 0 : index
    %swap3A_99 = arith.constant 128 : index
    %swap3A_100 = vector.load %arg4[%swap3A_98, %swap3A_99] : memref<256x1024xbf16, #tpu.memory_space<vmem>>, vector<256x64xbf16>
    tpu.vector_store %arg4[%swap3A_98, %swap3A_99], %convert_element_type3A_97 {strides = array<i32>} : memref<256x1024xbf16, #tpu.memory_space<vmem>>, vector<256x64xbf16>,
    %slice3A_101 = vector.extract_strided_slice %get3A_1 {offsets = [0, 96], sizes = [256, 32], strides = [1, 1]} : vector<256x1024xbf16> to vector<256x32xbf16>
    %slice3A_102 = vector.extract_strided_slice %get3A_1 {offsets = [0, 608], sizes = [256, 32], strides = [1, 1]} : vector<256x1024xbf16> to vector<256x32xbf16>
    %slice3A_103 = vector.extract_strided_slice %get3A_4 {offsets = [0, 32], sizes = [2048, 32], strides = [1, 1]} : vector<2048x512xbf16> to vector<2048x32xbf16>
    %slice3A_104 = vector.extract_strided_slice %get3A_4 {offsets = [0, 288], sizes = [2048, 32], strides = [1, 1]} : vector<2048x512xbf16> to vector<2048x32xbf16>
    %dot_general3A_105 = arith.constant dense<0.000000e+00> : vector<256x2048xf32>
    %dot_general3A_106 = tpu.matmul %slice3A_101, %slice3A_103, %dot_general3A_105 {dimension_numbers = #tpu.dot_dimension_numbers<[1], [1], [0], [0], [0, 0, 1, 0], [], []>, transpose_lhs_hint = false} : vector<256x32xbf16>, vector<2048x32xbf16>, vector<256x2048xf32> -> vector<256x2048xf32>
    %dot_general3A_107 = arith.constant dense<0.000000e+00> : vector<256x2048xf32>
    %dot_general3A_108 = tpu.matmul %slice3A_102, %slice3A_104, %dot_general3A_107 {dimension_numbers = #tpu.dot_dimension_numbers<[1], [1], [0], [0], [0, 0, 1, 0], [], []>, transpose_lhs_hint = false} : vector<256x32xbf16>, vector<2048x32xbf16>, vector<256x2048xf32> -> vector<256x2048xf32>
    %add3A_109 = arith.addf %dot_general3A_106, %dot_general3A_108 : vector<256x2048xf32>
    %mul3A_110 = arith.constant 1.250000e-01 : f32
    %mul3A_111 = vector.broadcast %mul3A_110 : f32 to vector<256x2048xf32>
    %mul3A_112 = arith.mulf %add3A_109, %mul3A_111 : vector<256x2048xf32>
    %jit3A_113 = arith.constant -1.000000e+30 : f32
    %broadcast_in_dim3A_114 = vector.broadcast %jit3A_113 : f32 to vector<256x2048xf32>
    %select_n3A_115 = arith.select %le3A, %mul3A_112, %broadcast_in_dim3A_114 : vector<256x2048xi1>, vector<256x2048xf32>
    %reduce_max3A_116 = arith.constant dense<0xFF800000> : vector<256xf32>
    %reduce_max3A_117 = vector.multi_reduction <maximumf>, %select_n3A_115, %reduce_max3A_116 [1] : vector<256x2048xf32> to vector<256xf32>
    %broadcast_in_dim3A_118 = vector.shape_cast %reduce_max3A_117 : vector<256xf32> to vector<256x1xf32>
    %sub3A_119 = vector.broadcast %broadcast_in_dim3A_118 : vector<256x1xf32> to vector<256x2048xf32>
    %sub3A_120 = arith.subf %select_n3A_115, %sub3A_119 : vector<256x2048xf32>
    %exp3A_121 = math.exp %sub3A_120 : vector<256x2048xf32>
    %reduce_sum3A_122 = arith.constant dense<0.000000e+00> : vector<256xf32>
    %reduce_sum3A_123 = vector.multi_reduction <add>, %exp3A_121, %reduce_sum3A_122 [1] : vector<256x2048xf32> to vector<256xf32>
    %broadcast_in_dim3A_124 = vector.shape_cast %reduce_sum3A_123 : vector<256xf32> to vector<256x1xf32>
    %slice3A_125 = vector.extract_strided_slice %get3A_7 {offsets = [0, 64], sizes = [2048, 64], strides = [1, 1]} : vector<2048x512xbf16> to vector<2048x64xbf16>
    %convert_element_type3A_126 = arith.truncf %exp3A_121 : vector<256x2048xf32> to vector<256x2048xbf16>
    %dot_general3A_127 = arith.constant dense<0.000000e+00> : vector<256x64xf32>
    %dot_general3A_128 = tpu.matmul %convert_element_type3A_126, %slice3A_125, %dot_general3A_127 {dimension_numbers = #tpu.dot_dimension_numbers<[1], [0], [0], [1], [0, 0, 1, 1], [], []>, transpose_lhs_hint = false} : vector<256x2048xbf16>, vector<2048x64xbf16>, vector<256x64xf32> -> vector<256x64xf32>
    %div3A_129 = vector.broadcast %broadcast_in_dim3A_124 : vector<256x1xf32> to vector<256x64xf32>
    %div3A_130 = arith.divf %dot_general3A_128, %div3A_129 : vector<256x64xf32>
    %convert_element_type3A_131 = arith.truncf %div3A_130 : vector<256x64xf32> to vector<256x64xbf16>
    %swap3A_132 = arith.constant 0 : index
    %swap3A_133 = arith.constant 192 : index
    %swap3A_134 = vector.load %arg4[%swap3A_132, %swap3A_133] : memref<256x1024xbf16, #tpu.memory_space<vmem>>, vector<256x64xbf16>
    tpu.vector_store %arg4[%swap3A_132, %swap3A_133], %convert_element_type3A_131 {strides = array<i32>} : memref<256x1024xbf16, #tpu.memory_space<vmem>>, vector<256x64xbf16>,
    %slice3A_135 = vector.extract_strided_slice %get3A_1 {offsets = [0, 128], sizes = [256, 32], strides = [1, 1]} : vector<256x1024xbf16> to vector<256x32xbf16>
    %slice3A_136 = vector.extract_strided_slice %get3A_1 {offsets = [0, 640], sizes = [256, 32], strides = [1, 1]} : vector<256x1024xbf16> to vector<256x32xbf16>
    %slice3A_137 = vector.extract_strided_slice %get3A_4 {offsets = [0, 64], sizes = [2048, 32], strides = [1, 1]} : vector<2048x512xbf16> to vector<2048x32xbf16>
    %slice3A_138 = vector.extract_strided_slice %get3A_4 {offsets = [0, 320], sizes = [2048, 32], strides = [1, 1]} : vector<2048x512xbf16> to vector<2048x32xbf16>
    %dot_general3A_139 = arith.constant dense<0.000000e+00> : vector<256x2048xf32>
    %dot_general3A_140 = tpu.matmul %slice3A_135, %slice3A_137, %dot_general3A_139 {dimension_numbers = #tpu.dot_dimension_numbers<[1], [1], [0], [0], [0, 0, 1, 0], [], []>, transpose_lhs_hint = false} : vector<256x32xbf16>, vector<2048x32xbf16>, vector<256x2048xf32> -> vector<256x2048xf32>
    %dot_general3A_141 = arith.constant dense<0.000000e+00> : vector<256x2048xf32>
    %dot_general3A_142 = tpu.matmul %slice3A_136, %slice3A_138, %dot_general3A_141 {dimension_numbers = #tpu.dot_dimension_numbers<[1], [1], [0], [0], [0, 0, 1, 0], [], []>, transpose_lhs_hint = false} : vector<256x32xbf16>, vector<2048x32xbf16>, vector<256x2048xf32> -> vector<256x2048xf32>
    %add3A_143 = arith.addf %dot_general3A_140, %dot_general3A_142 : vector<256x2048xf32>
    %mul3A_144 = arith.constant 1.250000e-01 : f32
    %mul3A_145 = vector.broadcast %mul3A_144 : f32 to vector<256x2048xf32>
    %mul3A_146 = arith.mulf %add3A_143, %mul3A_145 : vector<256x2048xf32>
    %jit3A_147 = arith.constant -1.000000e+30 : f32
    %broadcast_in_dim3A_148 = vector.broadcast %jit3A_147 : f32 to vector<256x2048xf32>
    %select_n3A_149 = arith.select %le3A, %mul3A_146, %broadcast_in_dim3A_148 : vector<256x2048xi1>, vector<256x2048xf32>
    %reduce_max3A_150 = arith.constant dense<0xFF800000> : vector<256xf32>
    %reduce_max3A_151 = vector.multi_reduction <maximumf>, %select_n3A_149, %reduce_max3A_150 [1] : vector<256x2048xf32> to vector<256xf32>
    %broadcast_in_dim3A_152 = vector.shape_cast %reduce_max3A_151 : vector<256xf32> to vector<256x1xf32>
    %sub3A_153 = vector.broadcast %broadcast_in_dim3A_152 : vector<256x1xf32> to vector<256x2048xf32>
    %sub3A_154 = arith.subf %select_n3A_149, %sub3A_153 : vector<256x2048xf32>
    %exp3A_155 = math.exp %sub3A_154 : vector<256x2048xf32>
    %reduce_sum3A_156 = arith.constant dense<0.000000e+00> : vector<256xf32>
    %reduce_sum3A_157 = vector.multi_reduction <add>, %exp3A_155, %reduce_sum3A_156 [1] : vector<256x2048xf32> to vector<256xf32>
    %broadcast_in_dim3A_158 = vector.shape_cast %reduce_sum3A_157 : vector<256xf32> to vector<256x1xf32>
    %slice3A_159 = vector.extract_strided_slice %get3A_7 {offsets = [0, 128], sizes = [2048, 64], strides = [1, 1]} : vector<2048x512xbf16> to vector<2048x64xbf16>
    %convert_element_type3A_160 = arith.truncf %exp3A_155 : vector<256x2048xf32> to vector<256x2048xbf16>
    %dot_general3A_161 = arith.constant dense<0.000000e+00> : vector<256x64xf32>
    %dot_general3A_162 = tpu.matmul %convert_element_type3A_160, %slice3A_159, %dot_general3A_161 {dimension_numbers = #tpu.dot_dimension_numbers<[1], [0], [0], [1], [0, 0, 1, 1], [], []>, transpose_lhs_hint = false} : vector<256x2048xbf16>, vector<2048x64xbf16>, vector<256x64xf32> -> vector<256x64xf32>
    %div3A_163 = vector.broadcast %broadcast_in_dim3A_158 : vector<256x1xf32> to vector<256x64xf32>
    %div3A_164 = arith.divf %dot_general3A_162, %div3A_163 : vector<256x64xf32>
    %convert_element_type3A_165 = arith.truncf %div3A_164 : vector<256x64xf32> to vector<256x64xbf16>
    %swap3A_166 = arith.constant 0 : index
    %swap3A_167 = arith.constant 256 : index
    %swap3A_168 = vector.load %arg4[%swap3A_166, %swap3A_167] : memref<256x1024xbf16, #tpu.memory_space<vmem>>, vector<256x64xbf16>
    tpu.vector_store %arg4[%swap3A_166, %swap3A_167], %convert_element_type3A_165 {strides = array<i32>} : memref<256x1024xbf16, #tpu.memory_space<vmem>>, vector<256x64xbf16>,
    %slice3A_169 = vector.extract_strided_slice %get3A_1 {offsets = [0, 160], sizes = [256, 32], strides = [1, 1]} : vector<256x1024xbf16> to vector<256x32xbf16>
    %slice3A_170 = vector.extract_strided_slice %get3A_1 {offsets = [0, 672], sizes = [256, 32], strides = [1, 1]} : vector<256x1024xbf16> to vector<256x32xbf16>
    %slice3A_171 = vector.extract_strided_slice %get3A_4 {offsets = [0, 64], sizes = [2048, 32], strides = [1, 1]} : vector<2048x512xbf16> to vector<2048x32xbf16>
    %slice3A_172 = vector.extract_strided_slice %get3A_4 {offsets = [0, 320], sizes = [2048, 32], strides = [1, 1]} : vector<2048x512xbf16> to vector<2048x32xbf16>
    %dot_general3A_173 = arith.constant dense<0.000000e+00> : vector<256x2048xf32>
    %dot_general3A_174 = tpu.matmul %slice3A_169, %slice3A_171, %dot_general3A_173 {dimension_numbers = #tpu.dot_dimension_numbers<[1], [1], [0], [0], [0, 0, 1, 0], [], []>, transpose_lhs_hint = false} : vector<256x32xbf16>, vector<2048x32xbf16>, vector<256x2048xf32> -> vector<256x2048xf32>
    %dot_general3A_175 = arith.constant dense<0.000000e+00> : vector<256x2048xf32>
    %dot_general3A_176 = tpu.matmul %slice3A_170, %slice3A_172, %dot_general3A_175 {dimension_numbers = #tpu.dot_dimension_numbers<[1], [1], [0], [0], [0, 0, 1, 0], [], []>, transpose_lhs_hint = false} : vector<256x32xbf16>, vector<2048x32xbf16>, vector<256x2048xf32> -> vector<256x2048xf32>
    %add3A_177 = arith.addf %dot_general3A_174, %dot_general3A_176 : vector<256x2048xf32>
    %mul3A_178 = arith.constant 1.250000e-01 : f32
    %mul3A_179 = vector.broadcast %mul3A_178 : f32 to vector<256x2048xf32>
    %mul3A_180 = arith.mulf %add3A_177, %mul3A_179 : vector<256x2048xf32>
    %jit3A_181 = arith.constant -1.000000e+30 : f32
    %broadcast_in_dim3A_182 = vector.broadcast %jit3A_181 : f32 to vector<256x2048xf32>
    %select_n3A_183 = arith.select %le3A, %mul3A_180, %broadcast_in_dim3A_182 : vector<256x2048xi1>, vector<256x2048xf32>
    %reduce_max3A_184 = arith.constant dense<0xFF800000> : vector<256xf32>
    %reduce_max3A_185 = vector.multi_reduction <maximumf>, %select_n3A_183, %reduce_max3A_184 [1] : vector<256x2048xf32> to vector<256xf32>
    %broadcast_in_dim3A_186 = vector.shape_cast %reduce_max3A_185 : vector<256xf32> to vector<256x1xf32>
    %sub3A_187 = vector.broadcast %broadcast_in_dim3A_186 : vector<256x1xf32> to vector<256x2048xf32>
    %sub3A_188 = arith.subf %select_n3A_183, %sub3A_187 : vector<256x2048xf32>
    %exp3A_189 = math.exp %sub3A_188 : vector<256x2048xf32>
    %reduce_sum3A_190 = arith.constant dense<0.000000e+00> : vector<256xf32>
    %reduce_sum3A_191 = vector.multi_reduction <add>, %exp3A_189, %reduce_sum3A_190 [1] : vector<256x2048xf32> to vector<256xf32>
    %broadcast_in_dim3A_192 = vector.shape_cast %reduce_sum3A_191 : vector<256xf32> to vector<256x1xf32>
    %slice3A_193 = vector.extract_strided_slice %get3A_7 {offsets = [0, 128], sizes = [2048, 64], strides = [1, 1]} : vector<2048x512xbf16> to vector<2048x64xbf16>
    %convert_element_type3A_194 = arith.truncf %exp3A_189 : vector<256x2048xf32> to vector<256x2048xbf16>
    %dot_general3A_195 = arith.constant dense<0.000000e+00> : vector<256x64xf32>
    %dot_general3A_196 = tpu.matmul %convert_element_type3A_194, %slice3A_193, %dot_general3A_195 {dimension_numbers = #tpu.dot_dimension_numbers<[1], [0], [0], [1], [0, 0, 1, 1], [], []>, transpose_lhs_hint = false} : vector<256x2048xbf16>, vector<2048x64xbf16>, vector<256x64xf32> -> vector<256x64xf32>
    %div3A_197 = vector.broadcast %broadcast_in_dim3A_192 : vector<256x1xf32> to vector<256x64xf32>
    %div3A_198 = arith.divf %dot_general3A_196, %div3A_197 : vector<256x64xf32>
    %convert_element_type3A_199 = arith.truncf %div3A_198 : vector<256x64xf32> to vector<256x64xbf16>
    %swap3A_200 = arith.constant 0 : index
    %swap3A_201 = arith.constant 320 : index
    %swap3A_202 = vector.load %arg4[%swap3A_200, %swap3A_201] : memref<256x1024xbf16, #tpu.memory_space<vmem>>, vector<256x64xbf16>
    tpu.vector_store %arg4[%swap3A_200, %swap3A_201], %convert_element_type3A_199 {strides = array<i32>} : memref<256x1024xbf16, #tpu.memory_space<vmem>>, vector<256x64xbf16>,
    %slice3A_203 = vector.extract_strided_slice %get3A_1 {offsets = [0, 192], sizes = [256, 32], strides = [1, 1]} : vector<256x1024xbf16> to vector<256x32xbf16>
    %slice3A_204 = vector.extract_strided_slice %get3A_1 {offsets = [0, 704], sizes = [256, 32], strides = [1, 1]} : vector<256x1024xbf16> to vector<256x32xbf16>
    %slice3A_205 = vector.extract_strided_slice %get3A_4 {offsets = [0, 96], sizes = [2048, 32], strides = [1, 1]} : vector<2048x512xbf16> to vector<2048x32xbf16>
    %slice3A_206 = vector.extract_strided_slice %get3A_4 {offsets = [0, 352], sizes = [2048, 32], strides = [1, 1]} : vector<2048x512xbf16> to vector<2048x32xbf16>
    %dot_general3A_207 = arith.constant dense<0.000000e+00> : vector<256x2048xf32>
    %dot_general3A_208 = tpu.matmul %slice3A_203, %slice3A_205, %dot_general3A_207 {dimension_numbers = #tpu.dot_dimension_numbers<[1], [1], [0], [0], [0, 0, 1, 0], [], []>, transpose_lhs_hint = false} : vector<256x32xbf16>, vector<2048x32xbf16>, vector<256x2048xf32> -> vector<256x2048xf32>
    %dot_general3A_209 = arith.constant dense<0.000000e+00> : vector<256x2048xf32>
    %dot_general3A_210 = tpu.matmul %slice3A_204, %slice3A_206, %dot_general3A_209 {dimension_numbers = #tpu.dot_dimension_numbers<[1], [1], [0], [0], [0, 0, 1, 0], [], []>, transpose_lhs_hint = false} : vector<256x32xbf16>, vector<2048x32xbf16>, vector<256x2048xf32> -> vector<256x2048xf32>
    %add3A_211 = arith.addf %dot_general3A_208, %dot_general3A_210 : vector<256x2048xf32>
    %mul3A_212 = arith.constant 1.250000e-01 : f32
    %mul3A_213 = vector.broadcast %mul3A_212 : f32 to vector<256x2048xf32>
    %mul3A_214 = arith.mulf %add3A_211, %mul3A_213 : vector<256x2048xf32>
    %jit3A_215 = arith.constant -1.000000e+30 : f32
    %broadcast_in_dim3A_216 = vector.broadcast %jit3A_215 : f32 to vector<256x2048xf32>
    %select_n3A_217 = arith.select %le3A, %mul3A_214, %broadcast_in_dim3A_216 : vector<256x2048xi1>, vector<256x2048xf32>
    %reduce_max3A_218 = arith.constant dense<0xFF800000> : vector<256xf32>
    %reduce_max3A_219 = vector.multi_reduction <maximumf>, %select_n3A_217, %reduce_max3A_218 [1] : vector<256x2048xf32> to vector<256xf32>
    %broadcast_in_dim3A_220 = vector.shape_cast %reduce_max3A_219 : vector<256xf32> to vector<256x1xf32>
    %sub3A_221 = vector.broadcast %broadcast_in_dim3A_220 : vector<256x1xf32> to vector<256x2048xf32>
    %sub3A_222 = arith.subf %select_n3A_217, %sub3A_221 : vector<256x2048xf32>
    %exp3A_223 = math.exp %sub3A_222 : vector<256x2048xf32>
    %reduce_sum3A_224 = arith.constant dense<0.000000e+00> : vector<256xf32>
    %reduce_sum3A_225 = vector.multi_reduction <add>, %exp3A_223, %reduce_sum3A_224 [1] : vector<256x2048xf32> to vector<256xf32>
    %broadcast_in_dim3A_226 = vector.shape_cast %reduce_sum3A_225 : vector<256xf32> to vector<256x1xf32>
    %slice3A_227 = vector.extract_strided_slice %get3A_7 {offsets = [0, 192], sizes = [2048, 64], strides = [1, 1]} : vector<2048x512xbf16> to vector<2048x64xbf16>
    %convert_element_type3A_228 = arith.truncf %exp3A_223 : vector<256x2048xf32> to vector<256x2048xbf16>
    %dot_general3A_229 = arith.constant dense<0.000000e+00> : vector<256x64xf32>
    %dot_general3A_230 = tpu.matmul %convert_element_type3A_228, %slice3A_227, %dot_general3A_229 {dimension_numbers = #tpu.dot_dimension_numbers<[1], [0], [0], [1], [0, 0, 1, 1], [], []>, transpose_lhs_hint = false} : vector<256x2048xbf16>, vector<2048x64xbf16>, vector<256x64xf32> -> vector<256x64xf32>
    %div3A_231 = vector.broadcast %broadcast_in_dim3A_226 : vector<256x1xf32> to vector<256x64xf32>
    %div3A_232 = arith.divf %dot_general3A_230, %div3A_231 : vector<256x64xf32>
    %convert_element_type3A_233 = arith.truncf %div3A_232 : vector<256x64xf32> to vector<256x64xbf16>
    %swap3A_234 = arith.constant 0 : index
    %swap3A_235 = arith.constant 384 : index
    %swap3A_236 = vector.load %arg4[%swap3A_234, %swap3A_235] : memref<256x1024xbf16, #tpu.memory_space<vmem>>, vector<256x64xbf16>
    tpu.vector_store %arg4[%swap3A_234, %swap3A_235], %convert_element_type3A_233 {strides = array<i32>} : memref<256x1024xbf16, #tpu.memory_space<vmem>>, vector<256x64xbf16>,
    %slice3A_237 = vector.extract_strided_slice %get3A_1 {offsets = [0, 224], sizes = [256, 32], strides = [1, 1]} : vector<256x1024xbf16> to vector<256x32xbf16>
    %slice3A_238 = vector.extract_strided_slice %get3A_1 {offsets = [0, 736], sizes = [256, 32], strides = [1, 1]} : vector<256x1024xbf16> to vector<256x32xbf16>
    %slice3A_239 = vector.extract_strided_slice %get3A_4 {offsets = [0, 96], sizes = [2048, 32], strides = [1, 1]} : vector<2048x512xbf16> to vector<2048x32xbf16>
    %slice3A_240 = vector.extract_strided_slice %get3A_4 {offsets = [0, 352], sizes = [2048, 32], strides = [1, 1]} : vector<2048x512xbf16> to vector<2048x32xbf16>
    %dot_general3A_241 = arith.constant dense<0.000000e+00> : vector<256x2048xf32>
    %dot_general3A_242 = tpu.matmul %slice3A_237, %slice3A_239, %dot_general3A_241 {dimension_numbers = #tpu.dot_dimension_numbers<[1], [1], [0], [0], [0, 0, 1, 0], [], []>, transpose_lhs_hint = false} : vector<256x32xbf16>, vector<2048x32xbf16>, vector<256x2048xf32> -> vector<256x2048xf32>
    %dot_general3A_243 = arith.constant dense<0.000000e+00> : vector<256x2048xf32>
    %dot_general3A_244 = tpu.matmul %slice3A_238, %slice3A_240, %dot_general3A_243 {dimension_numbers = #tpu.dot_dimension_numbers<[1], [1], [0], [0], [0, 0, 1, 0], [], []>, transpose_lhs_hint = false} : vector<256x32xbf16>, vector<2048x32xbf16>, vector<256x2048xf32> -> vector<256x2048xf32>
    %add3A_245 = arith.addf %dot_general3A_242, %dot_general3A_244 : vector<256x2048xf32>
    %mul3A_246 = arith.constant 1.250000e-01 : f32
    %mul3A_247 = vector.broadcast %mul3A_246 : f32 to vector<256x2048xf32>
    %mul3A_248 = arith.mulf %add3A_245, %mul3A_247 : vector<256x2048xf32>
    %jit3A_249 = arith.constant -1.000000e+30 : f32
    %broadcast_in_dim3A_250 = vector.broadcast %jit3A_249 : f32 to vector<256x2048xf32>
    %select_n3A_251 = arith.select %le3A, %mul3A_248, %broadcast_in_dim3A_250 : vector<256x2048xi1>, vector<256x2048xf32>
    %reduce_max3A_252 = arith.constant dense<0xFF800000> : vector<256xf32>
    %reduce_max3A_253 = vector.multi_reduction <maximumf>, %select_n3A_251, %reduce_max3A_252 [1] : vector<256x2048xf32> to vector<256xf32>
    %broadcast_in_dim3A_254 = vector.shape_cast %reduce_max3A_253 : vector<256xf32> to vector<256x1xf32>
    %sub3A_255 = vector.broadcast %broadcast_in_dim3A_254 : vector<256x1xf32> to vector<256x2048xf32>
    %sub3A_256 = arith.subf %select_n3A_251, %sub3A_255 : vector<256x2048xf32>
    %exp3A_257 = math.exp %sub3A_256 : vector<256x2048xf32>
    %reduce_sum3A_258 = arith.constant dense<0.000000e+00> : vector<256xf32>
    %reduce_sum3A_259 = vector.multi_reduction <add>, %exp3A_257, %reduce_sum3A_258 [1] : vector<256x2048xf32> to vector<256xf32>
    %broadcast_in_dim3A_260 = vector.shape_cast %reduce_sum3A_259 : vector<256xf32> to vector<256x1xf32>
    %slice3A_261 = vector.extract_strided_slice %get3A_7 {offsets = [0, 192], sizes = [2048, 64], strides = [1, 1]} : vector<2048x512xbf16> to vector<2048x64xbf16>
    %convert_element_type3A_262 = arith.truncf %exp3A_257 : vector<256x2048xf32> to vector<256x2048xbf16>
    %dot_general3A_263 = arith.constant dense<0.000000e+00> : vector<256x64xf32>
    %dot_general3A_264 = tpu.matmul %convert_element_type3A_262, %slice3A_261, %dot_general3A_263 {dimension_numbers = #tpu.dot_dimension_numbers<[1], [0], [0], [1], [0, 0, 1, 1], [], []>, transpose_lhs_hint = false} : vector<256x2048xbf16>, vector<2048x64xbf16>, vector<256x64xf32> -> vector<256x64xf32>
    %div3A_265 = vector.broadcast %broadcast_in_dim3A_260 : vector<256x1xf32> to vector<256x64xf32>
    %div3A_266 = arith.divf %dot_general3A_264, %div3A_265 : vector<256x64xf32>
    %convert_element_type3A_267 = arith.truncf %div3A_266 : vector<256x64xf32> to vector<256x64xbf16>
    %swap3A_268 = arith.constant 0 : index
    %swap3A_269 = arith.constant 448 : index
    %swap3A_270 = vector.load %arg4[%swap3A_268, %swap3A_269] : memref<256x1024xbf16, #tpu.memory_space<vmem>>, vector<256x64xbf16>
    tpu.vector_store %arg4[%swap3A_268, %swap3A_269], %convert_element_type3A_267 {strides = array<i32>} : memref<256x1024xbf16, #tpu.memory_space<vmem>>, vector<256x64xbf16>,
    %slice3A_271 = vector.extract_strided_slice %get3A_1 {offsets = [0, 256], sizes = [256, 32], strides = [1, 1]} : vector<256x1024xbf16> to vector<256x32xbf16>
    %slice3A_272 = vector.extract_strided_slice %get3A_1 {offsets = [0, 768], sizes = [256, 32], strides = [1, 1]} : vector<256x1024xbf16> to vector<256x32xbf16>
    %slice3A_273 = vector.extract_strided_slice %get3A_4 {offsets = [0, 128], sizes = [2048, 32], strides = [1, 1]} : vector<2048x512xbf16> to vector<2048x32xbf16>
    %slice3A_274 = vector.extract_strided_slice %get3A_4 {offsets = [0, 384], sizes = [2048, 32], strides = [1, 1]} : vector<2048x512xbf16> to vector<2048x32xbf16>
    %dot_general3A_275 = arith.constant dense<0.000000e+00> : vector<256x2048xf32>
    %dot_general3A_276 = tpu.matmul %slice3A_271, %slice3A_273, %dot_general3A_275 {dimension_numbers = #tpu.dot_dimension_numbers<[1], [1], [0], [0], [0, 0, 1, 0], [], []>, transpose_lhs_hint = false} : vector<256x32xbf16>, vector<2048x32xbf16>, vector<256x2048xf32> -> vector<256x2048xf32>
    %dot_general3A_277 = arith.constant dense<0.000000e+00> : vector<256x2048xf32>
    %dot_general3A_278 = tpu.matmul %slice3A_272, %slice3A_274, %dot_general3A_277 {dimension_numbers = #tpu.dot_dimension_numbers<[1], [1], [0], [0], [0, 0, 1, 0], [], []>, transpose_lhs_hint = false} : vector<256x32xbf16>, vector<2048x32xbf16>, vector<256x2048xf32> -> vector<256x2048xf32>
    %add3A_279 = arith.addf %dot_general3A_276, %dot_general3A_278 : vector<256x2048xf32>
    %mul3A_280 = arith.constant 1.250000e-01 : f32
    %mul3A_281 = vector.broadcast %mul3A_280 : f32 to vector<256x2048xf32>
    %mul3A_282 = arith.mulf %add3A_279, %mul3A_281 : vector<256x2048xf32>
    %jit3A_283 = arith.constant -1.000000e+30 : f32
    %broadcast_in_dim3A_284 = vector.broadcast %jit3A_283 : f32 to vector<256x2048xf32>
    %select_n3A_285 = arith.select %le3A, %mul3A_282, %broadcast_in_dim3A_284 : vector<256x2048xi1>, vector<256x2048xf32>
    %reduce_max3A_286 = arith.constant dense<0xFF800000> : vector<256xf32>
    %reduce_max3A_287 = vector.multi_reduction <maximumf>, %select_n3A_285, %reduce_max3A_286 [1] : vector<256x2048xf32> to vector<256xf32>
    %broadcast_in_dim3A_288 = vector.shape_cast %reduce_max3A_287 : vector<256xf32> to vector<256x1xf32>
    %sub3A_289 = vector.broadcast %broadcast_in_dim3A_288 : vector<256x1xf32> to vector<256x2048xf32>
    %sub3A_290 = arith.subf %select_n3A_285, %sub3A_289 : vector<256x2048xf32>
    %exp3A_291 = math.exp %sub3A_290 : vector<256x2048xf32>
    %reduce_sum3A_292 = arith.constant dense<0.000000e+00> : vector<256xf32>
    %reduce_sum3A_293 = vector.multi_reduction <add>, %exp3A_291, %reduce_sum3A_292 [1] : vector<256x2048xf32> to vector<256xf32>
    %broadcast_in_dim3A_294 = vector.shape_cast %reduce_sum3A_293 : vector<256xf32> to vector<256x1xf32>
    %slice3A_295 = vector.extract_strided_slice %get3A_7 {offsets = [0, 256], sizes = [2048, 64], strides = [1, 1]} : vector<2048x512xbf16> to vector<2048x64xbf16>
    %convert_element_type3A_296 = arith.truncf %exp3A_291 : vector<256x2048xf32> to vector<256x2048xbf16>
    %dot_general3A_297 = arith.constant dense<0.000000e+00> : vector<256x64xf32>
    %dot_general3A_298 = tpu.matmul %convert_element_type3A_296, %slice3A_295, %dot_general3A_297 {dimension_numbers = #tpu.dot_dimension_numbers<[1], [0], [0], [1], [0, 0, 1, 1], [], []>, transpose_lhs_hint = false} : vector<256x2048xbf16>, vector<2048x64xbf16>, vector<256x64xf32> -> vector<256x64xf32>
    %div3A_299 = vector.broadcast %broadcast_in_dim3A_294 : vector<256x1xf32> to vector<256x64xf32>
    %div3A_300 = arith.divf %dot_general3A_298, %div3A_299 : vector<256x64xf32>
    %convert_element_type3A_301 = arith.truncf %div3A_300 : vector<256x64xf32> to vector<256x64xbf16>
    %swap3A_302 = arith.constant 0 : index
    %swap3A_303 = arith.constant 512 : index
    %swap3A_304 = vector.load %arg4[%swap3A_302, %swap3A_303] : memref<256x1024xbf16, #tpu.memory_space<vmem>>, vector<256x64xbf16>
    tpu.vector_store %arg4[%swap3A_302, %swap3A_303], %convert_element_type3A_301 {strides = array<i32>} : memref<256x1024xbf16, #tpu.memory_space<vmem>>, vector<256x64xbf16>,
    %slice3A_305 = vector.extract_strided_slice %get3A_1 {offsets = [0, 288], sizes = [256, 32], strides = [1, 1]} : vector<256x1024xbf16> to vector<256x32xbf16>
    %slice3A_306 = vector.extract_strided_slice %get3A_1 {offsets = [0, 800], sizes = [256, 32], strides = [1, 1]} : vector<256x1024xbf16> to vector<256x32xbf16>
    %slice3A_307 = vector.extract_strided_slice %get3A_4 {offsets = [0, 128], sizes = [2048, 32], strides = [1, 1]} : vector<2048x512xbf16> to vector<2048x32xbf16>
    %slice3A_308 = vector.extract_strided_slice %get3A_4 {offsets = [0, 384], sizes = [2048, 32], strides = [1, 1]} : vector<2048x512xbf16> to vector<2048x32xbf16>
    %dot_general3A_309 = arith.constant dense<0.000000e+00> : vector<256x2048xf32>
    %dot_general3A_310 = tpu.matmul %slice3A_305, %slice3A_307, %dot_general3A_309 {dimension_numbers = #tpu.dot_dimension_numbers<[1], [1], [0], [0], [0, 0, 1, 0], [], []>, transpose_lhs_hint = false} : vector<256x32xbf16>, vector<2048x32xbf16>, vector<256x2048xf32> -> vector<256x2048xf32>
    %dot_general3A_311 = arith.constant dense<0.000000e+00> : vector<256x2048xf32>
    %dot_general3A_312 = tpu.matmul %slice3A_306, %slice3A_308, %dot_general3A_311 {dimension_numbers = #tpu.dot_dimension_numbers<[1], [1], [0], [0], [0, 0, 1, 0], [], []>, transpose_lhs_hint = false} : vector<256x32xbf16>, vector<2048x32xbf16>, vector<256x2048xf32> -> vector<256x2048xf32>
    %add3A_313 = arith.addf %dot_general3A_310, %dot_general3A_312 : vector<256x2048xf32>
    %mul3A_314 = arith.constant 1.250000e-01 : f32
    %mul3A_315 = vector.broadcast %mul3A_314 : f32 to vector<256x2048xf32>
    %mul3A_316 = arith.mulf %add3A_313, %mul3A_315 : vector<256x2048xf32>
    %jit3A_317 = arith.constant -1.000000e+30 : f32
    %broadcast_in_dim3A_318 = vector.broadcast %jit3A_317 : f32 to vector<256x2048xf32>
    %select_n3A_319 = arith.select %le3A, %mul3A_316, %broadcast_in_dim3A_318 : vector<256x2048xi1>, vector<256x2048xf32>
    %reduce_max3A_320 = arith.constant dense<0xFF800000> : vector<256xf32>
    %reduce_max3A_321 = vector.multi_reduction <maximumf>, %select_n3A_319, %reduce_max3A_320 [1] : vector<256x2048xf32> to vector<256xf32>
    %broadcast_in_dim3A_322 = vector.shape_cast %reduce_max3A_321 : vector<256xf32> to vector<256x1xf32>
    %sub3A_323 = vector.broadcast %broadcast_in_dim3A_322 : vector<256x1xf32> to vector<256x2048xf32>
    %sub3A_324 = arith.subf %select_n3A_319, %sub3A_323 : vector<256x2048xf32>
    %exp3A_325 = math.exp %sub3A_324 : vector<256x2048xf32>
    %reduce_sum3A_326 = arith.constant dense<0.000000e+00> : vector<256xf32>
    %reduce_sum3A_327 = vector.multi_reduction <add>, %exp3A_325, %reduce_sum3A_326 [1] : vector<256x2048xf32> to vector<256xf32>
    %broadcast_in_dim3A_328 = vector.shape_cast %reduce_sum3A_327 : vector<256xf32> to vector<256x1xf32>
    %slice3A_329 = vector.extract_strided_slice %get3A_7 {offsets = [0, 256], sizes = [2048, 64], strides = [1, 1]} : vector<2048x512xbf16> to vector<2048x64xbf16>
    %convert_element_type3A_330 = arith.truncf %exp3A_325 : vector<256x2048xf32> to vector<256x2048xbf16>
    %dot_general3A_331 = arith.constant dense<0.000000e+00> : vector<256x64xf32>
    %dot_general3A_332 = tpu.matmul %convert_element_type3A_330, %slice3A_329, %dot_general3A_331 {dimension_numbers = #tpu.dot_dimension_numbers<[1], [0], [0], [1], [0, 0, 1, 1], [], []>, transpose_lhs_hint = false} : vector<256x2048xbf16>, vector<2048x64xbf16>, vector<256x64xf32> -> vector<256x64xf32>
    %div3A_333 = vector.broadcast %broadcast_in_dim3A_328 : vector<256x1xf32> to vector<256x64xf32>
    %div3A_334 = arith.divf %dot_general3A_332, %div3A_333 : vector<256x64xf32>
    %convert_element_type3A_335 = arith.truncf %div3A_334 : vector<256x64xf32> to vector<256x64xbf16>
    %swap3A_336 = arith.constant 0 : index
    %swap3A_337 = arith.constant 576 : index
    %swap3A_338 = vector.load %arg4[%swap3A_336, %swap3A_337] : memref<256x1024xbf16, #tpu.memory_space<vmem>>, vector<256x64xbf16>
    tpu.vector_store %arg4[%swap3A_336, %swap3A_337], %convert_element_type3A_335 {strides = array<i32>} : memref<256x1024xbf16, #tpu.memory_space<vmem>>, vector<256x64xbf16>,
    %slice3A_339 = vector.extract_strided_slice %get3A_1 {offsets = [0, 320], sizes = [256, 32], strides = [1, 1]} : vector<256x1024xbf16> to vector<256x32xbf16>
    %slice3A_340 = vector.extract_strided_slice %get3A_1 {offsets = [0, 832], sizes = [256, 32], strides = [1, 1]} : vector<256x1024xbf16> to vector<256x32xbf16>
    %slice3A_341 = vector.extract_strided_slice %get3A_4 {offsets = [0, 160], sizes = [2048, 32], strides = [1, 1]} : vector<2048x512xbf16> to vector<2048x32xbf16>
    %slice3A_342 = vector.extract_strided_slice %get3A_4 {offsets = [0, 416], sizes = [2048, 32], strides = [1, 1]} : vector<2048x512xbf16> to vector<2048x32xbf16>
    %dot_general3A_343 = arith.constant dense<0.000000e+00> : vector<256x2048xf32>
    %dot_general3A_344 = tpu.matmul %slice3A_339, %slice3A_341, %dot_general3A_343 {dimension_numbers = #tpu.dot_dimension_numbers<[1], [1], [0], [0], [0, 0, 1, 0], [], []>, transpose_lhs_hint = false} : vector<256x32xbf16>, vector<2048x32xbf16>, vector<256x2048xf32> -> vector<256x2048xf32>
    %dot_general3A_345 = arith.constant dense<0.000000e+00> : vector<256x2048xf32>
    %dot_general3A_346 = tpu.matmul %slice3A_340, %slice3A_342, %dot_general3A_345 {dimension_numbers = #tpu.dot_dimension_numbers<[1], [1], [0], [0], [0, 0, 1, 0], [], []>, transpose_lhs_hint = false} : vector<256x32xbf16>, vector<2048x32xbf16>, vector<256x2048xf32> -> vector<256x2048xf32>
    %add3A_347 = arith.addf %dot_general3A_344, %dot_general3A_346 : vector<256x2048xf32>
    %mul3A_348 = arith.constant 1.250000e-01 : f32
    %mul3A_349 = vector.broadcast %mul3A_348 : f32 to vector<256x2048xf32>
    %mul3A_350 = arith.mulf %add3A_347, %mul3A_349 : vector<256x2048xf32>
    %jit3A_351 = arith.constant -1.000000e+30 : f32
    %broadcast_in_dim3A_352 = vector.broadcast %jit3A_351 : f32 to vector<256x2048xf32>
    %select_n3A_353 = arith.select %le3A, %mul3A_350, %broadcast_in_dim3A_352 : vector<256x2048xi1>, vector<256x2048xf32>
    %reduce_max3A_354 = arith.constant dense<0xFF800000> : vector<256xf32>
    %reduce_max3A_355 = vector.multi_reduction <maximumf>, %select_n3A_353, %reduce_max3A_354 [1] : vector<256x2048xf32> to vector<256xf32>
    %broadcast_in_dim3A_356 = vector.shape_cast %reduce_max3A_355 : vector<256xf32> to vector<256x1xf32>
    %sub3A_357 = vector.broadcast %broadcast_in_dim3A_356 : vector<256x1xf32> to vector<256x2048xf32>
    %sub3A_358 = arith.subf %select_n3A_353, %sub3A_357 : vector<256x2048xf32>
    %exp3A_359 = math.exp %sub3A_358 : vector<256x2048xf32>
    %reduce_sum3A_360 = arith.constant dense<0.000000e+00> : vector<256xf32>
    %reduce_sum3A_361 = vector.multi_reduction <add>, %exp3A_359, %reduce_sum3A_360 [1] : vector<256x2048xf32> to vector<256xf32>
    %broadcast_in_dim3A_362 = vector.shape_cast %reduce_sum3A_361 : vector<256xf32> to vector<256x1xf32>
    %slice3A_363 = vector.extract_strided_slice %get3A_7 {offsets = [0, 320], sizes = [2048, 64], strides = [1, 1]} : vector<2048x512xbf16> to vector<2048x64xbf16>
    %convert_element_type3A_364 = arith.truncf %exp3A_359 : vector<256x2048xf32> to vector<256x2048xbf16>
    %dot_general3A_365 = arith.constant dense<0.000000e+00> : vector<256x64xf32>
    %dot_general3A_366 = tpu.matmul %convert_element_type3A_364, %slice3A_363, %dot_general3A_365 {dimension_numbers = #tpu.dot_dimension_numbers<[1], [0], [0], [1], [0, 0, 1, 1], [], []>, transpose_lhs_hint = false} : vector<256x2048xbf16>, vector<2048x64xbf16>, vector<256x64xf32> -> vector<256x64xf32>
    %div3A_367 = vector.broadcast %broadcast_in_dim3A_362 : vector<256x1xf32> to vector<256x64xf32>
    %div3A_368 = arith.divf %dot_general3A_366, %div3A_367 : vector<256x64xf32>
    %convert_element_type3A_369 = arith.truncf %div3A_368 : vector<256x64xf32> to vector<256x64xbf16>
    %swap3A_370 = arith.constant 0 : index
    %swap3A_371 = arith.constant 640 : index
    %swap3A_372 = vector.load %arg4[%swap3A_370, %swap3A_371] : memref<256x1024xbf16, #tpu.memory_space<vmem>>, vector<256x64xbf16>
    tpu.vector_store %arg4[%swap3A_370, %swap3A_371], %convert_element_type3A_369 {strides = array<i32>} : memref<256x1024xbf16, #tpu.memory_space<vmem>>, vector<256x64xbf16>,
    %slice3A_373 = vector.extract_strided_slice %get3A_1 {offsets = [0, 352], sizes = [256, 32], strides = [1, 1]} : vector<256x1024xbf16> to vector<256x32xbf16>
    %slice3A_374 = vector.extract_strided_slice %get3A_1 {offsets = [0, 864], sizes = [256, 32], strides = [1, 1]} : vector<256x1024xbf16> to vector<256x32xbf16>
    %slice3A_375 = vector.extract_strided_slice %get3A_4 {offsets = [0, 160], sizes = [2048, 32], strides = [1, 1]} : vector<2048x512xbf16> to vector<2048x32xbf16>
    %slice3A_376 = vector.extract_strided_slice %get3A_4 {offsets = [0, 416], sizes = [2048, 32], strides = [1, 1]} : vector<2048x512xbf16> to vector<2048x32xbf16>
    %dot_general3A_377 = arith.constant dense<0.000000e+00> : vector<256x2048xf32>
    %dot_general3A_378 = tpu.matmul %slice3A_373, %slice3A_375, %dot_general3A_377 {dimension_numbers = #tpu.dot_dimension_numbers<[1], [1], [0], [0], [0, 0, 1, 0], [], []>, transpose_lhs_hint = false} : vector<256x32xbf16>, vector<2048x32xbf16>, vector<256x2048xf32> -> vector<256x2048xf32>
    %dot_general3A_379 = arith.constant dense<0.000000e+00> : vector<256x2048xf32>
    %dot_general3A_380 = tpu.matmul %slice3A_374, %slice3A_376, %dot_general3A_379 {dimension_numbers = #tpu.dot_dimension_numbers<[1], [1], [0], [0], [0, 0, 1, 0], [], []>, transpose_lhs_hint = false} : vector<256x32xbf16>, vector<2048x32xbf16>, vector<256x2048xf32> -> vector<256x2048xf32>
    %add3A_381 = arith.addf %dot_general3A_378, %dot_general3A_380 : vector<256x2048xf32>
    %mul3A_382 = arith.constant 1.250000e-01 : f32
    %mul3A_383 = vector.broadcast %mul3A_382 : f32 to vector<256x2048xf32>
    %mul3A_384 = arith.mulf %add3A_381, %mul3A_383 : vector<256x2048xf32>
    %jit3A_385 = arith.constant -1.000000e+30 : f32
    %broadcast_in_dim3A_386 = vector.broadcast %jit3A_385 : f32 to vector<256x2048xf32>
    %select_n3A_387 = arith.select %le3A, %mul3A_384, %broadcast_in_dim3A_386 : vector<256x2048xi1>, vector<256x2048xf32>
    %reduce_max3A_388 = arith.constant dense<0xFF800000> : vector<256xf32>
    %reduce_max3A_389 = vector.multi_reduction <maximumf>, %select_n3A_387, %reduce_max3A_388 [1] : vector<256x2048xf32> to vector<256xf32>
    %broadcast_in_dim3A_390 = vector.shape_cast %reduce_max3A_389 : vector<256xf32> to vector<256x1xf32>
    %sub3A_391 = vector.broadcast %broadcast_in_dim3A_390 : vector<256x1xf32> to vector<256x2048xf32>
    %sub3A_392 = arith.subf %select_n3A_387, %sub3A_391 : vector<256x2048xf32>
    %exp3A_393 = math.exp %sub3A_392 : vector<256x2048xf32>
    %reduce_sum3A_394 = arith.constant dense<0.000000e+00> : vector<256xf32>
    %reduce_sum3A_395 = vector.multi_reduction <add>, %exp3A_393, %reduce_sum3A_394 [1] : vector<256x2048xf32> to vector<256xf32>
    %broadcast_in_dim3A_396 = vector.shape_cast %reduce_sum3A_395 : vector<256xf32> to vector<256x1xf32>
    %slice3A_397 = vector.extract_strided_slice %get3A_7 {offsets = [0, 320], sizes = [2048, 64], strides = [1, 1]} : vector<2048x512xbf16> to vector<2048x64xbf16>
    %convert_element_type3A_398 = arith.truncf %exp3A_393 : vector<256x2048xf32> to vector<256x2048xbf16>
    %dot_general3A_399 = arith.constant dense<0.000000e+00> : vector<256x64xf32>
    %dot_general3A_400 = tpu.matmul %convert_element_type3A_398, %slice3A_397, %dot_general3A_399 {dimension_numbers = #tpu.dot_dimension_numbers<[1], [0], [0], [1], [0, 0, 1, 1], [], []>, transpose_lhs_hint = false} : vector<256x2048xbf16>, vector<2048x64xbf16>, vector<256x64xf32> -> vector<256x64xf32>
    %div3A_401 = vector.broadcast %broadcast_in_dim3A_396 : vector<256x1xf32> to vector<256x64xf32>
    %div3A_402 = arith.divf %dot_general3A_400, %div3A_401 : vector<256x64xf32>
    %convert_element_type3A_403 = arith.truncf %div3A_402 : vector<256x64xf32> to vector<256x64xbf16>
    %swap3A_404 = arith.constant 0 : index
    %swap3A_405 = arith.constant 704 : index
    %swap3A_406 = vector.load %arg4[%swap3A_404, %swap3A_405] : memref<256x1024xbf16, #tpu.memory_space<vmem>>, vector<256x64xbf16>
    tpu.vector_store %arg4[%swap3A_404, %swap3A_405], %convert_element_type3A_403 {strides = array<i32>} : memref<256x1024xbf16, #tpu.memory_space<vmem>>, vector<256x64xbf16>,
    %slice3A_407 = vector.extract_strided_slice %get3A_1 {offsets = [0, 384], sizes = [256, 32], strides = [1, 1]} : vector<256x1024xbf16> to vector<256x32xbf16>
    %slice3A_408 = vector.extract_strided_slice %get3A_1 {offsets = [0, 896], sizes = [256, 32], strides = [1, 1]} : vector<256x1024xbf16> to vector<256x32xbf16>
    %slice3A_409 = vector.extract_strided_slice %get3A_4 {offsets = [0, 192], sizes = [2048, 32], strides = [1, 1]} : vector<2048x512xbf16> to vector<2048x32xbf16>
    %slice3A_410 = vector.extract_strided_slice %get3A_4 {offsets = [0, 448], sizes = [2048, 32], strides = [1, 1]} : vector<2048x512xbf16> to vector<2048x32xbf16>
    %dot_general3A_411 = arith.constant dense<0.000000e+00> : vector<256x2048xf32>
    %dot_general3A_412 = tpu.matmul %slice3A_407, %slice3A_409, %dot_general3A_411 {dimension_numbers = #tpu.dot_dimension_numbers<[1], [1], [0], [0], [0, 0, 1, 0], [], []>, transpose_lhs_hint = false} : vector<256x32xbf16>, vector<2048x32xbf16>, vector<256x2048xf32> -> vector<256x2048xf32>
    %dot_general3A_413 = arith.constant dense<0.000000e+00> : vector<256x2048xf32>
    %dot_general3A_414 = tpu.matmul %slice3A_408, %slice3A_410, %dot_general3A_413 {dimension_numbers = #tpu.dot_dimension_numbers<[1], [1], [0], [0], [0, 0, 1, 0], [], []>, transpose_lhs_hint = false} : vector<256x32xbf16>, vector<2048x32xbf16>, vector<256x2048xf32> -> vector<256x2048xf32>
    %add3A_415 = arith.addf %dot_general3A_412, %dot_general3A_414 : vector<256x2048xf32>
    %mul3A_416 = arith.constant 1.250000e-01 : f32
    %mul3A_417 = vector.broadcast %mul3A_416 : f32 to vector<256x2048xf32>
    %mul3A_418 = arith.mulf %add3A_415, %mul3A_417 : vector<256x2048xf32>
    %jit3A_419 = arith.constant -1.000000e+30 : f32
    %broadcast_in_dim3A_420 = vector.broadcast %jit3A_419 : f32 to vector<256x2048xf32>
    %select_n3A_421 = arith.select %le3A, %mul3A_418, %broadcast_in_dim3A_420 : vector<256x2048xi1>, vector<256x2048xf32>
    %reduce_max3A_422 = arith.constant dense<0xFF800000> : vector<256xf32>
    %reduce_max3A_423 = vector.multi_reduction <maximumf>, %select_n3A_421, %reduce_max3A_422 [1] : vector<256x2048xf32> to vector<256xf32>
    %broadcast_in_dim3A_424 = vector.shape_cast %reduce_max3A_423 : vector<256xf32> to vector<256x1xf32>
    %sub3A_425 = vector.broadcast %broadcast_in_dim3A_424 : vector<256x1xf32> to vector<256x2048xf32>
    %sub3A_426 = arith.subf %select_n3A_421, %sub3A_425 : vector<256x2048xf32>
    %exp3A_427 = math.exp %sub3A_426 : vector<256x2048xf32>
    %reduce_sum3A_428 = arith.constant dense<0.000000e+00> : vector<256xf32>
    %reduce_sum3A_429 = vector.multi_reduction <add>, %exp3A_427, %reduce_sum3A_428 [1] : vector<256x2048xf32> to vector<256xf32>
    %broadcast_in_dim3A_430 = vector.shape_cast %reduce_sum3A_429 : vector<256xf32> to vector<256x1xf32>
    %slice3A_431 = vector.extract_strided_slice %get3A_7 {offsets = [0, 384], sizes = [2048, 64], strides = [1, 1]} : vector<2048x512xbf16> to vector<2048x64xbf16>
    %convert_element_type3A_432 = arith.truncf %exp3A_427 : vector<256x2048xf32> to vector<256x2048xbf16>
    %dot_general3A_433 = arith.constant dense<0.000000e+00> : vector<256x64xf32>
    %dot_general3A_434 = tpu.matmul %convert_element_type3A_432, %slice3A_431, %dot_general3A_433 {dimension_numbers = #tpu.dot_dimension_numbers<[1], [0], [0], [1], [0, 0, 1, 1], [], []>, transpose_lhs_hint = false} : vector<256x2048xbf16>, vector<2048x64xbf16>, vector<256x64xf32> -> vector<256x64xf32>
    %div3A_435 = vector.broadcast %broadcast_in_dim3A_430 : vector<256x1xf32> to vector<256x64xf32>
    %div3A_436 = arith.divf %dot_general3A_434, %div3A_435 : vector<256x64xf32>
    %convert_element_type3A_437 = arith.truncf %div3A_436 : vector<256x64xf32> to vector<256x64xbf16>
    %swap3A_438 = arith.constant 0 : index
    %swap3A_439 = arith.constant 768 : index
    %swap3A_440 = vector.load %arg4[%swap3A_438, %swap3A_439] : memref<256x1024xbf16, #tpu.memory_space<vmem>>, vector<256x64xbf16>
    tpu.vector_store %arg4[%swap3A_438, %swap3A_439], %convert_element_type3A_437 {strides = array<i32>} : memref<256x1024xbf16, #tpu.memory_space<vmem>>, vector<256x64xbf16>,
    %slice3A_441 = vector.extract_strided_slice %get3A_1 {offsets = [0, 416], sizes = [256, 32], strides = [1, 1]} : vector<256x1024xbf16> to vector<256x32xbf16>
    %slice3A_442 = vector.extract_strided_slice %get3A_1 {offsets = [0, 928], sizes = [256, 32], strides = [1, 1]} : vector<256x1024xbf16> to vector<256x32xbf16>
    %slice3A_443 = vector.extract_strided_slice %get3A_4 {offsets = [0, 192], sizes = [2048, 32], strides = [1, 1]} : vector<2048x512xbf16> to vector<2048x32xbf16>
    %slice3A_444 = vector.extract_strided_slice %get3A_4 {offsets = [0, 448], sizes = [2048, 32], strides = [1, 1]} : vector<2048x512xbf16> to vector<2048x32xbf16>
    %dot_general3A_445 = arith.constant dense<0.000000e+00> : vector<256x2048xf32>
    %dot_general3A_446 = tpu.matmul %slice3A_441, %slice3A_443, %dot_general3A_445 {dimension_numbers = #tpu.dot_dimension_numbers<[1], [1], [0], [0], [0, 0, 1, 0], [], []>, transpose_lhs_hint = false} : vector<256x32xbf16>, vector<2048x32xbf16>, vector<256x2048xf32> -> vector<256x2048xf32>
    %dot_general3A_447 = arith.constant dense<0.000000e+00> : vector<256x2048xf32>
    %dot_general3A_448 = tpu.matmul %slice3A_442, %slice3A_444, %dot_general3A_447 {dimension_numbers = #tpu.dot_dimension_numbers<[1], [1], [0], [0], [0, 0, 1, 0], [], []>, transpose_lhs_hint = false} : vector<256x32xbf16>, vector<2048x32xbf16>, vector<256x2048xf32> -> vector<256x2048xf32>
    %add3A_449 = arith.addf %dot_general3A_446, %dot_general3A_448 : vector<256x2048xf32>
    %mul3A_450 = arith.constant 1.250000e-01 : f32
    %mul3A_451 = vector.broadcast %mul3A_450 : f32 to vector<256x2048xf32>
    %mul3A_452 = arith.mulf %add3A_449, %mul3A_451 : vector<256x2048xf32>
    %jit3A_453 = arith.constant -1.000000e+30 : f32
    %broadcast_in_dim3A_454 = vector.broadcast %jit3A_453 : f32 to vector<256x2048xf32>
    %select_n3A_455 = arith.select %le3A, %mul3A_452, %broadcast_in_dim3A_454 : vector<256x2048xi1>, vector<256x2048xf32>
    %reduce_max3A_456 = arith.constant dense<0xFF800000> : vector<256xf32>
    %reduce_max3A_457 = vector.multi_reduction <maximumf>, %select_n3A_455, %reduce_max3A_456 [1] : vector<256x2048xf32> to vector<256xf32>
    %broadcast_in_dim3A_458 = vector.shape_cast %reduce_max3A_457 : vector<256xf32> to vector<256x1xf32>
    %sub3A_459 = vector.broadcast %broadcast_in_dim3A_458 : vector<256x1xf32> to vector<256x2048xf32>
    %sub3A_460 = arith.subf %select_n3A_455, %sub3A_459 : vector<256x2048xf32>
    %exp3A_461 = math.exp %sub3A_460 : vector<256x2048xf32>
    %reduce_sum3A_462 = arith.constant dense<0.000000e+00> : vector<256xf32>
    %reduce_sum3A_463 = vector.multi_reduction <add>, %exp3A_461, %reduce_sum3A_462 [1] : vector<256x2048xf32> to vector<256xf32>
    %broadcast_in_dim3A_464 = vector.shape_cast %reduce_sum3A_463 : vector<256xf32> to vector<256x1xf32>
    %slice3A_465 = vector.extract_strided_slice %get3A_7 {offsets = [0, 384], sizes = [2048, 64], strides = [1, 1]} : vector<2048x512xbf16> to vector<2048x64xbf16>
    %convert_element_type3A_466 = arith.truncf %exp3A_461 : vector<256x2048xf32> to vector<256x2048xbf16>
    %dot_general3A_467 = arith.constant dense<0.000000e+00> : vector<256x64xf32>
    %dot_general3A_468 = tpu.matmul %convert_element_type3A_466, %slice3A_465, %dot_general3A_467 {dimension_numbers = #tpu.dot_dimension_numbers<[1], [0], [0], [1], [0, 0, 1, 1], [], []>, transpose_lhs_hint = false} : vector<256x2048xbf16>, vector<2048x64xbf16>, vector<256x64xf32> -> vector<256x64xf32>
    %div3A_469 = vector.broadcast %broadcast_in_dim3A_464 : vector<256x1xf32> to vector<256x64xf32>
    %div3A_470 = arith.divf %dot_general3A_468, %div3A_469 : vector<256x64xf32>
    %convert_element_type3A_471 = arith.truncf %div3A_470 : vector<256x64xf32> to vector<256x64xbf16>
    %swap3A_472 = arith.constant 0 : index
    %swap3A_473 = arith.constant 832 : index
    %swap3A_474 = vector.load %arg4[%swap3A_472, %swap3A_473] : memref<256x1024xbf16, #tpu.memory_space<vmem>>, vector<256x64xbf16>
    tpu.vector_store %arg4[%swap3A_472, %swap3A_473], %convert_element_type3A_471 {strides = array<i32>} : memref<256x1024xbf16, #tpu.memory_space<vmem>>, vector<256x64xbf16>,
    %slice3A_475 = vector.extract_strided_slice %get3A_1 {offsets = [0, 448], sizes = [256, 32], strides = [1, 1]} : vector<256x1024xbf16> to vector<256x32xbf16>
    %slice3A_476 = vector.extract_strided_slice %get3A_1 {offsets = [0, 960], sizes = [256, 32], strides = [1, 1]} : vector<256x1024xbf16> to vector<256x32xbf16>
    %slice3A_477 = vector.extract_strided_slice %get3A_4 {offsets = [0, 224], sizes = [2048, 32], strides = [1, 1]} : vector<2048x512xbf16> to vector<2048x32xbf16>
    %slice3A_478 = vector.extract_strided_slice %get3A_4 {offsets = [0, 480], sizes = [2048, 32], strides = [1, 1]} : vector<2048x512xbf16> to vector<2048x32xbf16>
    %dot_general3A_479 = arith.constant dense<0.000000e+00> : vector<256x2048xf32>
    %dot_general3A_480 = tpu.matmul %slice3A_475, %slice3A_477, %dot_general3A_479 {dimension_numbers = #tpu.dot_dimension_numbers<[1], [1], [0], [0], [0, 0, 1, 0], [], []>, transpose_lhs_hint = false} : vector<256x32xbf16>, vector<2048x32xbf16>, vector<256x2048xf32> -> vector<256x2048xf32>
    %dot_general3A_481 = arith.constant dense<0.000000e+00> : vector<256x2048xf32>
    %dot_general3A_482 = tpu.matmul %slice3A_476, %slice3A_478, %dot_general3A_481 {dimension_numbers = #tpu.dot_dimension_numbers<[1], [1], [0], [0], [0, 0, 1, 0], [], []>, transpose_lhs_hint = false} : vector<256x32xbf16>, vector<2048x32xbf16>, vector<256x2048xf32> -> vector<256x2048xf32>
    %add3A_483 = arith.addf %dot_general3A_480, %dot_general3A_482 : vector<256x2048xf32>
    %mul3A_484 = arith.constant 1.250000e-01 : f32
    %mul3A_485 = vector.broadcast %mul3A_484 : f32 to vector<256x2048xf32>
    %mul3A_486 = arith.mulf %add3A_483, %mul3A_485 : vector<256x2048xf32>
    %jit3A_487 = arith.constant -1.000000e+30 : f32
    %broadcast_in_dim3A_488 = vector.broadcast %jit3A_487 : f32 to vector<256x2048xf32>
    %select_n3A_489 = arith.select %le3A, %mul3A_486, %broadcast_in_dim3A_488 : vector<256x2048xi1>, vector<256x2048xf32>
    %reduce_max3A_490 = arith.constant dense<0xFF800000> : vector<256xf32>
    %reduce_max3A_491 = vector.multi_reduction <maximumf>, %select_n3A_489, %reduce_max3A_490 [1] : vector<256x2048xf32> to vector<256xf32>
    %broadcast_in_dim3A_492 = vector.shape_cast %reduce_max3A_491 : vector<256xf32> to vector<256x1xf32>
    %sub3A_493 = vector.broadcast %broadcast_in_dim3A_492 : vector<256x1xf32> to vector<256x2048xf32>
    %sub3A_494 = arith.subf %select_n3A_489, %sub3A_493 : vector<256x2048xf32>
    %exp3A_495 = math.exp %sub3A_494 : vector<256x2048xf32>
    %reduce_sum3A_496 = arith.constant dense<0.000000e+00> : vector<256xf32>
    %reduce_sum3A_497 = vector.multi_reduction <add>, %exp3A_495, %reduce_sum3A_496 [1] : vector<256x2048xf32> to vector<256xf32>
    %broadcast_in_dim3A_498 = vector.shape_cast %reduce_sum3A_497 : vector<256xf32> to vector<256x1xf32>
    %slice3A_499 = vector.extract_strided_slice %get3A_7 {offsets = [0, 448], sizes = [2048, 64], strides = [1, 1]} : vector<2048x512xbf16> to vector<2048x64xbf16>
    %convert_element_type3A_500 = arith.truncf %exp3A_495 : vector<256x2048xf32> to vector<256x2048xbf16>
    %dot_general3A_501 = arith.constant dense<0.000000e+00> : vector<256x64xf32>
    %dot_general3A_502 = tpu.matmul %convert_element_type3A_500, %slice3A_499, %dot_general3A_501 {dimension_numbers = #tpu.dot_dimension_numbers<[1], [0], [0], [1], [0, 0, 1, 1], [], []>, transpose_lhs_hint = false} : vector<256x2048xbf16>, vector<2048x64xbf16>, vector<256x64xf32> -> vector<256x64xf32>
    %div3A_503 = vector.broadcast %broadcast_in_dim3A_498 : vector<256x1xf32> to vector<256x64xf32>
    %div3A_504 = arith.divf %dot_general3A_502, %div3A_503 : vector<256x64xf32>
    %convert_element_type3A_505 = arith.truncf %div3A_504 : vector<256x64xf32> to vector<256x64xbf16>
    %swap3A_506 = arith.constant 0 : index
    %swap3A_507 = arith.constant 896 : index
    %swap3A_508 = vector.load %arg4[%swap3A_506, %swap3A_507] : memref<256x1024xbf16, #tpu.memory_space<vmem>>, vector<256x64xbf16>
    tpu.vector_store %arg4[%swap3A_506, %swap3A_507], %convert_element_type3A_505 {strides = array<i32>} : memref<256x1024xbf16, #tpu.memory_space<vmem>>, vector<256x64xbf16>,
    %slice3A_509 = vector.extract_strided_slice %get3A_1 {offsets = [0, 480], sizes = [256, 32], strides = [1, 1]} : vector<256x1024xbf16> to vector<256x32xbf16>
    %slice3A_510 = vector.extract_strided_slice %get3A_1 {offsets = [0, 992], sizes = [256, 32], strides = [1, 1]} : vector<256x1024xbf16> to vector<256x32xbf16>
    %slice3A_511 = vector.extract_strided_slice %get3A_4 {offsets = [0, 224], sizes = [2048, 32], strides = [1, 1]} : vector<2048x512xbf16> to vector<2048x32xbf16>
    %slice3A_512 = vector.extract_strided_slice %get3A_4 {offsets = [0, 480], sizes = [2048, 32], strides = [1, 1]} : vector<2048x512xbf16> to vector<2048x32xbf16>
    %dot_general3A_513 = arith.constant dense<0.000000e+00> : vector<256x2048xf32>
    %dot_general3A_514 = tpu.matmul %slice3A_509, %slice3A_511, %dot_general3A_513 {dimension_numbers = #tpu.dot_dimension_numbers<[1], [1], [0], [0], [0, 0, 1, 0], [], []>, transpose_lhs_hint = false} : vector<256x32xbf16>, vector<2048x32xbf16>, vector<256x2048xf32> -> vector<256x2048xf32>
    %dot_general3A_515 = arith.constant dense<0.000000e+00> : vector<256x2048xf32>
    %dot_general3A_516 = tpu.matmul %slice3A_510, %slice3A_512, %dot_general3A_515 {dimension_numbers = #tpu.dot_dimension_numbers<[1], [1], [0], [0], [0, 0, 1, 0], [], []>, transpose_lhs_hint = false} : vector<256x32xbf16>, vector<2048x32xbf16>, vector<256x2048xf32> -> vector<256x2048xf32>
    %add3A_517 = arith.addf %dot_general3A_514, %dot_general3A_516 : vector<256x2048xf32>
    %mul3A_518 = arith.constant 1.250000e-01 : f32
    %mul3A_519 = vector.broadcast %mul3A_518 : f32 to vector<256x2048xf32>
    %mul3A_520 = arith.mulf %add3A_517, %mul3A_519 : vector<256x2048xf32>
    %jit3A_521 = arith.constant -1.000000e+30 : f32
    %broadcast_in_dim3A_522 = vector.broadcast %jit3A_521 : f32 to vector<256x2048xf32>
    %select_n3A_523 = arith.select %le3A, %mul3A_520, %broadcast_in_dim3A_522 : vector<256x2048xi1>, vector<256x2048xf32>
    %reduce_max3A_524 = arith.constant dense<0xFF800000> : vector<256xf32>
    %reduce_max3A_525 = vector.multi_reduction <maximumf>, %select_n3A_523, %reduce_max3A_524 [1] : vector<256x2048xf32> to vector<256xf32>
    %broadcast_in_dim3A_526 = vector.shape_cast %reduce_max3A_525 : vector<256xf32> to vector<256x1xf32>
    %sub3A_527 = vector.broadcast %broadcast_in_dim3A_526 : vector<256x1xf32> to vector<256x2048xf32>
    %sub3A_528 = arith.subf %select_n3A_523, %sub3A_527 : vector<256x2048xf32>
    %exp3A_529 = math.exp %sub3A_528 : vector<256x2048xf32>
    %reduce_sum3A_530 = arith.constant dense<0.000000e+00> : vector<256xf32>
    %reduce_sum3A_531 = vector.multi_reduction <add>, %exp3A_529, %reduce_sum3A_530 [1] : vector<256x2048xf32> to vector<256xf32>
    %broadcast_in_dim3A_532 = vector.shape_cast %reduce_sum3A_531 : vector<256xf32> to vector<256x1xf32>
    %slice3A_533 = vector.extract_strided_slice %get3A_7 {offsets = [0, 448], sizes = [2048, 64], strides = [1, 1]} : vector<2048x512xbf16> to vector<2048x64xbf16>
    %convert_element_type3A_534 = arith.truncf %exp3A_529 : vector<256x2048xf32> to vector<256x2048xbf16>
    %dot_general3A_535 = arith.constant dense<0.000000e+00> : vector<256x64xf32>
    %dot_general3A_536 = tpu.matmul %convert_element_type3A_534, %slice3A_533, %dot_general3A_535 {dimension_numbers = #tpu.dot_dimension_numbers<[1], [0], [0], [1], [0, 0, 1, 1], [], []>, transpose_lhs_hint = false} : vector<256x2048xbf16>, vector<2048x64xbf16>, vector<256x64xf32> -> vector<256x64xf32>
    %div3A_537 = vector.broadcast %broadcast_in_dim3A_532 : vector<256x1xf32> to vector<256x64xf32>
    %div3A_538 = arith.divf %dot_general3A_536, %div3A_537 : vector<256x64xf32>
    %convert_element_type3A_539 = arith.truncf %div3A_538 : vector<256x64xf32> to vector<256x64xbf16>
    %swap3A_540 = arith.constant 0 : index
    %swap3A_541 = arith.constant 960 : index
    %swap3A_542 = vector.load %arg4[%swap3A_540, %swap3A_541] : memref<256x1024xbf16, #tpu.memory_space<vmem>>, vector<256x64xbf16>
    tpu.vector_store %arg4[%swap3A_540, %swap3A_541], %convert_element_type3A_539 {strides = array<i32>} : memref<256x1024xbf16, #tpu.memory_space<vmem>>, vector<256x64xbf16>,
    return
  }
  func.func @transform_0(%arg0: i32) -> (i32, i32) {
    %c0_i32 = arith.constant 0 : i32
    %c0_i32_0 = arith.constant 0 : i32
    return %arg0, %c0_i32 : i32, i32
  }
  func.func @transform_1(%arg0: i32) -> (i32, i32) {
    %c0_i32 = arith.constant 0 : i32
    %c0_i32_0 = arith.constant 0 : i32
    %c0_i32_1 = arith.constant 0 : i32
    return %c0_i32, %c0_i32_0 : i32, i32
  }
  func.func @transform_2(%arg0: i32) -> (i32, i32) {
    %c0_i32 = arith.constant 0 : i32
    %c0_i32_0 = arith.constant 0 : i32
    %c0_i32_1 = arith.constant 0 : i32
    return %c0_i32, %c0_i32_0 : i32, i32
  }
  func.func @transform_3(%arg0: i32) -> (i32, i32) {
    %c0_i32 = arith.constant 0 : i32
    %c0_i32_0 = arith.constant 0 : i32
    return %arg0, %c0_i32 : i32, i32
  }
}

module attributes {stable_mosaic.version = 14 : i64} {
  func.func @_post_body(%arg0: i32, %arg1: memref<256x1024xf32, #tpu.memory_space<vmem>>, %arg2: memref<256x1024xbf16, #tpu.memory_space<vmem>>, %arg3: memref<1024x1024xbf16, #tpu.memory_space<vmem>>, %arg4: memref<1024xf32, #tpu.memory_space<vmem>>, %arg5: memref<1024xf32, #tpu.memory_space<vmem>>, %arg6: memref<1024xf32, #tpu.memory_space<vmem>>, %arg7: memref<1024x128xf32, #tpu.memory_space<vmem>>, %arg8: memref<256x1024xf32, #tpu.memory_space<vmem>>, %arg9: memref<256x1024xf32, #tpu.memory_space<vmem>>, %arg10: memref<256x1xi32, #tpu.memory_space<vmem>>, %arg11: memref<256x1xi32, #tpu.memory_space<vmem>>, %arg12: memref<256x1xf32, #tpu.memory_space<vmem>>, %arg13: memref<256x1xf32, #tpu.memory_space<vmem>>) attributes {dimension_semantics = [#tpu.dimension_semantics<arbitrary>], iteration_bounds = array<i64: 8>, scalar_prefetch = 0 : i64, scratch_operands = 0 : i64, tpu.core_type = #tpu.core_type<tc>, window_params = [{transform_indices = @transform_0, window_bounds = array<i64: 256, 1024>}, {transform_indices = @transform_1, window_bounds = array<i64: 256, 1024>}, {pipeline_mode = #tpu.pipeline_mode<synchronous>, transform_indices = @transform_2, window_bounds = array<i64: 1024, 1024>}, {pipeline_mode = #tpu.pipeline_mode<synchronous>, transform_indices = @transform_3, window_bounds = array<i64: 1024>}, {pipeline_mode = #tpu.pipeline_mode<synchronous>, transform_indices = @transform_4, window_bounds = array<i64: 1024>}, {pipeline_mode = #tpu.pipeline_mode<synchronous>, transform_indices = @transform_5, window_bounds = array<i64: 1024>}, {pipeline_mode = #tpu.pipeline_mode<synchronous>, transform_indices = @transform_6, window_bounds = array<i64: 1024, 128>}, {transform_indices = @transform_7, window_bounds = array<i64: 256, 1024>}, {transform_indices = @transform_8, window_bounds = array<i64: 256, 1024>}, {transform_indices = @transform_9, window_bounds = array<i64: 256, 1>}, {transform_indices = @transform_10, window_bounds = array<i64: 256, 1>}, {transform_indices = @transform_11, window_bounds = array<i64: 256, 1>}, {transform_indices = @transform_12, window_bounds = array<i64: 256, 1>}]} {
    %get3A = arith.constant 0 : index
    %get3A_0 = arith.constant 0 : index
    %get3A_1 = vector.load %arg1[%get3A, %get3A_0] : memref<256x1024xf32, #tpu.memory_space<vmem>>, vector<256x1024xf32>
    %get3A_2 = arith.constant 0 : index
    %get3A_3 = arith.constant 0 : index
    %get3A_4 = vector.load %arg2[%get3A_2, %get3A_3] : memref<256x1024xbf16, #tpu.memory_space<vmem>>, vector<256x1024xbf16>
    %get3A_5 = arith.constant 0 : index
    %get3A_6 = arith.constant 0 : index
    %get3A_7 = vector.load %arg3[%get3A_5, %get3A_6] : memref<1024x1024xbf16, #tpu.memory_space<vmem>>, vector<1024x1024xbf16>
    %dot_general3A = arith.constant dense<0.000000e+00> : vector<256x1024xf32>
    %dot_general3A_8 = tpu.matmul %get3A_4, %get3A_7, %dot_general3A {dimension_numbers = #tpu.dot_dimension_numbers<[1], [0], [0], [1], [0, 0, 1, 1], [], []>, transpose_lhs_hint = false} : vector<256x1024xbf16>, vector<1024x1024xbf16>, vector<256x1024xf32> -> vector<256x1024xf32>
    %add3A = arith.addf %get3A_1, %dot_general3A_8 : vector<256x1024xf32>
    %get3A_9 = arith.constant 0 : index
    %get3A_10 = vector.load %arg4[%get3A_9] : memref<1024xf32, #tpu.memory_space<vmem>>, vector<1024xf32>
    %broadcast_in_dim3A = vector.shape_cast %get3A_10 : vector<1024xf32> to vector<1x1024xf32>
    %add3A_11 = vector.broadcast %broadcast_in_dim3A : vector<1x1024xf32> to vector<256x1024xf32>
    %add3A_12 = arith.addf %add3A, %add3A_11 : vector<256x1024xf32>
    %get3A_13 = arith.constant 0 : index
    %get3A_14 = vector.load %arg5[%get3A_13] : memref<1024xf32, #tpu.memory_space<vmem>>, vector<1024xf32>
    %get3A_15 = arith.constant 0 : index
    %get3A_16 = vector.load %arg6[%get3A_15] : memref<1024xf32, #tpu.memory_space<vmem>>, vector<1024xf32>
    %reduce_sum3A = arith.constant dense<0.000000e+00> : vector<256xf32>
    %reduce_sum3A_17 = vector.multi_reduction <add>, %add3A_12, %reduce_sum3A [1] : vector<256x1024xf32> to vector<256xf32>
    %broadcast_in_dim3A_18 = vector.shape_cast %reduce_sum3A_17 : vector<256xf32> to vector<256x1xf32>
    %div3A = arith.constant 1.024000e+03 : f32
    %div3A_19 = vector.broadcast %div3A : f32 to vector<256x1xf32>
    %div3A_20 = arith.divf %broadcast_in_dim3A_18, %div3A_19 : vector<256x1xf32>
    %sub3A = vector.broadcast %div3A_20 : vector<256x1xf32> to vector<256x1024xf32>
    %sub3A_21 = arith.subf %add3A_12, %sub3A : vector<256x1024xf32>
    %mul3A = arith.mulf %sub3A_21, %sub3A_21 : vector<256x1024xf32>
    %reduce_sum3A_22 = arith.constant dense<0.000000e+00> : vector<256xf32>
    %reduce_sum3A_23 = vector.multi_reduction <add>, %mul3A, %reduce_sum3A_22 [1] : vector<256x1024xf32> to vector<256xf32>
    %broadcast_in_dim3A_24 = vector.shape_cast %reduce_sum3A_23 : vector<256xf32> to vector<256x1xf32>
    %div3A_25 = arith.constant 1.024000e+03 : f32
    %div3A_26 = vector.broadcast %div3A_25 : f32 to vector<256x1xf32>
    %div3A_27 = arith.divf %broadcast_in_dim3A_24, %div3A_26 : vector<256x1xf32>
    %add3A_28 = arith.constant 9.99999974E-6 : f32
    %add3A_29 = vector.broadcast %add3A_28 : f32 to vector<256x1xf32>
    %add3A_30 = arith.addf %div3A_27, %add3A_29 : vector<256x1xf32>
    %rsqrt3A = math.rsqrt %add3A_30 : vector<256x1xf32>
    %mul3A_31 = vector.broadcast %rsqrt3A : vector<256x1xf32> to vector<256x1024xf32>
    %mul3A_32 = arith.mulf %sub3A_21, %mul3A_31 : vector<256x1024xf32>
    %broadcast_in_dim3A_33 = vector.shape_cast %get3A_14 : vector<1024xf32> to vector<1x1024xf32>
    %mul3A_34 = vector.broadcast %broadcast_in_dim3A_33 : vector<1x1024xf32> to vector<256x1024xf32>
    %mul3A_35 = arith.mulf %mul3A_32, %mul3A_34 : vector<256x1024xf32>
    %broadcast_in_dim3A_36 = vector.shape_cast %get3A_16 : vector<1024xf32> to vector<1x1024xf32>
    %add3A_37 = vector.broadcast %broadcast_in_dim3A_36 : vector<1x1024xf32> to vector<256x1024xf32>
    %add3A_38 = arith.addf %mul3A_35, %add3A_37 : vector<256x1024xf32>
    %get3A_39 = arith.constant 0 : index
    %get3A_40 = arith.constant 0 : index
    %get3A_41 = vector.load %arg7[%get3A_39, %get3A_40] : memref<1024x128xf32, #tpu.memory_space<vmem>>, vector<1024x128xf32>
    %dot_general3A_42 = arith.constant dense<0.000000e+00> : vector<256x128xf32>
    %dot_general3A_43 = tpu.matmul %add3A_38, %get3A_41, %dot_general3A_42 {dimension_numbers = #tpu.dot_dimension_numbers<[1], [0], [0], [1], [0, 0, 1, 1], [], []>, transpose_lhs_hint = false} : vector<256x1024xf32>, vector<1024x128xf32>, vector<256x128xf32> -> vector<256x128xf32>
    %slice3A = vector.extract_strided_slice %dot_general3A_43 {offsets = [0, 0], sizes = [256, 8], strides = [1, 1]} : vector<256x128xf32> to vector<256x8xf32>
    %reduce_max3A = arith.constant dense<0xFF800000> : vector<256xf32>
    %reduce_max3A_44 = vector.multi_reduction <maximumf>, %slice3A, %reduce_max3A [1] : vector<256x8xf32> to vector<256xf32>
    %broadcast_in_dim3A_45 = vector.shape_cast %reduce_max3A_44 : vector<256xf32> to vector<256x1xf32>
    %sub3A_46 = vector.broadcast %broadcast_in_dim3A_45 : vector<256x1xf32> to vector<256x8xf32>
    %sub3A_47 = arith.subf %slice3A, %sub3A_46 : vector<256x8xf32>
    %exp3A = math.exp %sub3A_47 : vector<256x8xf32>
    %reduce_sum3A_48 = arith.constant dense<0.000000e+00> : vector<256xf32>
    %reduce_sum3A_49 = vector.multi_reduction <add>, %exp3A, %reduce_sum3A_48 [1] : vector<256x8xf32> to vector<256xf32>
    %broadcast_in_dim3A_50 = vector.shape_cast %reduce_sum3A_49 : vector<256xf32> to vector<256x1xf32>
    %div3A_51 = vector.broadcast %broadcast_in_dim3A_50 : vector<256x1xf32> to vector<256x8xf32>
    %div3A_52 = arith.divf %exp3A, %div3A_51 : vector<256x8xf32>
    %iota3A = tpu.iota {dimensions = array<i32: 1>} : vector<256x8xi32>
    %reduce_max3A_53 = arith.constant dense<0xFF800000> : vector<256xf32>
    %reduce_max3A_54 = vector.multi_reduction <maximumf>, %div3A_52, %reduce_max3A_53 [1] : vector<256x8xf32> to vector<256xf32>
    %broadcast_in_dim3A_55 = vector.shape_cast %reduce_max3A_54 : vector<256xf32> to vector<256x1xf32>
    %eq3A = vector.broadcast %broadcast_in_dim3A_55 : vector<256x1xf32> to vector<256x8xf32>
    %eq3A_56 = arith.cmpf oeq, %div3A_52, %eq3A : vector<256x8xf32>
    %jit3A = arith.constant 8 : i32
    %broadcast_in_dim3A_57 = vector.broadcast %jit3A : i32 to vector<256x8xi32>
    %select_n3A = arith.select %eq3A_56, %iota3A, %broadcast_in_dim3A_57 : vector<256x8xi1>, vector<256x8xi32>
    %reduce_min3A = arith.constant dense<2147483647> : vector<256xi32>
    %reduce_min3A_58 = vector.multi_reduction <minsi>, %select_n3A, %reduce_min3A [1] : vector<256x8xi32> to vector<256xi32>
    %broadcast_in_dim3A_59 = vector.shape_cast %reduce_min3A_58 : vector<256xi32> to vector<256x1xi32>
    %eq3A_60 = vector.broadcast %broadcast_in_dim3A_59 : vector<256x1xi32> to vector<256x8xi32>
    %eq3A_61 = arith.cmpi eq, %iota3A, %eq3A_60 : vector<256x8xi32>
    %jit3A_62 = arith.constant -1.000000e+00 : f32
    %broadcast_in_dim3A_63 = vector.broadcast %jit3A_62 : f32 to vector<256x8xf32>
    %select_n3A_64 = arith.select %eq3A_61, %broadcast_in_dim3A_63, %div3A_52 : vector<256x8xi1>, vector<256x8xf32>
    %reduce_max3A_65 = arith.constant dense<0xFF800000> : vector<256xf32>
    %reduce_max3A_66 = vector.multi_reduction <maximumf>, %select_n3A_64, %reduce_max3A_65 [1] : vector<256x8xf32> to vector<256xf32>
    %broadcast_in_dim3A_67 = vector.shape_cast %reduce_max3A_66 : vector<256xf32> to vector<256x1xf32>
    %eq3A_68 = vector.broadcast %broadcast_in_dim3A_67 : vector<256x1xf32> to vector<256x8xf32>
    %eq3A_69 = arith.cmpf oeq, %select_n3A_64, %eq3A_68 : vector<256x8xf32>
    %jit3A_70 = arith.constant 8 : i32
    %broadcast_in_dim3A_71 = vector.broadcast %jit3A_70 : i32 to vector<256x8xi32>
    %select_n3A_72 = arith.select %eq3A_69, %iota3A, %broadcast_in_dim3A_71 : vector<256x8xi1>, vector<256x8xi32>
    %reduce_min3A_73 = arith.constant dense<2147483647> : vector<256xi32>
    %reduce_min3A_74 = vector.multi_reduction <minsi>, %select_n3A_72, %reduce_min3A_73 [1] : vector<256x8xi32> to vector<256xi32>
    %broadcast_in_dim3A_75 = vector.shape_cast %reduce_min3A_74 : vector<256xi32> to vector<256x1xi32>
    %add3A_76 = arith.addf %broadcast_in_dim3A_55, %broadcast_in_dim3A_67 : vector<256x1xf32>
    %swap3A = arith.constant 0 : index
    %swap3A_77 = arith.constant 0 : index
    %swap3A_78 = vector.load %arg8[%swap3A, %swap3A_77] : memref<256x1024xf32, #tpu.memory_space<vmem>>, vector<256x1024xf32>
    tpu.vector_store %arg8[%swap3A, %swap3A_77], %add3A_12 {strides = array<i32>} : memref<256x1024xf32, #tpu.memory_space<vmem>>, vector<256x1024xf32>,
    %swap3A_79 = arith.constant 0 : index
    %swap3A_80 = arith.constant 0 : index
    %swap3A_81 = vector.load %arg9[%swap3A_79, %swap3A_80] : memref<256x1024xf32, #tpu.memory_space<vmem>>, vector<256x1024xf32>
    tpu.vector_store %arg9[%swap3A_79, %swap3A_80], %add3A_38 {strides = array<i32>} : memref<256x1024xf32, #tpu.memory_space<vmem>>, vector<256x1024xf32>,
    %swap3A_82 = arith.constant 0 : index
    %swap3A_83 = arith.constant 0 : index
    %swap3A_84 = vector.load %arg10[%swap3A_82, %swap3A_83] : memref<256x1xi32, #tpu.memory_space<vmem>>, vector<256x1xi32>
    tpu.vector_store %arg10[%swap3A_82, %swap3A_83], %broadcast_in_dim3A_59 {strides = array<i32>} : memref<256x1xi32, #tpu.memory_space<vmem>>, vector<256x1xi32>,
    %swap3A_85 = arith.constant 0 : index
    %swap3A_86 = arith.constant 0 : index
    %swap3A_87 = vector.load %arg11[%swap3A_85, %swap3A_86] : memref<256x1xi32, #tpu.memory_space<vmem>>, vector<256x1xi32>
    tpu.vector_store %arg11[%swap3A_85, %swap3A_86], %broadcast_in_dim3A_75 {strides = array<i32>} : memref<256x1xi32, #tpu.memory_space<vmem>>, vector<256x1xi32>,
    %div3A_88 = arith.divf %broadcast_in_dim3A_55, %add3A_76 : vector<256x1xf32>
    %swap3A_89 = arith.constant 0 : index
    %swap3A_90 = arith.constant 0 : index
    %swap3A_91 = vector.load %arg12[%swap3A_89, %swap3A_90] : memref<256x1xf32, #tpu.memory_space<vmem>>, vector<256x1xf32>
    tpu.vector_store %arg12[%swap3A_89, %swap3A_90], %div3A_88 {strides = array<i32>} : memref<256x1xf32, #tpu.memory_space<vmem>>, vector<256x1xf32>,
    %div3A_92 = arith.divf %broadcast_in_dim3A_67, %add3A_76 : vector<256x1xf32>
    %swap3A_93 = arith.constant 0 : index
    %swap3A_94 = arith.constant 0 : index
    %swap3A_95 = vector.load %arg13[%swap3A_93, %swap3A_94] : memref<256x1xf32, #tpu.memory_space<vmem>>, vector<256x1xf32>
    tpu.vector_store %arg13[%swap3A_93, %swap3A_94], %div3A_92 {strides = array<i32>} : memref<256x1xf32, #tpu.memory_space<vmem>>, vector<256x1xf32>,
    return
  }
  func.func @transform_0(%arg0: i32) -> (i32, i32) {
    %c0_i32 = arith.constant 0 : i32
    %c0_i32_0 = arith.constant 0 : i32
    return %arg0, %c0_i32 : i32, i32
  }
  func.func @transform_1(%arg0: i32) -> (i32, i32) {
    %c0_i32 = arith.constant 0 : i32
    %c0_i32_0 = arith.constant 0 : i32
    return %arg0, %c0_i32 : i32, i32
  }
  func.func @transform_2(%arg0: i32) -> (i32, i32) {
    %c0_i32 = arith.constant 0 : i32
    %c0_i32_0 = arith.constant 0 : i32
    %c0_i32_1 = arith.constant 0 : i32
    return %c0_i32, %c0_i32_0 : i32, i32
  }
  func.func @transform_3(%arg0: i32) -> i32 {
    %c0_i32 = arith.constant 0 : i32
    %c0_i32_0 = arith.constant 0 : i32
    return %c0_i32 : i32
  }
  func.func @transform_4(%arg0: i32) -> i32 {
    %c0_i32 = arith.constant 0 : i32
    %c0_i32_0 = arith.constant 0 : i32
    return %c0_i32 : i32
  }
  func.func @transform_5(%arg0: i32) -> i32 {
    %c0_i32 = arith.constant 0 : i32
    %c0_i32_0 = arith.constant 0 : i32
    return %c0_i32 : i32
  }
  func.func @transform_6(%arg0: i32) -> (i32, i32) {
    %c0_i32 = arith.constant 0 : i32
    %c0_i32_0 = arith.constant 0 : i32
    %c0_i32_1 = arith.constant 0 : i32
    return %c0_i32, %c0_i32_0 : i32, i32
  }
  func.func @transform_7(%arg0: i32) -> (i32, i32) {
    %c0_i32 = arith.constant 0 : i32
    %c0_i32_0 = arith.constant 0 : i32
    return %arg0, %c0_i32 : i32, i32
  }
  func.func @transform_8(%arg0: i32) -> (i32, i32) {
    %c0_i32 = arith.constant 0 : i32
    %c0_i32_0 = arith.constant 0 : i32
    return %arg0, %c0_i32 : i32, i32
  }
  func.func @transform_9(%arg0: i32) -> (i32, i32) {
    %c0_i32 = arith.constant 0 : i32
    %c0_i32_0 = arith.constant 0 : i32
    return %arg0, %c0_i32 : i32, i32
  }
  func.func @transform_10(%arg0: i32) -> (i32, i32) {
    %c0_i32 = arith.constant 0 : i32
    %c0_i32_0 = arith.constant 0 : i32
    return %arg0, %c0_i32 : i32, i32
  }
  func.func @transform_11(%arg0: i32) -> (i32, i32) {
    %c0_i32 = arith.constant 0 : i32
    %c0_i32_0 = arith.constant 0 : i32
    return %arg0, %c0_i32 : i32, i32
  }
  func.func @transform_12(%arg0: i32) -> (i32, i32) {
    %c0_i32 = arith.constant 0 : i32
    %c0_i32_0 = arith.constant 0 : i32
    return %arg0, %c0_i32 : i32, i32
  }
}

module attributes {stable_mosaic.version = 14 : i64} {
  func.func @_posmap_body(%arg0: i32, %arg1: i32, %arg2: memref<512x1xi32, #tpu.memory_space<vmem>>, %arg3: memref<512x1xi32, #tpu.memory_space<vmem>>, %arg4: memref<1x128xi32, #tpu.memory_space<vmem>>, %arg5: memref<8x128xf32, #tpu.memory_space<vmem>>, %arg6: memref<8x128xf32, #tpu.memory_space<vmem>>) attributes {dimension_semantics = [#tpu.dimension_semantics<arbitrary>, #tpu.dimension_semantics<arbitrary>], iteration_bounds = array<i64: 2, 8>, scalar_prefetch = 0 : i64, scratch_operands = 2 : i64, tpu.core_type = #tpu.core_type<tc>, window_params = [{transform_indices = @transform_0, window_bounds = array<i64: 512, 1>}, {transform_indices = @transform_1, window_bounds = array<i64: 512, 1>}, {pipeline_mode = #tpu.pipeline_mode<synchronous>, transform_indices = @transform_2, window_bounds = array<i64: 1, 128>}]} {
    %iota3A = tpu.iota {dimensions = array<i32: 1>} : vector<512x128xi32>
    %get3A = arith.constant 0 : index
    %get3A_0 = arith.constant 0 : index
    %get3A_1 = vector.load %arg2[%get3A, %get3A_0] : memref<512x1xi32, #tpu.memory_space<vmem>>, vector<512x1xi32>
    %eq3A = vector.broadcast %get3A_1 : vector<512x1xi32> to vector<512x128xi32>
    %eq3A_2 = arith.cmpi eq, %iota3A, %eq3A : vector<512x128xi32>
    %lt3A = arith.constant 8 : i32
    %lt3A_3 = vector.broadcast %lt3A : i32 to vector<512x128xi32>
    %lt3A_4 = arith.cmpi slt, %iota3A, %lt3A_3 : vector<512x128xi32>
    %and3A = arith.andi %eq3A_2, %lt3A_4 : vector<512x128xi1>
    %convert_element_type3A = arith.extui %and3A : vector<512x128xi1> to vector<512x128xi32>
    %convert_element_type3A_5 = arith.sitofp %convert_element_type3A : vector<512x128xi32> to vector<512x128xf32>
    %iota3A_6 = tpu.iota {dimensions = array<i32: 0>} : vector<512x512xi32>
    %iota3A_7 = tpu.iota {dimensions = array<i32: 1>} : vector<512x512xi32>
    %le3A = arith.cmpi sle, %iota3A_7, %iota3A_6 : vector<512x512xi32>
    %convert_element_type3A_8 = arith.extui %le3A : vector<512x512xi1> to vector<512x512xi32>
    %convert_element_type3A_9 = arith.sitofp %convert_element_type3A_8 : vector<512x512xi32> to vector<512x512xf32>
    %eq3A_10 = arith.constant 0 : i32
    %eq3A_11 = arith.cmpi eq, %arg1, %eq3A_10 : i32
    %convert_element_type3A_12 = arith.extui %eq3A_11 : i1 to i32
    %cond3A = arith.constant 0 : i32
    %cond3A_13 = arith.cmpi ne, %convert_element_type3A_12, %cond3A : i32
    scf.if %cond3A_13 {
      %broadcast_in_dim3A_36 = arith.constant 0.000000e+00 : f32
      %broadcast_in_dim3A_37 = vector.broadcast %broadcast_in_dim3A_36 : f32 to vector<8x128xf32>
      %swap3A_38 = arith.constant 0 : index
      %swap3A_39 = arith.constant 0 : index
      %swap3A_40 = vector.load %arg5[%swap3A_38, %swap3A_39] : memref<8x128xf32, #tpu.memory_space<vmem>>, vector<8x128xf32>
      tpu.vector_store %arg5[%swap3A_38, %swap3A_39], %broadcast_in_dim3A_37 {strides = array<i32>} : memref<8x128xf32, #tpu.memory_space<vmem>>, vector<8x128xf32>,
    } else {
    }
    %get3A_14 = arith.constant 0 : index
    %get3A_15 = arith.constant 0 : index
    %get3A_16 = vector.load %arg5[%get3A_14, %get3A_15] : memref<8x128xf32, #tpu.memory_space<vmem>>, vector<1x128xf32>
    %dot_general3A = arith.constant dense<0.000000e+00> : vector<512x128xf32>
    %dot_general3A_17 = tpu.matmul %convert_element_type3A_9, %convert_element_type3A_5, %dot_general3A {dimension_numbers = #tpu.dot_dimension_numbers<[1], [0], [0], [1], [0, 0, 1, 1], [], []>, transpose_lhs_hint = false} : vector<512x512xf32>, vector<512x128xf32>, vector<512x128xf32> -> vector<512x128xf32>
    %add3A = vector.broadcast %get3A_16 : vector<1x128xf32> to vector<512x128xf32>
    %add3A_18 = arith.addf %dot_general3A_17, %add3A : vector<512x128xf32>
    %reduce_sum3A = arith.constant dense<0.000000e+00> : vector<128xf32>
    %reduce_sum3A_19 = vector.multi_reduction <add>, %convert_element_type3A_5, %reduce_sum3A [0] : vector<512x128xf32> to vector<128xf32>
    %broadcast_in_dim3A = vector.shape_cast %reduce_sum3A_19 : vector<128xf32> to vector<1x128xf32>
    %add3A_20 = arith.addf %get3A_16, %broadcast_in_dim3A : vector<1x128xf32>
    %swap3A = arith.constant 0 : index
    %swap3A_21 = arith.constant 0 : index
    %swap3A_22 = vector.load %arg5[%swap3A, %swap3A_21] : memref<8x128xf32, #tpu.memory_space<vmem>>, vector<1x128xf32>
    tpu.vector_store %arg5[%swap3A, %swap3A_21], %add3A_20 {strides = array<i32>} : memref<8x128xf32, #tpu.memory_space<vmem>>, vector<1x128xf32>,
    %eq3A_23 = arith.constant 0 : i32
    %eq3A_24 = arith.cmpi eq, %arg0, %eq3A_23 : i32
    %eq3A_25 = arith.constant 7 : i32
    %eq3A_26 = arith.cmpi eq, %arg1, %eq3A_25 : i32
    %and3A_27 = arith.andi %eq3A_24, %eq3A_26 : i1
    %convert_element_type3A_28 = arith.extui %and3A_27 : i1 to i32
    %cond3A_29 = arith.constant 0 : i32
    %cond3A_30 = arith.cmpi ne, %convert_element_type3A_28, %cond3A_29 : i32
    scf.if %cond3A_30 {
      %get3A_36 = arith.constant 0 : index
      %get3A_37 = arith.constant 0 : index
      %get3A_38 = vector.load %arg5[%get3A_36, %get3A_37] : memref<8x128xf32, #tpu.memory_space<vmem>>, vector<1x128xf32>
      %add3A_39 = arith.constant 2.550000e+02 : f32
      %add3A_40 = vector.broadcast %add3A_39 : f32 to vector<1x128xf32>
      %add3A_41 = arith.addf %get3A_38, %add3A_40 : vector<1x128xf32>
      %div3A = arith.constant 2.560000e+02 : f32
      %div3A_42 = vector.broadcast %div3A : f32 to vector<1x128xf32>
      %div3A_43 = arith.divf %add3A_41, %div3A_42 : vector<1x128xf32>
      %floor3A = math.floor %div3A_43 : vector<1x128xf32>
      %mul3A = arith.constant 2.560000e+02 : f32
      %mul3A_44 = vector.broadcast %mul3A : f32 to vector<1x128xf32>
      %mul3A_45 = arith.mulf %floor3A, %mul3A_44 : vector<1x128xf32>
      %iota3A_46 = tpu.iota {dimensions = array<i32: 0>} : vector<128x128xi32>
      %iota3A_47 = tpu.iota {dimensions = array<i32: 1>} : vector<128x128xi32>
      %lt3A_48 = arith.cmpi slt, %iota3A_46, %iota3A_47 : vector<128x128xi32>
      %convert_element_type3A_49 = arith.extui %lt3A_48 : vector<128x128xi1> to vector<128x128xi32>
      %convert_element_type3A_50 = arith.sitofp %convert_element_type3A_49 : vector<128x128xi32> to vector<128x128xf32>
      %dot_general3A_51 = arith.constant dense<0.000000e+00> : vector<1x128xf32>
      %dot_general3A_52 = tpu.matmul %mul3A_45, %convert_element_type3A_50, %dot_general3A_51 {dimension_numbers = #tpu.dot_dimension_numbers<[1], [0], [0], [1], [0, 0, 1, 1], [], []>, transpose_lhs_hint = false} : vector<1x128xf32>, vector<128x128xf32>, vector<1x128xf32> -> vector<1x128xf32>
      %swap3A_53 = arith.constant 0 : index
      %swap3A_54 = arith.constant 0 : index
      %swap3A_55 = vector.load %arg6[%swap3A_53, %swap3A_54] : memref<8x128xf32, #tpu.memory_space<vmem>>, vector<1x128xf32>
      tpu.vector_store %arg6[%swap3A_53, %swap3A_54], %dot_general3A_52 {strides = array<i32>} : memref<8x128xf32, #tpu.memory_space<vmem>>, vector<1x128xf32>,
      %iota3A_56 = tpu.iota {dimensions = array<i32: 1>} : vector<1x128xi32>
      %mul3A_57 = arith.constant 256 : i32
      %mul3A_58 = vector.broadcast %mul3A_57 : i32 to vector<1x128xi32>
      %mul3A_59 = arith.muli %iota3A_56, %mul3A_58 : vector<1x128xi32>
      %convert_element_type3A_60 = arith.sitofp %mul3A_59 : vector<1x128xi32> to vector<1x128xf32>
      %broadcast_in_dim3A_61 = arith.constant 0.000000e+00 : f32
      %broadcast_in_dim3A_62 = vector.broadcast %broadcast_in_dim3A_61 : f32 to vector<1x128xf32>
      %slice3A = vector.extract_strided_slice %dot_general3A_52 {offsets = [0, 0], sizes = [1, 1], strides = [1, 1]} : vector<1x128xf32> to vector<1x1xf32>
      %slice3A_63 = vector.extract_strided_slice %mul3A_45 {offsets = [0, 0], sizes = [1, 1], strides = [1, 1]} : vector<1x128xf32> to vector<1x1xf32>
      %ge3A = vector.broadcast %slice3A : vector<1x1xf32> to vector<1x128xf32>
      %ge3A_64 = arith.cmpf oge, %convert_element_type3A_60, %ge3A : vector<1x128xf32>
      %add3A_65 = arith.addf %slice3A, %slice3A_63 : vector<1x1xf32>
      %lt3A_66 = vector.broadcast %add3A_65 : vector<1x1xf32> to vector<1x128xf32>
      %lt3A_67 = arith.cmpf olt, %convert_element_type3A_60, %lt3A_66 : vector<1x128xf32>
      %and3A_68 = arith.andi %ge3A_64, %lt3A_67 : vector<1x128xi1>
      %jit3A = arith.constant 0.000000e+00 : f32
      %jit3A_69 = arith.constant 0.000000e+00 : f32
      %broadcast_in_dim3A_70 = vector.broadcast %jit3A : f32 to vector<1x128xf32>
      %broadcast_in_dim3A_71 = vector.broadcast %jit3A_69 : f32 to vector<1x128xf32>
      %select_n3A = arith.select %and3A_68, %broadcast_in_dim3A_70, %broadcast_in_dim3A_71 : vector<1x128xi1>, vector<1x128xf32>
      %add3A_72 = arith.addf %broadcast_in_dim3A_62, %select_n3A : vector<1x128xf32>
      %slice3A_73 = vector.extract_strided_slice %dot_general3A_52 {offsets = [0, 1], sizes = [1, 1], strides = [1, 1]} : vector<1x128xf32> to vector<1x1xf32>
      %slice3A_74 = vector.extract_strided_slice %mul3A_45 {offsets = [0, 1], sizes = [1, 1], strides = [1, 1]} : vector<1x128xf32> to vector<1x1xf32>
      %ge3A_75 = vector.broadcast %slice3A_73 : vector<1x1xf32> to vector<1x128xf32>
      %ge3A_76 = arith.cmpf oge, %convert_element_type3A_60, %ge3A_75 : vector<1x128xf32>
      %add3A_77 = arith.addf %slice3A_73, %slice3A_74 : vector<1x1xf32>
      %lt3A_78 = vector.broadcast %add3A_77 : vector<1x1xf32> to vector<1x128xf32>
      %lt3A_79 = arith.cmpf olt, %convert_element_type3A_60, %lt3A_78 : vector<1x128xf32>
      %and3A_80 = arith.andi %ge3A_76, %lt3A_79 : vector<1x128xi1>
      %jit3A_81 = arith.constant 1.000000e+00 : f32
      %jit3A_82 = arith.constant 0.000000e+00 : f32
      %broadcast_in_dim3A_83 = vector.broadcast %jit3A_81 : f32 to vector<1x128xf32>
      %broadcast_in_dim3A_84 = vector.broadcast %jit3A_82 : f32 to vector<1x128xf32>
      %select_n3A_85 = arith.select %and3A_80, %broadcast_in_dim3A_83, %broadcast_in_dim3A_84 : vector<1x128xi1>, vector<1x128xf32>
      %add3A_86 = arith.addf %add3A_72, %select_n3A_85 : vector<1x128xf32>
      %slice3A_87 = vector.extract_strided_slice %dot_general3A_52 {offsets = [0, 2], sizes = [1, 1], strides = [1, 1]} : vector<1x128xf32> to vector<1x1xf32>
      %slice3A_88 = vector.extract_strided_slice %mul3A_45 {offsets = [0, 2], sizes = [1, 1], strides = [1, 1]} : vector<1x128xf32> to vector<1x1xf32>
      %ge3A_89 = vector.broadcast %slice3A_87 : vector<1x1xf32> to vector<1x128xf32>
      %ge3A_90 = arith.cmpf oge, %convert_element_type3A_60, %ge3A_89 : vector<1x128xf32>
      %add3A_91 = arith.addf %slice3A_87, %slice3A_88 : vector<1x1xf32>
      %lt3A_92 = vector.broadcast %add3A_91 : vector<1x1xf32> to vector<1x128xf32>
      %lt3A_93 = arith.cmpf olt, %convert_element_type3A_60, %lt3A_92 : vector<1x128xf32>
      %and3A_94 = arith.andi %ge3A_90, %lt3A_93 : vector<1x128xi1>
      %jit3A_95 = arith.constant 2.000000e+00 : f32
      %jit3A_96 = arith.constant 0.000000e+00 : f32
      %broadcast_in_dim3A_97 = vector.broadcast %jit3A_95 : f32 to vector<1x128xf32>
      %broadcast_in_dim3A_98 = vector.broadcast %jit3A_96 : f32 to vector<1x128xf32>
      %select_n3A_99 = arith.select %and3A_94, %broadcast_in_dim3A_97, %broadcast_in_dim3A_98 : vector<1x128xi1>, vector<1x128xf32>
      %add3A_100 = arith.addf %add3A_86, %select_n3A_99 : vector<1x128xf32>
      %slice3A_101 = vector.extract_strided_slice %dot_general3A_52 {offsets = [0, 3], sizes = [1, 1], strides = [1, 1]} : vector<1x128xf32> to vector<1x1xf32>
      %slice3A_102 = vector.extract_strided_slice %mul3A_45 {offsets = [0, 3], sizes = [1, 1], strides = [1, 1]} : vector<1x128xf32> to vector<1x1xf32>
      %ge3A_103 = vector.broadcast %slice3A_101 : vector<1x1xf32> to vector<1x128xf32>
      %ge3A_104 = arith.cmpf oge, %convert_element_type3A_60, %ge3A_103 : vector<1x128xf32>
      %add3A_105 = arith.addf %slice3A_101, %slice3A_102 : vector<1x1xf32>
      %lt3A_106 = vector.broadcast %add3A_105 : vector<1x1xf32> to vector<1x128xf32>
      %lt3A_107 = arith.cmpf olt, %convert_element_type3A_60, %lt3A_106 : vector<1x128xf32>
      %and3A_108 = arith.andi %ge3A_104, %lt3A_107 : vector<1x128xi1>
      %jit3A_109 = arith.constant 3.000000e+00 : f32
      %jit3A_110 = arith.constant 0.000000e+00 : f32
      %broadcast_in_dim3A_111 = vector.broadcast %jit3A_109 : f32 to vector<1x128xf32>
      %broadcast_in_dim3A_112 = vector.broadcast %jit3A_110 : f32 to vector<1x128xf32>
      %select_n3A_113 = arith.select %and3A_108, %broadcast_in_dim3A_111, %broadcast_in_dim3A_112 : vector<1x128xi1>, vector<1x128xf32>
      %add3A_114 = arith.addf %add3A_100, %select_n3A_113 : vector<1x128xf32>
      %slice3A_115 = vector.extract_strided_slice %dot_general3A_52 {offsets = [0, 4], sizes = [1, 1], strides = [1, 1]} : vector<1x128xf32> to vector<1x1xf32>
      %slice3A_116 = vector.extract_strided_slice %mul3A_45 {offsets = [0, 4], sizes = [1, 1], strides = [1, 1]} : vector<1x128xf32> to vector<1x1xf32>
      %ge3A_117 = vector.broadcast %slice3A_115 : vector<1x1xf32> to vector<1x128xf32>
      %ge3A_118 = arith.cmpf oge, %convert_element_type3A_60, %ge3A_117 : vector<1x128xf32>
      %add3A_119 = arith.addf %slice3A_115, %slice3A_116 : vector<1x1xf32>
      %lt3A_120 = vector.broadcast %add3A_119 : vector<1x1xf32> to vector<1x128xf32>
      %lt3A_121 = arith.cmpf olt, %convert_element_type3A_60, %lt3A_120 : vector<1x128xf32>
      %and3A_122 = arith.andi %ge3A_118, %lt3A_121 : vector<1x128xi1>
      %jit3A_123 = arith.constant 4.000000e+00 : f32
      %jit3A_124 = arith.constant 0.000000e+00 : f32
      %broadcast_in_dim3A_125 = vector.broadcast %jit3A_123 : f32 to vector<1x128xf32>
      %broadcast_in_dim3A_126 = vector.broadcast %jit3A_124 : f32 to vector<1x128xf32>
      %select_n3A_127 = arith.select %and3A_122, %broadcast_in_dim3A_125, %broadcast_in_dim3A_126 : vector<1x128xi1>, vector<1x128xf32>
      %add3A_128 = arith.addf %add3A_114, %select_n3A_127 : vector<1x128xf32>
      %slice3A_129 = vector.extract_strided_slice %dot_general3A_52 {offsets = [0, 5], sizes = [1, 1], strides = [1, 1]} : vector<1x128xf32> to vector<1x1xf32>
      %slice3A_130 = vector.extract_strided_slice %mul3A_45 {offsets = [0, 5], sizes = [1, 1], strides = [1, 1]} : vector<1x128xf32> to vector<1x1xf32>
      %ge3A_131 = vector.broadcast %slice3A_129 : vector<1x1xf32> to vector<1x128xf32>
      %ge3A_132 = arith.cmpf oge, %convert_element_type3A_60, %ge3A_131 : vector<1x128xf32>
      %add3A_133 = arith.addf %slice3A_129, %slice3A_130 : vector<1x1xf32>
      %lt3A_134 = vector.broadcast %add3A_133 : vector<1x1xf32> to vector<1x128xf32>
      %lt3A_135 = arith.cmpf olt, %convert_element_type3A_60, %lt3A_134 : vector<1x128xf32>
      %and3A_136 = arith.andi %ge3A_132, %lt3A_135 : vector<1x128xi1>
      %jit3A_137 = arith.constant 5.000000e+00 : f32
      %jit3A_138 = arith.constant 0.000000e+00 : f32
      %broadcast_in_dim3A_139 = vector.broadcast %jit3A_137 : f32 to vector<1x128xf32>
      %broadcast_in_dim3A_140 = vector.broadcast %jit3A_138 : f32 to vector<1x128xf32>
      %select_n3A_141 = arith.select %and3A_136, %broadcast_in_dim3A_139, %broadcast_in_dim3A_140 : vector<1x128xi1>, vector<1x128xf32>
      %add3A_142 = arith.addf %add3A_128, %select_n3A_141 : vector<1x128xf32>
      %slice3A_143 = vector.extract_strided_slice %dot_general3A_52 {offsets = [0, 6], sizes = [1, 1], strides = [1, 1]} : vector<1x128xf32> to vector<1x1xf32>
      %slice3A_144 = vector.extract_strided_slice %mul3A_45 {offsets = [0, 6], sizes = [1, 1], strides = [1, 1]} : vector<1x128xf32> to vector<1x1xf32>
      %ge3A_145 = vector.broadcast %slice3A_143 : vector<1x1xf32> to vector<1x128xf32>
      %ge3A_146 = arith.cmpf oge, %convert_element_type3A_60, %ge3A_145 : vector<1x128xf32>
      %add3A_147 = arith.addf %slice3A_143, %slice3A_144 : vector<1x1xf32>
      %lt3A_148 = vector.broadcast %add3A_147 : vector<1x1xf32> to vector<1x128xf32>
      %lt3A_149 = arith.cmpf olt, %convert_element_type3A_60, %lt3A_148 : vector<1x128xf32>
      %and3A_150 = arith.andi %ge3A_146, %lt3A_149 : vector<1x128xi1>
      %jit3A_151 = arith.constant 6.000000e+00 : f32
      %jit3A_152 = arith.constant 0.000000e+00 : f32
      %broadcast_in_dim3A_153 = vector.broadcast %jit3A_151 : f32 to vector<1x128xf32>
      %broadcast_in_dim3A_154 = vector.broadcast %jit3A_152 : f32 to vector<1x128xf32>
      %select_n3A_155 = arith.select %and3A_150, %broadcast_in_dim3A_153, %broadcast_in_dim3A_154 : vector<1x128xi1>, vector<1x128xf32>
      %add3A_156 = arith.addf %add3A_142, %select_n3A_155 : vector<1x128xf32>
      %slice3A_157 = vector.extract_strided_slice %dot_general3A_52 {offsets = [0, 7], sizes = [1, 1], strides = [1, 1]} : vector<1x128xf32> to vector<1x1xf32>
      %slice3A_158 = vector.extract_strided_slice %mul3A_45 {offsets = [0, 7], sizes = [1, 1], strides = [1, 1]} : vector<1x128xf32> to vector<1x1xf32>
      %ge3A_159 = vector.broadcast %slice3A_157 : vector<1x1xf32> to vector<1x128xf32>
      %ge3A_160 = arith.cmpf oge, %convert_element_type3A_60, %ge3A_159 : vector<1x128xf32>
      %add3A_161 = arith.addf %slice3A_157, %slice3A_158 : vector<1x1xf32>
      %lt3A_162 = vector.broadcast %add3A_161 : vector<1x1xf32> to vector<1x128xf32>
      %lt3A_163 = arith.cmpf olt, %convert_element_type3A_60, %lt3A_162 : vector<1x128xf32>
      %and3A_164 = arith.andi %ge3A_160, %lt3A_163 : vector<1x128xi1>
      %jit3A_165 = arith.constant 7.000000e+00 : f32
      %jit3A_166 = arith.constant 0.000000e+00 : f32
      %broadcast_in_dim3A_167 = vector.broadcast %jit3A_165 : f32 to vector<1x128xf32>
      %broadcast_in_dim3A_168 = vector.broadcast %jit3A_166 : f32 to vector<1x128xf32>
      %select_n3A_169 = arith.select %and3A_164, %broadcast_in_dim3A_167, %broadcast_in_dim3A_168 : vector<1x128xi1>, vector<1x128xf32>
      %add3A_170 = arith.addf %add3A_156, %select_n3A_169 : vector<1x128xf32>
      %slice3A_171 = vector.extract_strided_slice %dot_general3A_52 {offsets = [0, 8], sizes = [1, 1], strides = [1, 1]} : vector<1x128xf32> to vector<1x1xf32>
      %ge3A_172 = vector.broadcast %slice3A_171 : vector<1x1xf32> to vector<1x128xf32>
      %ge3A_173 = arith.cmpf oge, %convert_element_type3A_60, %ge3A_172 : vector<1x128xf32>
      %jit3A_174 = arith.constant 7.000000e+00 : f32
      %broadcast_in_dim3A_175 = vector.broadcast %jit3A_174 : f32 to vector<1x128xf32>
      %select_n3A_176 = arith.select %ge3A_173, %broadcast_in_dim3A_175, %add3A_170 : vector<1x128xi1>, vector<1x128xf32>
      %convert_element_type3A_177 = arith.fptosi %select_n3A_176 : vector<1x128xf32> to vector<1x128xi32>
      %swap3A_178 = arith.constant 0 : index
      %swap3A_179 = arith.constant 0 : index
      %swap3A_180 = vector.load %arg4[%swap3A_178, %swap3A_179] : memref<1x128xi32, #tpu.memory_space<vmem>>, vector<1x128xi32>
      tpu.vector_store %arg4[%swap3A_178, %swap3A_179], %convert_element_type3A_177 {strides = array<i32>} : memref<1x128xi32, #tpu.memory_space<vmem>>, vector<1x128xi32>,
    } else {
    }
    %eq3A_31 = arith.constant 1 : i32
    %eq3A_32 = arith.cmpi eq, %arg0, %eq3A_31 : i32
    %convert_element_type3A_33 = arith.extui %eq3A_32 : i1 to i32
    %cond3A_34 = arith.constant 0 : i32
    %cond3A_35 = arith.cmpi ne, %convert_element_type3A_33, %cond3A_34 : i32
    scf.if %cond3A_35 {
      %get3A_36 = arith.constant 0 : index
      %get3A_37 = arith.constant 0 : index
      %get3A_38 = vector.load %arg6[%get3A_36, %get3A_37] : memref<8x128xf32, #tpu.memory_space<vmem>>, vector<1x128xf32>
      %add3A_39 = vector.broadcast %get3A_38 : vector<1x128xf32> to vector<512x128xf32>
      %add3A_40 = arith.addf %add3A_39, %add3A_18 : vector<512x128xf32>
      %sub3A = arith.constant 1.000000e+00 : f32
      %sub3A_41 = vector.broadcast %sub3A : f32 to vector<512x128xf32>
      %sub3A_42 = arith.subf %add3A_40, %sub3A_41 : vector<512x128xf32>
      %mul3A = arith.mulf %convert_element_type3A_5, %sub3A_42 : vector<512x128xf32>
      %reduce_sum3A_43 = arith.constant dense<0.000000e+00> : vector<512xf32>
      %reduce_sum3A_44 = vector.multi_reduction <add>, %mul3A, %reduce_sum3A_43 [1] : vector<512x128xf32> to vector<512xf32>
      %broadcast_in_dim3A_45 = vector.shape_cast %reduce_sum3A_44 : vector<512xf32> to vector<512x1xf32>
      %convert_element_type3A_46 = arith.fptosi %broadcast_in_dim3A_45 : vector<512x1xf32> to vector<512x1xi32>
      %swap3A_47 = arith.constant 0 : index
      %swap3A_48 = arith.constant 0 : index
      %swap3A_49 = vector.load %arg3[%swap3A_47, %swap3A_48] : memref<512x1xi32, #tpu.memory_space<vmem>>, vector<512x1xi32>
      tpu.vector_store %arg3[%swap3A_47, %swap3A_48], %convert_element_type3A_46 {strides = array<i32>} : memref<512x1xi32, #tpu.memory_space<vmem>>, vector<512x1xi32>,
    } else {
    }
    return
  }
  func.func @transform_0(%arg0: i32, %arg1: i32) -> (i32, i32) {
    %c0_i32 = arith.constant 0 : i32
    %c0_i32_0 = arith.constant 0 : i32
    return %arg1, %c0_i32 : i32, i32
  }
  func.func @transform_1(%arg0: i32, %arg1: i32) -> (i32, i32) {
    %c0_i32 = arith.constant 0 : i32
    %c0_i32_0 = arith.constant 0 : i32
    return %arg1, %c0_i32 : i32, i32
  }
  func.func @transform_2(%arg0: i32, %arg1: i32) -> (i32, i32) {
    %c0_i32 = arith.constant 0 : i32
    %c0_i32_0 = arith.constant 0 : i32
    %c0_i32_1 = arith.constant 0 : i32
    return %c0_i32, %c0_i32_0 : i32, i32
  }
}

module attributes {stable_mosaic.version = 14 : i64} {
  func.func @_gffn_body(%arg0: i32, %arg1: memref<128xi32, #tpu.memory_space<smem>>, %arg2: memref<256x1024xf32, #tpu.memory_space<vmem>>, %arg3: memref<1x1024x2048xbf16, #tpu.memory_space<vmem>>, %arg4: memref<1x1024x2048xbf16, #tpu.memory_space<vmem>>, %arg5: memref<1x2048x1024xbf16, #tpu.memory_space<vmem>>, %arg6: memref<256x1024xf32, #tpu.memory_space<vmem>>) attributes {dimension_semantics = [#tpu.dimension_semantics<arbitrary>], iteration_bounds = array<i64: 24>, scalar_prefetch = 1 : i64, scratch_operands = 0 : i64, tpu.core_type = #tpu.core_type<tc>, window_params = [{transform_indices = @transform_0, window_bounds = array<i64: 256, 1024>}, {transform_indices = @transform_1, window_bounds = array<i64: 1, 1024, 2048>}, {transform_indices = @transform_2, window_bounds = array<i64: 1, 1024, 2048>}, {transform_indices = @transform_3, window_bounds = array<i64: 1, 2048, 1024>}, {transform_indices = @transform_4, window_bounds = array<i64: 256, 1024>}]} {
    %get3A = arith.constant 0 : index
    %get3A_0 = arith.constant 0 : index
    %get3A_1 = vector.load %arg2[%get3A, %get3A_0] : memref<256x1024xf32, #tpu.memory_space<vmem>>, vector<256x1024xf32>
    %convert_element_type3A = arith.truncf %get3A_1 : vector<256x1024xf32> to vector<256x1024xbf16>
    %get3A_2 = arith.constant 0 : index
    %get3A_3 = arith.constant 0 : index
    %get3A_4 = arith.constant 0 : index
    %get3A_5 = vector.load %arg3[%get3A_2, %get3A_3, %get3A_4] : memref<1x1024x2048xbf16, #tpu.memory_space<vmem>>, vector<1x1024x2048xbf16>
    %get3A_6 = vector.shape_cast %get3A_5 : vector<1x1024x2048xbf16> to vector<1024x2048xbf16>
    %dot_general3A = arith.constant dense<0.000000e+00> : vector<256x2048xf32>
    %dot_general3A_7 = tpu.matmul %convert_element_type3A, %get3A_6, %dot_general3A {dimension_numbers = #tpu.dot_dimension_numbers<[1], [0], [0], [1], [0, 0, 1, 1], [], []>, transpose_lhs_hint = false} : vector<256x1024xbf16>, vector<1024x2048xbf16>, vector<256x2048xf32> -> vector<256x2048xf32>
    %get3A_8 = arith.constant 0 : index
    %get3A_9 = arith.constant 0 : index
    %get3A_10 = arith.constant 0 : index
    %get3A_11 = vector.load %arg4[%get3A_8, %get3A_9, %get3A_10] : memref<1x1024x2048xbf16, #tpu.memory_space<vmem>>, vector<1x1024x2048xbf16>
    %get3A_12 = vector.shape_cast %get3A_11 : vector<1x1024x2048xbf16> to vector<1024x2048xbf16>
    %dot_general3A_13 = arith.constant dense<0.000000e+00> : vector<256x2048xf32>
    %dot_general3A_14 = tpu.matmul %convert_element_type3A, %get3A_12, %dot_general3A_13 {dimension_numbers = #tpu.dot_dimension_numbers<[1], [0], [0], [1], [0, 0, 1, 1], [], []>, transpose_lhs_hint = false} : vector<256x1024xbf16>, vector<1024x2048xbf16>, vector<256x2048xf32> -> vector<256x2048xf32>
    %logistic3A = arith.negf %dot_general3A_7 : vector<256x2048xf32>
    %logistic3A_15 = math.exp %logistic3A : vector<256x2048xf32>
    %logistic3A_16 = arith.constant 1.000000e+00 : f32
    %logistic3A_17 = vector.broadcast %logistic3A_16 : f32 to vector<256x2048xf32>
    %logistic3A_18 = arith.addf %logistic3A_17, %logistic3A_15 : vector<256x2048xf32>
    %logistic3A_19 = arith.divf %logistic3A_17, %logistic3A_18 : vector<256x2048xf32>
    %mul3A = arith.mulf %dot_general3A_7, %logistic3A_19 : vector<256x2048xf32>
    %mul3A_20 = arith.mulf %mul3A, %dot_general3A_14 : vector<256x2048xf32>
    %convert_element_type3A_21 = arith.truncf %mul3A_20 : vector<256x2048xf32> to vector<256x2048xbf16>
    %get3A_22 = arith.constant 0 : index
    %get3A_23 = arith.constant 0 : index
    %get3A_24 = arith.constant 0 : index
    %get3A_25 = vector.load %arg5[%get3A_22, %get3A_23, %get3A_24] : memref<1x2048x1024xbf16, #tpu.memory_space<vmem>>, vector<1x2048x1024xbf16>
    %get3A_26 = vector.shape_cast %get3A_25 : vector<1x2048x1024xbf16> to vector<2048x1024xbf16>
    %dot_general3A_27 = arith.constant dense<0.000000e+00> : vector<256x1024xf32>
    %dot_general3A_28 = tpu.matmul %convert_element_type3A_21, %get3A_26, %dot_general3A_27 {dimension_numbers = #tpu.dot_dimension_numbers<[1], [0], [0], [1], [0, 0, 1, 1], [], []>, transpose_lhs_hint = false} : vector<256x2048xbf16>, vector<2048x1024xbf16>, vector<256x1024xf32> -> vector<256x1024xf32>
    %swap3A = arith.constant 0 : index
    %swap3A_29 = arith.constant 0 : index
    %swap3A_30 = vector.load %arg6[%swap3A, %swap3A_29] : memref<256x1024xf32, #tpu.memory_space<vmem>>, vector<256x1024xf32>
    tpu.vector_store %arg6[%swap3A, %swap3A_29], %dot_general3A_28 {strides = array<i32>} : memref<256x1024xf32, #tpu.memory_space<vmem>>, vector<256x1024xf32>,
    return
  }
  func.func @transform_0(%arg0: i32, %arg1: memref<128xi32, #tpu.memory_space<smem>>) -> (i32, i32) {
    %c0_i32 = arith.constant 0 : i32
    %c0_i32_0 = arith.constant 0 : i32
    return %arg0, %c0_i32 : i32, i32
  }
  func.func @transform_1(%arg0: i32, %arg1: memref<128xi32, #tpu.memory_space<smem>>) -> (i32, i32, i32) {
    %get3A = arith.index_cast %arg0 : i32 to index
    %get3A_0 = memref.load %arg1[%get3A] : memref<128xi32, #tpu.memory_space<smem>>
    %c0_i32 = arith.constant 0 : i32
    %c0_i32_1 = arith.constant 0 : i32
    %c0_i32_2 = arith.constant 0 : i32
    return %get3A_0, %c0_i32, %c0_i32_1 : i32, i32, i32
  }
  func.func @transform_2(%arg0: i32, %arg1: memref<128xi32, #tpu.memory_space<smem>>) -> (i32, i32, i32) {
    %get3A = arith.index_cast %arg0 : i32 to index
    %get3A_0 = memref.load %arg1[%get3A] : memref<128xi32, #tpu.memory_space<smem>>
    %c0_i32 = arith.constant 0 : i32
    %c0_i32_1 = arith.constant 0 : i32
    %c0_i32_2 = arith.constant 0 : i32
    return %get3A_0, %c0_i32, %c0_i32_1 : i32, i32, i32
  }
  func.func @transform_3(%arg0: i32, %arg1: memref<128xi32, #tpu.memory_space<smem>>) -> (i32, i32, i32) {
    %get3A = arith.index_cast %arg0 : i32 to index
    %get3A_0 = memref.load %arg1[%get3A] : memref<128xi32, #tpu.memory_space<smem>>
    %c0_i32 = arith.constant 0 : i32
    %c0_i32_1 = arith.constant 0 : i32
    %c0_i32_2 = arith.constant 0 : i32
    return %get3A_0, %c0_i32, %c0_i32_1 : i32, i32, i32
  }
  func.func @transform_4(%arg0: i32, %arg1: memref<128xi32, #tpu.memory_space<smem>>) -> (i32, i32) {
    %c0_i32 = arith.constant 0 : i32
    %c0_i32_0 = arith.constant 0 : i32
    return %arg0, %c0_i32 : i32, i32
  }
}

module attributes {stable_mosaic.version = 14 : i64} {
  func.func @_combine_body(%arg0: i32, %arg1: memref<256x1024xf32, #tpu.memory_space<vmem>>, %arg2: memref<256x1xf32, #tpu.memory_space<vmem>>, %arg3: memref<256x1xf32, #tpu.memory_space<vmem>>, %arg4: memref<256x1024xf32, #tpu.memory_space<vmem>>, %arg5: memref<256x1024xf32, #tpu.memory_space<vmem>>, %arg6: memref<256x1024xf32, #tpu.memory_space<vmem>>) attributes {dimension_semantics = [#tpu.dimension_semantics<arbitrary>], iteration_bounds = array<i64: 8>, scalar_prefetch = 0 : i64, scratch_operands = 0 : i64, tpu.core_type = #tpu.core_type<tc>, window_params = [{transform_indices = @transform_0, window_bounds = array<i64: 256, 1024>}, {transform_indices = @transform_1, window_bounds = array<i64: 256, 1>}, {transform_indices = @transform_2, window_bounds = array<i64: 256, 1>}, {transform_indices = @transform_3, window_bounds = array<i64: 256, 1024>}, {transform_indices = @transform_4, window_bounds = array<i64: 256, 1024>}, {transform_indices = @transform_5, window_bounds = array<i64: 256, 1024>}]} {
    %get3A = arith.constant 0 : index
    %get3A_0 = arith.constant 0 : index
    %get3A_1 = vector.load %arg1[%get3A, %get3A_0] : memref<256x1024xf32, #tpu.memory_space<vmem>>, vector<256x1024xf32>
    %get3A_2 = arith.constant 0 : index
    %get3A_3 = arith.constant 0 : index
    %get3A_4 = vector.load %arg2[%get3A_2, %get3A_3] : memref<256x1xf32, #tpu.memory_space<vmem>>, vector<256x1xf32>
    %get3A_5 = arith.constant 0 : index
    %get3A_6 = arith.constant 0 : index
    %get3A_7 = vector.load %arg4[%get3A_5, %get3A_6] : memref<256x1024xf32, #tpu.memory_space<vmem>>, vector<256x1024xf32>
    %mul3A = vector.broadcast %get3A_4 : vector<256x1xf32> to vector<256x1024xf32>
    %mul3A_8 = arith.mulf %mul3A, %get3A_7 : vector<256x1024xf32>
    %add3A = arith.addf %get3A_1, %mul3A_8 : vector<256x1024xf32>
    %get3A_9 = arith.constant 0 : index
    %get3A_10 = arith.constant 0 : index
    %get3A_11 = vector.load %arg3[%get3A_9, %get3A_10] : memref<256x1xf32, #tpu.memory_space<vmem>>, vector<256x1xf32>
    %get3A_12 = arith.constant 0 : index
    %get3A_13 = arith.constant 0 : index
    %get3A_14 = vector.load %arg5[%get3A_12, %get3A_13] : memref<256x1024xf32, #tpu.memory_space<vmem>>, vector<256x1024xf32>
    %mul3A_15 = vector.broadcast %get3A_11 : vector<256x1xf32> to vector<256x1024xf32>
    %mul3A_16 = arith.mulf %mul3A_15, %get3A_14 : vector<256x1024xf32>
    %add3A_17 = arith.addf %add3A, %mul3A_16 : vector<256x1024xf32>
    %swap3A = arith.constant 0 : index
    %swap3A_18 = arith.constant 0 : index
    %swap3A_19 = vector.load %arg6[%swap3A, %swap3A_18] : memref<256x1024xf32, #tpu.memory_space<vmem>>, vector<256x1024xf32>
    tpu.vector_store %arg6[%swap3A, %swap3A_18], %add3A_17 {strides = array<i32>} : memref<256x1024xf32, #tpu.memory_space<vmem>>, vector<256x1024xf32>,
    return
  }
  func.func @transform_0(%arg0: i32) -> (i32, i32) {
    %c0_i32 = arith.constant 0 : i32
    %c0_i32_0 = arith.constant 0 : i32
    return %arg0, %c0_i32 : i32, i32
  }
  func.func @transform_1(%arg0: i32) -> (i32, i32) {
    %c0_i32 = arith.constant 0 : i32
    %c0_i32_0 = arith.constant 0 : i32
    return %arg0, %c0_i32 : i32, i32
  }
  func.func @transform_2(%arg0: i32) -> (i32, i32) {
    %c0_i32 = arith.constant 0 : i32
    %c0_i32_0 = arith.constant 0 : i32
    return %arg0, %c0_i32 : i32, i32
  }
  func.func @transform_3(%arg0: i32) -> (i32, i32) {
    %c0_i32 = arith.constant 0 : i32
    %c0_i32_0 = arith.constant 0 : i32
    return %arg0, %c0_i32 : i32, i32
  }
  func.func @transform_4(%arg0: i32) -> (i32, i32) {
    %add3A = arith.constant 8 : i32
    %add3A_0 = arith.addi %arg0, %add3A : i32
    %c0_i32 = arith.constant 0 : i32
    %c0_i32_1 = arith.constant 0 : i32
    return %add3A_0, %c0_i32 : i32, i32
  }
  func.func @transform_5(%arg0: i32) -> (i32, i32) {
    %c0_i32 = arith.constant 0 : i32
    %c0_i32_0 = arith.constant 0 : i32
    return %arg0, %c0_i32 : i32, i32
  }
}

</mosaic_0001>

<sc_bundles>
// kernel: kernel.10.cloned.1.call-start
scs
__scs_entry_jumppad:
0x0: {  	(pc) =	sbr.rel $0x88, $3  }
0x1: {  	(tag) =	ssettag $0x0;
	lr =	simm.s32 $0x1  }
0x2: {  	[smem:$0x3F8F] =	sst lr;
	_ =	strace $0xD0000000  }
0x3: {  	_ = 	snop  }
0x4: {  	_ = 	snop  }
0x5: {  	_ = 	snop  }
0x6: {  	_ = 	snop  }
0x7: {  	_ = 	snop  }
__scs_overlays_trampoline_lowered:
0x8: {  	[smem:$0x3F9E] =	sst s0  }
0x9: {  	[smem:$0x3F9F] =	sst s1  }
0xa: {  	[smem:$0x3FA0] =	sst s2  }
0xb: {  	[smem:$0x3FA1] =	sst s3  }
0xc: {  	[smem:$0x3FA2] =	sst s4  }
0xd: {  	[smem:$0x3FA3] =	sst s5  }
0xe: {  	[smem:$0x3FA4] =	sst s6  }
0xf: {  	[smem:$0x3FA5] =	sst s7  }
0x10: {  	[smem:$0x3FA6] =	sst s8  }
0x11: {  	[smem:$0x3FA7] =	sst s9;
	s0 =	simm.s32 @!p0 $0x0  }
0x12: {  	s1 =	sld [smem:$0x3F8D];
	s0 =	simm.s32 @p0 $0x1  }
0x13: {  	[smem:$0x3FA8] =	sst s0;
	s0 =	simm.s32 @!p1 $0x0  }
0x14: {  	s2 =	sld [smem:$0x3F8C];
	s0 =	simm.s32 @p1 $0x1  }
0x15: {  	[smem:$0x3FA9] =	sst s0;
	s0 =	simm.s32 @!p2 $0x0  }
0x16: {  	s3 =	sld [smem:$0x3FDB];
	s0 =	simm.s32 @p2 $0x1  }
0x17: {  	s4 =	simm.s32 $0x1BF5;
	[smem:$0x3FAB] =	sst s0  }
0x18: {  	s0 =	sld [smem:$0x3F8E];
	_ =	swait.ge [sflag:s4], $0x0  }
0x19: {  	s7 =	sld [smem:$0x3F8F]  }
0x1a: {  	s8 =	sadd.s32 $0xFFFFE003, lr  }
0x1b: {  	s9 =	sadd.s32 $0xFFFFFEF7, lr;
	s5 =	simm.s32 $0xFFFFFFFF;
	p2 =	slt.u32 s8, $0xFFFFF086  }
0x1c: {  	p1 =	slt.u32 s9, $0xF7A;
	s5 =	simm.s32 @!p2 $0x0  }
0x1d: {  	s5 =	simm.s32 @p1 $0x1;
	p0 =	seq.s32 s7, s2  }
0x1e: {  	s7 =	smul.u32 @!p0 $0xF7A, s2;
	p2 =	seq.s32 @!p0 s5, $0x0  }
0x1f: {  	s9 =	smul.u32 $0xF7A, s1;
	s8 =	simm.s32 @!p0 $0x1BF5;
	p2 =	por !p2, p0  }
0x20: {  	[sflag:s8] =	ssyncset.s32 @!p0 $0xFFFFF086;
	s6 =	sadd.s32 @!p0 s3, s7;
	s7 =	simm.s32 @!p0 $0x108  }
0x21: {  	s3 =	sadd.s32 s3, s9;
	s6 =	sadd.s32 @!p0 $0x88, s6;
	s7 =	simm.s32 @p2 $0x1082  }
0x22: {  	[simem:s7], [sflag:s8] =	dma.local @!p0 [hbm:s6], $0xF7A  }
0x23: {  	s9 =	sor.u32 $0xD0000000, s2;
	s6 =	simm.s32 $0x108;
	_ =	swait.ge @!p0 [sflag:s8], $0x0  }
0x24: {  	s3 =	sadd.s32 $0x88, s3;
	s6 =	simm.s32 @!p1 $0x1082;
	[sflag:s4] =	ssyncset.s32 $0xFFFFF086  }
0x25: {  	[simem:s6], [sflag:s4] =	dma.local [hbm:s3], $0xF7A  }
0x26: {  	[smem:$0x3F8F] =	sst s1;
	(tag) =	ssettag s2;
	_ =	strace s9  }
0x27: {  	s1 =	sld [smem:$0x3F9F]  }
0x28: {  	s2 =	sld [smem:$0x3FA0]  }
0x29: {  	s4 =	sld [smem:$0x3FA2]  }
0x2a: {  	p0 =	seq.s32 s5, $0x0;
	s5 =	sld [smem:$0x3FA3]  }
0x2b: {  	s6 =	sld [smem:$0x3FA4]  }
0x2c: {  	s7 =	sld [smem:$0x3FA5]  }
0x2d: {  	s3 =	simm.s32 $0x108;
	s8 =	sld [smem:$0x3FA6]  }
0x2e: {  	s3 =	simm.s32 @!p0 $0x1082;
	s9 =	sld [smem:$0x3FA7]  }
0x2f: {  	lr =	sadd.s32 s0, s3;
	s0 =	sld [smem:$0x3F9E]  }
0x30: {  	s3 =	sld [smem:$0x3FA1]  }
0x31: {  	[smem:$0x3FAA] =	sst s10  }
0x32: {  	s10 =	sld [smem:$0x3FA8];
	_ =	sdelay $0x3  }
0x33: {  	p0 =	seq.s32 s10, $0x1;
	s10 =	sld [smem:$0x3FAA];
	_ =	sdelay $0x3  }
0x34: {  	[smem:$0x3FAA] =	sst s10  }
0x35: {  	s10 =	sld [smem:$0x3FA9];
	_ =	sdelay $0x3  }
0x36: {  	p1 =	seq.s32 s10, $0x1;
	s10 =	sld [smem:$0x3FAA];
	_ =	sdelay $0x3  }
0x37: {  	[smem:$0x3FAA] =	sst s10  }
0x38: {  	s10 =	sld [smem:$0x3FAB]  }
0x39: {  	_ = 	snop;
	(pc) =	sbr.ind lr, $3  }
0x3a: {  	_ = 	snop  }
0x3b: {  	_ = 	snop  }
0x3c: {  	p2 =	seq.s32 s10, $0x1;
	s10 =	sld [smem:$0x3FAA]  }
0x3d: {  	_ =	shalt  }
0x3e: {  	_ =	shalt  }
0x3f: {  	_ =	shalt  }
0x40: {  	_ =	shalt  }
0x41: {  	_ =	shalt  }
0x42: {  	_ =	shalt  }
0x43: {  	_ =	shalt  }
0x44: {  	_ =	shalt  }
0x45: {  	_ =	shalt  }
0x46: {  	_ =	shalt  }
0x47: {  	_ =	shalt  }
0x48: {  	_ =	shalt  }
0x49: {  	_ =	shalt  }
0x4a: {  	_ =	shalt  }
0x4b: {  	_ =	shalt  }
0x4c: {  	_ =	shalt  }
0x4d: {  	_ =	shalt  }
0x4e: {  	_ =	shalt  }
0x4f: {  	_ =	shalt  }
0x50: {  	_ =	shalt  }
0x51: {  	_ =	shalt  }
0x52: {  	_ =	shalt  }
0x53: {  	_ =	shalt  }
0x54: {  	_ =	shalt  }
0x55: {  	_ =	shalt  }
0x56: {  	_ =	shalt  }
0x57: {  	_ =	shalt  }
0x58: {  	_ =	shalt  }
0x59: {  	_ =	shalt  }
0x5a: {  	_ =	shalt  }
0x5b: {  	_ =	shalt  }
0x5c: {  	_ =	shalt  }
0x5d: {  	_ =	shalt  }
0x5e: {  	_ =	shalt  }
0x5f: {  	_ =	shalt  }
0x60: {  	_ =	shalt  }
0x61: {  	_ =	shalt  }
0x62: {  	_ =	shalt  }
0x63: {  	_ =	shalt  }
0x64: {  	_ =	shalt  }
0x65: {  	_ =	shalt  }
0x66: {  	_ =	shalt  }
0x67: {  	_ =	shalt  }
0x68: {  	_ =	shalt  }
0x69: {  	_ =	shalt  }
0x6a: {  	_ =	shalt  }
0x6b: {  	_ =	shalt  }
0x6c: {  	_ =	shalt  }
0x6d: {  	_ =	shalt  }
0x6e: {  	_ =	shalt  }
0x6f: {  	_ =	shalt  }
0x70: {  	_ =	shalt  }
0x71: {  	_ =	shalt  }
0x72: {  	_ =	shalt  }
0x73: {  	_ =	shalt  }
0x74: {  	_ =	shalt  }
0x75: {  	_ =	shalt  }
0x76: {  	_ =	shalt  }
0x77: {  	_ =	shalt  }
0x78: {  	_ =	shalt  }
0x79: {  	_ =	shalt  }
0x7a: {  	_ =	shalt  }
0x7b: {  	_ =	shalt  }
0x7c: {  	_ =	shalt  }
0x7d: {  	_ =	shalt  }
0x7e: {  	_ =	shalt  }
0x7f: {  	_ =	shalt  }
0x80: {  	_ =	shalt  }
0x81: {  	_ =	shalt  }
0x82: {  	_ =	shalt  }
0x83: {  	_ =	shalt  }
0x84: {  	_ =	shalt  }
0x85: {  	_ =	shalt  }
0x86: {  	_ =	shalt  }
0x87: {  	_ =	shalt  }
.Lfunc_end0:
.L_simem_size_0:
called_computation_lowered:
.L_overlay_start_0:
0x88: {  	s2 =	sld [smem:$0x3FD9]  }
0x89: {  	s3 =	sld [smem:$0x3FFE];
	_ =	sdelay $0x1  }
0x8a: {  	s1 =	srdreg.scid  }
0x8b: {  	s0 =	sand.u32 $0x1, s1  }
0x8c: {  	s17 =	sshll.u32 s0, $0xA;
	s2 =	sadd.s32 s3, s2  }
0x8d: {  	s2 =	sadd.s32 s2, s17  }
0x8e: {  	[smem:$0x3FB6] =	sst s2  }
0x8f: {  	_ = 	snop  }
0x90: {  	s2 =	sld [smem:$0x3FD0];
	(tm) =	ssettm $0x1  }
0x91: {  	s18 =	sld [smem:$0x3FFB];
	_ =	sdelay $0x3  }
0x92: {  	_ =	strace s18  }
0x93: {  	s3 =	sld [smem:$0x3FFC];
	_ =	sdelay $0x3  }
0x94: {  	_ =	strace s3  }
0x95: {  	s3 =	sld [smem:$0x3FFD];
	_ =	sdelay $0x3  }
0x96: {  	_ =	strace s3  }
0x97: {  	_ =	strace $0x8FFFFFFF  }
0x98: {  	s19 =	sld [smem:$0x3FDB];
	_ =	sdelay $0x1  }
0x99: {  	s4 =	simm.s32 $_scs_section_size  }
0x9a: {  	s5 =	simm.s32 $_size__tile_overlayer_lowered;
	s6 =	simm.s32 $_tile_overlayer_lowered  }
0x9b: {  	s22 =	simm.s32 $0x1BFF;
	s21 =	sshll.u32 s6, $0x1;
	s3 =	sadd.s32 s4, s19  }
0x9c: {  	s7 =	simm.s32 $0x0;
	s20 =	sshll.u32 s5, $0x1;
	s5 =	sadd.s32 s21, s3  }
0x9d: {  	[timem:s7], [sflag:s22] =	dma.local [hbm:s5], s20  }
0x9e: {  	_ =	swait.ge [sflag:s22], s20  }
0x9f: {  	s4 =	ssub.s32 $0x0, s20;
	[sflag:s22] =	ssyncset.done $0x0  }
0xa0: {  	[sflag:s22] =	ssyncadd.s32 s4;
	_ =	sdelay $0x1  }
0xa1: {  	s23 =	simm.s32 $0x1B8B  }
0xa2: {  	_ =	swait.ge [sflag:s23], $0x1  }
0xa3: {  	[sflag:s23] =	ssyncset.done $0x0  }
0xa4: {  	s25 =	simm.s32 $0x1B8E;
	s24 =	sld [smem:$0x3FFE];
	[sflag:s23] =	ssyncadd.s32 $0xFFFFFFFF  }
0xa5: {  	s26 =	simm.s32 $execute0_lowered;
	[smem:$0x3FD2] =	sst s25  }
0xa6: {  	s5 =	sshll.u32 s26, $0x1;
	_ =	strace $0x80000046;
	[dreg:$0x1] =	wrdreg $0xFFFFFFFF  }
0xa7: {  	s28 =	simm.s32 $_size_execute0_lowered;
	s3 =	sadd.s32 s3, s5;
	[dreg:$0x0] =	wrdreg $0x0  }
0xa8: {  	s5 =	sshll.u32 s28, $0x1;
	[dreg:$0x2] =	wrdreg s3  }
0xa9: {  	[dreg:$0x3] =	wrdreg s5  }
0xaa: {  	[dreg:$0x4] =	wrdreg $0xC0  }
0xab: {  	_ =	task [dreg:s7], $0x5FFFF  }
0xac: {  	[dreg:$0x1] =	wrdreg $0xFFFFFFFF  }
0xad: {  	[dreg:$0x0] =	wrdreg $0x60  }
0xae: {  	[dreg:$0x2] =	wrdreg s2  }
0xaf: {  	[dreg:$0x3] =	wrdreg s24  }
0xb0: {  	[dreg:$0x4] =	wrdreg $0x9  }
0xb1: {  	_ =	task.clear_ibuf [dreg:s7], $0x5FFFF;
	_ =	strace $0x90000046  }
0xb2: {  	s29 =	simm.s32 $0x9;
	_ =	strace $0x80000048  }
0xb3: {  	_ =	swait.ge [sflag:s29], $0x1  }
0xb4: {  	[sflag:s29] =	ssyncadd.s32 $0xFFFFFFFF  }
0xb5: {  	_ =	strace $0x90000048  }
0xb6: {  	_ =	sfence  }
0xb7: {  	s30 =	sld [smem:$0x0];
	_ =	sdelay $0x2  }
0xb8: {  	s31 =	sshll.u32 s1, $0xD;
	s1 =	sshrl.u32 s1, $0x2  }
0xb9: {  	s3 =	sand.u32 $0x4000, s31;
	s1 =	sadd.s32 s1, s30  }
0xba: {  	s0 =	sor.u32 s3, s0;
	s1 =	sshll.u32 s1, $0x11  }
0xbb: {  	s0 =	sor.u32 s1, s0  }
0xbc: {  	s0 =	sadd.s32 $0x8F2B, s0  }
0xbd: {  	[sflag:s0] =	ssyncadd.remote.s32 $0x1  }
0xbe: {  	_ =	sfence.sel $0xFFFF  }
0xbf: {  	[dreg:$0x0] =	wrdreg $0xFFFFFFFF;
	(pc) =	sbr.abs _section_cstart, $3  }
0xc0: {  	[dreg:$0x1] =	wrdreg $0xFFFFFFFF  }
0xc1: {  	_ =	task.clear_ibuf [dreg:s7], $0x2FFFF;
	_ =	strace $0x9FFFFFFF  }
0xc2: {  	(tm) =	ssettm $0x7FFFFFFF  }
0xc3: {  	_ =	shalt  }
tec
execute0_lowered:
.L_overlay_start_1:
0x0: {  	(tag) =	ssettag $0x1  }
0x1: {  	s0 =	rddreg [dreg:$0x0]  }
0x2: {  	s1 =	rddreg [dreg:$0x1]  }
0x3: {  	s3 =	srdreg.scid;
	s7 =	stileid.u32;
	s2 =	simm.s32 $0x0  }
0x4: {  	s18 =	simm.s32 $0x1;
	s20 =	simm.s32 $0x880;
	s21 =	simm.s32 $0x1080  }
0x5: {  	s28 =	simm.s32 $0x4080;
	s29 =	simm.s32 $0x4880;
	s30 =	simm.s32 $0x5080  }
0x6: {  	s31 =	simm.s32 $0x5880;
	s10 =	simm.s32 $0x7080;
	s11 =	simm.s32 $0x7880  }
0x7: {  	s12 =	simm.s32 $0x8080;
	s13 =	simm.s32 $0x8880;
	s14 =	simm.s32 $0x9080  }
0x8: {  	s15 =	simm.s32 $0x9880;
	s16 =	simm.s32 $0xA080;
	s17 =	simm.s32 $0xA880  }
0x9: {  	s4 =	sand.u32 $0x1, s3;
	s22 =	sshll.u32 s7, $0x1;
	[smem:$0x7FF] =	sst s2  }
0xa: {  	s7 =	sshll.u32 s7, $0xF;
	s5 =	sor.u32 s4, s22;
	_ =	strace $0x80000047  }
0xb: {  	s4 =	ssub.s32 $0x2, s4;
	s7 =	sand.u32 $0x40000, s7;
	s22 =	simm.s32 $0x1880  }
0xc: {  	s3 =	sshll.u32 s5, $0x4;
	s5 =	sshll.u32 s5, $0xE;
	s8 =	sshrl.u32 s4, $0x1  }
0xd: {  	s6 =	sadd.s32 s3, s1;
	s3 =	sadd.s32 $0x53C00, s1;
	s5 =	ssub.s32 s5, s7  }
0xe: {  	s23 =	ssub.s32 s4, s8;
	s4 =	sadd.s32 $0x53D00, s1;
	s8 =	simm.s32 $0x2  }
0xf: {  	s9 =	sadd.s32 $0x53A00, s6;
	s24 =	sadd.s32 s0, s5;
	s25 =	sand.u32 $0x1FFFC000, s5  }
0x10: {  	s5 =	sadd.s32 $0x53E00, s1;
	s26 =	sadd.s32 $0x53A08, s6;
	[dreg:$0x3] =	wrdreg s9  }
0x11: {  	s6 =	sadd.s32 $0x53F00, s1;
	s7 =	smax.u32 s23, $0x1;
	[dreg:$0x4] =	wrdreg s24  }
0x12: {  	v2 =	vlaneseq.u32;
	s23 =	simm.s32 $0x2080;
	s0 =	sadd.s32 s25, s0;
	[dreg:$0x5] =	wrdreg s26  }
0x13: {  	vm0 =	vmmov $0xffff;
	v1 =	vshrl.u32 v2, $0x3;
	s24 =	simm.s32 $0x2880;
	s25 =	simm.s32 $0x3080;
	s0 =	sadd.s32 $0x2000, s0  }
0x14: {  	v0 =	vand.u32 $0x7, v2;
	v2 =	vor.u32 $0x8, v2;
	v1 =	vmul.u32 $0x8, v1;
	s26 =	simm.s32 $0x3880;
	s9 =	simm.s32 $0xB080;
	[dreg:$0x6] =	wrdreg s0  }
.LBB2_1:
0x15: {  	s19 =	rddreg [dreg:$0x3]  }
0x16: {  	[tilespmem:s2], [sflag:$0x2] =	stream.linear.gather [hbm4b:s19+s2], $0x40, $0x38;
	[tilespmem:$0x10080] =	vst v63  }
0x17: {  	_ =	swait.ge [sflag:s8], $0x40  }
0x18: {  	[sflag:s8] =	ssyncset.done $0x0  }
0x19: {  	s0 =	simm.s32 $0x80;
	s1 =	rddreg [dreg:$0x4];
	[sflag:s8] =	ssyncadd.s32 $0xFFFFFFC0  }
0x1a: {  	[tilespmem:s0], [sflag:$0x2] =	stream.linear.gather [hbm4b:s1+s2], $0x10000, $0x38;
	[tilespmem:$0x10080] =	vst v63  }
0x1b: {  	_ =	swait.ge [sflag:s8], $0x10000  }
0x1c: {  	[sflag:s8] =	ssyncset.done $0x0  }
0x1d: {  	[sflag:s8] =	ssyncadd.s32 $0xFFFF0000  }
0x1e: {  	v3 =	vld [tilespmem:$0x0];
	_ =	sdelay $0x4  }
0x1f: {  	v4 =	vshll.u32 v3, $0x3  }
0x20: {  	v3 =	vand.u32 $0x7, v3;
	v4 =	vand.u32 $0xFFFFFFC0, v4  }
0x21: {  	v3 =	vor.u32 v3, v4  }
0x22: {  	v4 =	vperm.xlane v3, v0;
	_ =	sdelay $0x1  }
0x23: {  	v4 =	vadd.s32 v1, v4;
	_ =	sdelay $0x4  }
0x24: {  	[hbm4b:s3+s2] =	stream.indirect_vreg.scatter [tilespmem:s0], [sflag:$0x1], $0x80, v4, vm0, $0xb8;
	[tilespmem:$0x10080] =	vst v63  }
0x25: {  	v3 =	vperm.xlane v3, v2  }
0x26: {  	[hbm4b:s4+s2] =	stream.indirect_vreg.scatter [tilespmem:s20], [sflag:$0x1], $0x80, v4, vm0, $0xb8;
	[tilespmem:$0x10080] =	vst v63  }
0x27: {  	v3 =	vadd.s32 v1, v3  }
0x28: {  	[hbm4b:s5+s2] =	stream.indirect_vreg.scatter [tilespmem:s21], [sflag:$0x1], $0x80, v4, vm0, $0xb8;
	[tilespmem:$0x10080] =	vst v63  }
0x29: {  	_ = 	snop  }
0x2a: {  	[hbm4b:s6+s2] =	stream.indirect_vreg.scatter [tilespmem:s22], [sflag:$0x1], $0x80, v4, vm0, $0xb8;
	[tilespmem:$0x10080] =	vst v63  }
0x2b: {  	_ = 	snop  }
0x2c: {  	[hbm4b:s3+s2] =	stream.indirect_vreg.scatter [tilespmem:s23], [sflag:$0x1], $0x80, v3, vm0, $0xb8;
	[tilespmem:$0x10080] =	vst v63  }
0x2d: {  	_ = 	snop  }
0x2e: {  	[hbm4b:s4+s2] =	stream.indirect_vreg.scatter [tilespmem:s24], [sflag:$0x1], $0x80, v3, vm0, $0xb8;
	[tilespmem:$0x10080] =	vst v63  }
0x2f: {  	_ = 	snop  }
0x30: {  	[hbm4b:s5+s2] =	stream.indirect_vreg.scatter [tilespmem:s25], [sflag:$0x1], $0x80, v3, vm0, $0xb8;
	[tilespmem:$0x10080] =	vst v63  }
0x31: {  	_ = 	snop  }
0x32: {  	[hbm4b:s6+s2] =	stream.indirect_vreg.scatter [tilespmem:s26], [sflag:$0x1], $0x80, v3, vm0, $0xb8;
	[tilespmem:$0x10080] =	vst v63  }
0x33: {  	v3 =	vld [tilespmem:$0x10];
	_ =	sdelay $0x4  }
0x34: {  	v57 =	vshll.u32 v3, $0x3  }
0x35: {  	v3 =	vand.u32 $0x7, v3;
	v4 =	vand.u32 $0xFFFFFFC0, v57  }
0x36: {  	v3 =	vor.u32 v3, v4  }
0x37: {  	v4 =	vperm.xlane v3, v0;
	_ =	sdelay $0x1  }
0x38: {  	v4 =	vadd.s32 v1, v4;
	_ =	sdelay $0x4  }
0x39: {  	[hbm4b:s3+s2] =	stream.indirect_vreg.scatter [tilespmem:s28], [sflag:$0x1], $0x80, v4, vm0, $0xb8;
	[tilespmem:$0x10080] =	vst v63  }
0x3a: {  	v3 =	vperm.xlane v3, v2  }
0x3b: {  	[hbm4b:s4+s2] =	stream.indirect_vreg.scatter [tilespmem:s29], [sflag:$0x1], $0x80, v4, vm0, $0xb8;
	[tilespmem:$0x10080] =	vst v63  }
0x3c: {  	v3 =	vadd.s32 v1, v3  }
0x3d: {  	[hbm4b:s5+s2] =	stream.indirect_vreg.scatter [tilespmem:s30], [sflag:$0x1], $0x80, v4, vm0, $0xb8;
	[tilespmem:$0x10080] =	vst v63  }
0x3e: {  	_ = 	snop  }
0x3f: {  	[hbm4b:s6+s2] =	stream.indirect_vreg.scatter [tilespmem:s31], [sflag:$0x1], $0x80, v4, vm0, $0xb8;
	[tilespmem:$0x10080] =	vst v63  }
0x40: {  	s1 =	simm.s32 $0x6080  }
0x41: {  	[hbm4b:s3+s2] =	stream.indirect_vreg.scatter [tilespmem:s1], [sflag:$0x1], $0x80, v3, vm0, $0xb8;
	[tilespmem:$0x10080] =	vst v63  }
0x42: {  	s1 =	simm.s32 $0x6880  }
0x43: {  	[hbm4b:s4+s2] =	stream.indirect_vreg.scatter [tilespmem:s1], [sflag:$0x1], $0x80, v3, vm0, $0xb8;
	[tilespmem:$0x10080] =	vst v63  }
0x44: {  	_ = 	snop  }
0x45: {  	[hbm4b:s5+s2] =	stream.indirect_vreg.scatter [tilespmem:s10], [sflag:$0x1], $0x80, v3, vm0, $0xb8;
	[tilespmem:$0x10080] =	vst v63  }
0x46: {  	_ = 	snop  }
0x47: {  	[hbm4b:s6+s2] =	stream.indirect_vreg.scatter [tilespmem:s11], [sflag:$0x1], $0x80, v3, vm0, $0xb8;
	[tilespmem:$0x10080] =	vst v63  }
0x48: {  	v3 =	vld [tilespmem:$0x20];
	_ =	sdelay $0x4  }
0x49: {  	v58 =	vshll.u32 v3, $0x3  }
0x4a: {  	v3 =	vand.u32 $0x7, v3;
	v4 =	vand.u32 $0xFFFFFFC0, v58  }
0x4b: {  	v3 =	vor.u32 v3, v4  }
0x4c: {  	v4 =	vperm.xlane v3, v0;
	_ =	sdelay $0x1  }
0x4d: {  	v4 =	vadd.s32 v1, v4;
	_ =	sdelay $0x4  }
0x4e: {  	[hbm4b:s3+s2] =	stream.indirect_vreg.scatter [tilespmem:s12], [sflag:$0x1], $0x80, v4, vm0, $0xb8;
	[tilespmem:$0x10080] =	vst v63  }
0x4f: {  	v3 =	vperm.xlane v3, v2  }
0x50: {  	[hbm4b:s4+s2] =	stream.indirect_vreg.scatter [tilespmem:s13], [sflag:$0x1], $0x80, v4, vm0, $0xb8;
	[tilespmem:$0x10080] =	vst v63  }
0x51: {  	v3 =	vadd.s32 v1, v3  }
0x52: {  	[hbm4b:s5+s2] =	stream.indirect_vreg.scatter [tilespmem:s14], [sflag:$0x1], $0x80, v4, vm0, $0xb8;
	[tilespmem:$0x10080] =	vst v63  }
0x53: {  	_ = 	snop  }
0x54: {  	[hbm4b:s6+s2] =	stream.indirect_vreg.scatter [tilespmem:s15], [sflag:$0x1], $0x80, v4, vm0, $0xb8;
	[tilespmem:$0x10080] =	vst v63  }
0x55: {  	_ = 	snop  }
0x56: {  	[hbm4b:s3+s2] =	stream.indirect_vreg.scatter [tilespmem:s16], [sflag:$0x1], $0x80, v3, vm0, $0xb8;
	[tilespmem:$0x10080] =	vst v63  }
0x57: {  	_ = 	snop  }
0x58: {  	[hbm4b:s4+s2] =	stream.indirect_vreg.scatter [tilespmem:s17], [sflag:$0x1], $0x80, v3, vm0, $0xb8;
	[tilespmem:$0x10080] =	vst v63  }
0x59: {  	_ = 	snop  }
0x5a: {  	[hbm4b:s5+s2] =	stream.indirect_vreg.scatter [tilespmem:s9], [sflag:$0x1], $0x80, v3, vm0, $0xb8;
	[tilespmem:$0x10080] =	vst v63  }
0x5b: {  	s19 =	simm.s32 $0xB880  }
0x5c: {  	[hbm4b:s6+s2] =	stream.indirect_vreg.scatter [tilespmem:s19], [sflag:$0x1], $0x80, v3, vm0, $0xb8;
	[tilespmem:$0x10080] =	vst v63  }
0x5d: {  	v3 =	vld [tilespmem:$0x30];
	_ =	sdelay $0x4  }
0x5e: {  	v59 =	vshll.u32 v3, $0x3  }
0x5f: {  	v3 =	vand.u32 $0x7, v3;
	v4 =	vand.u32 $0xFFFFFFC0, v59  }
0x60: {  	v3 =	vor.u32 v3, v4  }
0x61: {  	v4 =	vperm.xlane v3, v0;
	_ =	sdelay $0x1  }
0x62: {  	v4 =	vadd.s32 v1, v4;
	_ =	sdelay $0x3  }
0x63: {  	s19 =	simm.s32 $0xC080  }
0x64: {  	[hbm4b:s3+s2] =	stream.indirect_vreg.scatter [tilespmem:s19], [sflag:$0x1], $0x80, v4, vm0, $0xb8;
	[tilespmem:$0x10080] =	vst v63  }
0x65: {  	v3 =	vperm.xlane v3, v2;
	s19 =	simm.s32 $0xC880  }
0x66: {  	[hbm4b:s4+s2] =	stream.indirect_vreg.scatter [tilespmem:s19], [sflag:$0x1], $0x80, v4, vm0, $0xb8;
	[tilespmem:$0x10080] =	vst v63  }
0x67: {  	v3 =	vadd.s32 v1, v3;
	s19 =	simm.s32 $0xD080  }
0x68: {  	[hbm4b:s5+s2] =	stream.indirect_vreg.scatter [tilespmem:s19], [sflag:$0x1], $0x80, v4, vm0, $0xb8;
	[tilespmem:$0x10080] =	vst v63  }
0x69: {  	s19 =	simm.s32 $0xD880  }
0x6a: {  	[hbm4b:s6+s2] =	stream.indirect_vreg.scatter [tilespmem:s19], [sflag:$0x1], $0x80, v4, vm0, $0xb8;
	[tilespmem:$0x10080] =	vst v63  }
0x6b: {  	s19 =	simm.s32 $0xE080  }
0x6c: {  	[hbm4b:s3+s2] =	stream.indirect_vreg.scatter [tilespmem:s19], [sflag:$0x1], $0x80, v3, vm0, $0xb8;
	[tilespmem:$0x10080] =	vst v63  }
0x6d: {  	s19 =	simm.s32 $0xE880  }
0x6e: {  	[hbm4b:s4+s2] =	stream.indirect_vreg.scatter [tilespmem:s19], [sflag:$0x1], $0x80, v3, vm0, $0xb8;
	[tilespmem:$0x10080] =	vst v63  }
0x6f: {  	s19 =	simm.s32 $0xF080  }
0x70: {  	[hbm4b:s5+s2] =	stream.indirect_vreg.scatter [tilespmem:s19], [sflag:$0x1], $0x80, v3, vm0, $0xb8;
	[tilespmem:$0x10080] =	vst v63  }
0x71: {  	s19 =	simm.s32 $0xF880  }
0x72: {  	[hbm4b:s6+s2] =	stream.indirect_vreg.scatter [tilespmem:s19], [sflag:$0x1], $0x80, v3, vm0, $0xb8;
	[tilespmem:$0x10080] =	vst v63  }
0x73: {  	_ =	swait.ge [sflag:s18], $0x10000  }
0x74: {  	[sflag:s18] =	ssyncset.done $0x0  }
0x75: {  	s19 =	rddreg [dreg:$0x5];
	[sflag:s18] =	ssyncadd.s32 $0xFFFF0000  }
0x76: {  	[tilespmem:s2], [sflag:$0x2] =	stream.linear.gather [hbm4b:s19+s2], $0x40, $0x38;
	[tilespmem:$0x10080] =	vst v63  }
0x77: {  	_ =	swait.ge [sflag:s8], $0x40  }
0x78: {  	[sflag:s8] =	ssyncset.done $0x0  }
0x79: {  	s19 =	rddreg [dreg:$0x6];
	[sflag:s8] =	ssyncadd.s32 $0xFFFFFFC0  }
0x7a: {  	[tilespmem:s0], [sflag:$0x2] =	stream.linear.gather [hbm4b:s19+s2], $0x10000, $0x38;
	[tilespmem:$0x10080] =	vst v63  }
0x7b: {  	_ =	swait.ge [sflag:s8], $0x10000  }
0x7c: {  	[sflag:s8] =	ssyncset.done $0x0  }
0x7d: {  	[sflag:s8] =	ssyncadd.s32 $0xFFFF0000  }
0x7e: {  	v3 =	vld [tilespmem:$0x0];
	_ =	sdelay $0x4  }
0x7f: {  	v60 =	vshll.u32 v3, $0x3  }
0x80: {  	v3 =	vand.u32 $0x7, v3;
	v4 =	vand.u32 $0xFFFFFFC0, v60  }
0x81: {  	v3 =	vor.u32 v3, v4  }
0x82: {  	v4 =	vperm.xlane v3, v0;
	_ =	sdelay $0x1  }
0x83: {  	v4 =	vadd.s32 v1, v4;
	_ =	sdelay $0x4  }
0x84: {  	[hbm4b:s3+s2] =	stream.indirect_vreg.scatter [tilespmem:s0], [sflag:$0x1], $0x80, v4, vm0, $0xb8;
	[tilespmem:$0x10080] =	vst v63  }
0x85: {  	v3 =	vperm.xlane v3, v2  }
0x86: {  	[hbm4b:s4+s2] =	stream.indirect_vreg.scatter [tilespmem:s20], [sflag:$0x1], $0x80, v4, vm0, $0xb8;
	[tilespmem:$0x10080] =	vst v63  }
0x87: {  	v3 =	vadd.s32 v1, v3  }
0x88: {  	[hbm4b:s5+s2] =	stream.indirect_vreg.scatter [tilespmem:s21], [sflag:$0x1], $0x80, v4, vm0, $0xb8;
	[tilespmem:$0x10080] =	vst v63  }
0x89: {  	_ = 	snop  }
0x8a: {  	[hbm4b:s6+s2] =	stream.indirect_vreg.scatter [tilespmem:s22], [sflag:$0x1], $0x80, v4, vm0, $0xb8;
	[tilespmem:$0x10080] =	vst v63  }
0x8b: {  	_ = 	snop  }
0x8c: {  	[hbm4b:s3+s2] =	stream.indirect_vreg.scatter [tilespmem:s23], [sflag:$0x1], $0x80, v3, vm0, $0xb8;
	[tilespmem:$0x10080] =	vst v63  }
0x8d: {  	_ = 	snop  }
0x8e: {  	[hbm4b:s4+s2] =	stream.indirect_vreg.scatter [tilespmem:s24], [sflag:$0x1], $0x80, v3, vm0, $0xb8;
	[tilespmem:$0x10080] =	vst v63  }
0x8f: {  	_ = 	snop  }
0x90: {  	[hbm4b:s5+s2] =	stream.indirect_vreg.scatter [tilespmem:s25], [sflag:$0x1], $0x80, v3, vm0, $0xb8;
	[tilespmem:$0x10080] =	vst v63  }
0x91: {  	_ = 	snop  }
0x92: {  	[hbm4b:s6+s2] =	stream.indirect_vreg.scatter [tilespmem:s26], [sflag:$0x1], $0x80, v3, vm0, $0xb8;
	[tilespmem:$0x10080] =	vst v63  }
0x93: {  	v3 =	vld [tilespmem:$0x10];
	_ =	sdelay $0x4  }
0x94: {  	v61 =	vshll.u32 v3, $0x3  }
0x95: {  	v3 =	vand.u32 $0x7, v3;
	v4 =	vand.u32 $0xFFFFFFC0, v61  }
0x96: {  	v3 =	vor.u32 v3, v4  }
0x97: {  	v4 =	vperm.xlane v3, v0;
	_ =	sdelay $0x1  }
0x98: {  	v4 =	vadd.s32 v1, v4;
	_ =	sdelay $0x4  }
0x99: {  	[hbm4b:s3+s2] =	stream.indirect_vreg.scatter [tilespmem:s28], [sflag:$0x1], $0x80, v4, vm0, $0xb8;
	[tilespmem:$0x10080] =	vst v63  }
0x9a: {  	v3 =	vperm.xlane v3, v2  }
0x9b: {  	[hbm4b:s4+s2] =	stream.indirect_vreg.scatter [tilespmem:s29], [sflag:$0x1], $0x80, v4, vm0, $0xb8;
	[tilespmem:$0x10080] =	vst v63  }
0x9c: {  	v3 =	vadd.s32 v1, v3  }
0x9d: {  	[hbm4b:s5+s2] =	stream.indirect_vreg.scatter [tilespmem:s30], [sflag:$0x1], $0x80, v4, vm0, $0xb8;
	[tilespmem:$0x10080] =	vst v63  }
0x9e: {  	_ = 	snop  }
0x9f: {  	[hbm4b:s6+s2] =	stream.indirect_vreg.scatter [tilespmem:s31], [sflag:$0x1], $0x80, v4, vm0, $0xb8;
	[tilespmem:$0x10080] =	vst v63  }
0xa0: {  	s19 =	simm.s32 $0x6080  }
0xa1: {  	[hbm4b:s3+s2] =	stream.indirect_vreg.scatter [tilespmem:s19], [sflag:$0x1], $0x80, v3, vm0, $0xb8;
	[tilespmem:$0x10080] =	vst v63  }
0xa2: {  	_ = 	snop  }
0xa3: {  	[hbm4b:s4+s2] =	stream.indirect_vreg.scatter [tilespmem:s1], [sflag:$0x1], $0x80, v3, vm0, $0xb8;
	[tilespmem:$0x10080] =	vst v63  }
0xa4: {  	_ = 	snop  }
0xa5: {  	[hbm4b:s5+s2] =	stream.indirect_vreg.scatter [tilespmem:s10], [sflag:$0x1], $0x80, v3, vm0, $0xb8;
	[tilespmem:$0x10080] =	vst v63  }
0xa6: {  	_ = 	snop  }
0xa7: {  	[hbm4b:s6+s2] =	stream.indirect_vreg.scatter [tilespmem:s11], [sflag:$0x1], $0x80, v3, vm0, $0xb8;
	[tilespmem:$0x10080] =	vst v63  }
0xa8: {  	v3 =	vld [tilespmem:$0x20];
	_ =	sdelay $0x4  }
0xa9: {  	v62 =	vshll.u32 v3, $0x3  }
0xaa: {  	v3 =	vand.u32 $0x7, v3;
	v4 =	vand.u32 $0xFFFFFFC0, v62  }
0xab: {  	v3 =	vor.u32 v3, v4  }
0xac: {  	v4 =	vperm.xlane v3, v0;
	_ =	sdelay $0x1  }
0xad: {  	v4 =	vadd.s32 v1, v4;
	_ =	sdelay $0x4  }
0xae: {  	[hbm4b:s3+s2] =	stream.indirect_vreg.scatter [tilespmem:s12], [sflag:$0x1], $0x80, v4, vm0, $0xb8;
	[tilespmem:$0x10080] =	vst v63  }
0xaf: {  	v3 =	vperm.xlane v3, v2  }
0xb0: {  	[hbm4b:s4+s2] =	stream.indirect_vreg.scatter [tilespmem:s13], [sflag:$0x1], $0x80, v4, vm0, $0xb8;
	[tilespmem:$0x10080] =	vst v63  }
0xb1: {  	v3 =	vadd.s32 v1, v3  }
0xb2: {  	[hbm4b:s5+s2] =	stream.indirect_vreg.scatter [tilespmem:s14], [sflag:$0x1], $0x80, v4, vm0, $0xb8;
	[tilespmem:$0x10080] =	vst v63  }
0xb3: {  	_ = 	snop  }
0xb4: {  	[hbm4b:s6+s2] =	stream.indirect_vreg.scatter [tilespmem:s15], [sflag:$0x1], $0x80, v4, vm0, $0xb8;
	[tilespmem:$0x10080] =	vst v63  }
0xb5: {  	_ = 	snop  }
0xb6: {  	[hbm4b:s3+s2] =	stream.indirect_vreg.scatter [tilespmem:s16], [sflag:$0x1], $0x80, v3, vm0, $0xb8;
	[tilespmem:$0x10080] =	vst v63  }
0xb7: {  	_ = 	snop  }
0xb8: {  	[hbm4b:s4+s2] =	stream.indirect_vreg.scatter [tilespmem:s17], [sflag:$0x1], $0x80, v3, vm0, $0xb8;
	[tilespmem:$0x10080] =	vst v63  }
0xb9: {  	_ = 	snop  }
0xba: {  	[hbm4b:s5+s2] =	stream.indirect_vreg.scatter [tilespmem:s9], [sflag:$0x1], $0x80, v3, vm0, $0xb8;
	[tilespmem:$0x10080] =	vst v63  }
0xbb: {  	s19 =	simm.s32 $0xB880  }
0xbc: {  	[hbm4b:s6+s2] =	stream.indirect_vreg.scatter [tilespmem:s19], [sflag:$0x1], $0x80, v3, vm0, $0xb8;
	[tilespmem:$0x10080] =	vst v63  }
0xbd: {  	v3 =	vld [tilespmem:$0x30];
	_ =	sdelay $0x4  }
0xbe: {  	v63 =	vshll.u32 v3, $0x3  }
0xbf: {  	v3 =	vand.u32 $0x7, v3;
	v4 =	vand.u32 $0xFFFFFFC0, v63  }
0xc0: {  	v3 =	vor.u32 v3, v4  }
0xc1: {  	v4 =	vperm.xlane v3, v0;
	_ =	sdelay $0x1  }
0xc2: {  	v4 =	vadd.s32 v1, v4;
	_ =	sdelay $0x3  }
0xc3: {  	s1 =	simm.s32 $0xC080  }
0xc4: {  	[hbm4b:s3+s2] =	stream.indirect_vreg.scatter [tilespmem:s1], [sflag:$0x1], $0x80, v4, vm0, $0xb8;
	[tilespmem:$0x10080] =	vst v63  }
0xc5: {  	s19 =	simm.s32 $0xC880;
	v3 =	vperm.xlane v3, v2  }
0xc6: {  	[hbm4b:s4+s2] =	stream.indirect_vreg.scatter [tilespmem:s19], [sflag:$0x1], $0x80, v4, vm0, $0xb8;
	[tilespmem:$0x10080] =	vst v63  }
0xc7: {  	v3 =	vadd.s32 v1, v3;
	s1 =	simm.s32 $0xD080  }
0xc8: {  	[hbm4b:s5+s2] =	stream.indirect_vreg.scatter [tilespmem:s1], [sflag:$0x1], $0x80, v4, vm0, $0xb8;
	[tilespmem:$0x10080] =	vst v63  }
0xc9: {  	s19 =	simm.s32 $0xD880  }
0xca: {  	[hbm4b:s6+s2] =	stream.indirect_vreg.scatter [tilespmem:s19], [sflag:$0x1], $0x80, v4, vm0, $0xb8;
	[tilespmem:$0x10080] =	vst v63  }
0xcb: {  	s1 =	simm.s32 $0xE080  }
0xcc: {  	[hbm4b:s3+s2] =	stream.indirect_vreg.scatter [tilespmem:s1], [sflag:$0x1], $0x80, v3, vm0, $0xb8;
	[tilespmem:$0x10080] =	vst v63  }
0xcd: {  	s19 =	simm.s32 $0xE880  }
0xce: {  	[hbm4b:s4+s2] =	stream.indirect_vreg.scatter [tilespmem:s19], [sflag:$0x1], $0x80, v3, vm0, $0xb8;
	[tilespmem:$0x10080] =	vst v63  }
0xcf: {  	p0 =	sne.s32 s7, $0x1;
	s1 =	simm.s32 $0xF080  }
0xd0: {  	[hbm4b:s5+s2] =	stream.indirect_vreg.scatter [tilespmem:s1], [sflag:$0x1], $0x80, v3, vm0, $0xb8;
	[tilespmem:$0x10080] =	vst v63  }
.Ltmp0:
0xd1: {  	s19 =	simm.s32 $0xF880;
	(pc) =	sbr.rel @p0 .LBB2_1-.Ltmp0, $4  }
0xd2: {  	[hbm4b:s6+s2] =	stream.indirect_vreg.scatter [tilespmem:s19], [sflag:$0x1], $0x80, v3, vm0, $0xb8;
	[tilespmem:$0x10080] =	vst v63  }
0xd3: {  	_ =	swait.ge [sflag:s18], $0x10000  }
0xd4: {  	[sflag:s18] =	ssyncset.done $0x0  }
0xd5: {  	s7 =	sadd.s32 $0xFFFFFFFF, s7;
	[sflag:s18] =	ssyncadd.s32 $0xFFFF0000  }
0xd6: {  	_ =	sfence.sel $0x180000  }
0xd7: {  	[bflag:$0x0] =	sbarrier.arrive $0xFFFF  }
0xd8: {  	_ =	strace $0x90000047  }
0xd9: {  	s0 =	stileid.u32;
	[bflag:$0x2] =	sbarrier.arrive $0xFFFF  }
0xda: {  	p0 =	sne.s32 s0, $0x0;
	s0 =	rddreg [dreg:$0x2]  }
0xdb: {  	s0 =	sadd.s32 @!p0 $0x100000, s0  }
0xdc: {  	[sflag:s0] =	ssyncadd.tile.s32 @!p0 $0x1;
	_ =	shalt  }
.Lfunc_end2:
_tile_overlayer_lowered:
.L_overlay_start_2:
0xdd: {  	(tag) =	ssettag $0x2  }
0xde: {  	s0 =	rddreg [dreg:$0x0];
	s2 =	stileid.u32  }
0xdf: {  	s1 =	rddreg [dreg:$0x1];
	p0 =	sne.s32 s2, $0x0  }
0xe0: {  	s3 =	rddreg [dreg:$0x2];
	[bflag:$0x3] =	sbarrier.arrive $0xFFFF;
	s2 =	simm.s32 @!p0 $0x1C02  }
0xe1: {  	[timem:s3], [sflag:s2] =	dma.local @!p0 [hbm:s0], s1  }
0xe2: {  	s0 =	simm.s32 @!p0 $0x2  }
0xe3: {  	_ =	swait.ge @!p0 [sflag:s0], s1  }
0xe4: {  	s1 =	ssub.s32 @!p0 $0x0, s1;
	[sflag:s0] =	ssyncset.done @!p0 $0x0  }
0xe5: {  	[sflag:s0] =	ssyncadd.s32 @!p0 s1  }
0xe6: {  	[bflag:$0x3] =	sbarrier.arrive $0xFFFF  }
0xe7: {  	_ =	shalt  }

// kernel: kernel.13.cloned.1.call-start
scs
__scs_entry_jumppad:
0x0: {  	(pc) =	sbr.rel $0x88, $3  }
0x1: {  	(tag) =	ssettag $0x0;
	lr =	simm.s32 $0x1  }
0x2: {  	[smem:$0x3F8F] =	sst lr;
	_ =	strace $0xD0000000  }
0x3: {  	_ = 	snop  }
0x4: {  	_ = 	snop  }
0x5: {  	_ = 	snop  }
0x6: {  	_ = 	snop  }
0x7: {  	_ = 	snop  }
__scs_overlays_trampoline_lowered:
0x8: {  	[smem:$0x3F9E] =	sst s0  }
0x9: {  	[smem:$0x3F9F] =	sst s1  }
0xa: {  	[smem:$0x3FA0] =	sst s2  }
0xb: {  	[smem:$0x3FA1] =	sst s3  }
0xc: {  	[smem:$0x3FA2] =	sst s4  }
0xd: {  	[smem:$0x3FA3] =	sst s5  }
0xe: {  	[smem:$0x3FA4] =	sst s6  }
0xf: {  	[smem:$0x3FA5] =	sst s7  }
0x10: {  	[smem:$0x3FA6] =	sst s8  }
0x11: {  	[smem:$0x3FA7] =	sst s9;
	s0 =	simm.s32 @!p0 $0x0  }
0x12: {  	s1 =	sld [smem:$0x3F8D];
	s0 =	simm.s32 @p0 $0x1  }
0x13: {  	[smem:$0x3FA8] =	sst s0;
	s0 =	simm.s32 @!p1 $0x0  }
0x14: {  	s2 =	sld [smem:$0x3F8C];
	s0 =	simm.s32 @p1 $0x1  }
0x15: {  	[smem:$0x3FA9] =	sst s0;
	s0 =	simm.s32 @!p2 $0x0  }
0x16: {  	s3 =	sld [smem:$0x3FDB];
	s0 =	simm.s32 @p2 $0x1  }
0x17: {  	s4 =	simm.s32 $0x1BF5;
	[smem:$0x3FAB] =	sst s0  }
0x18: {  	s0 =	sld [smem:$0x3F8E];
	_ =	swait.ge [sflag:s4], $0x0  }
0x19: {  	s7 =	sld [smem:$0x3F8F]  }
0x1a: {  	s8 =	sadd.s32 $0xFFFFE003, lr  }
0x1b: {  	s9 =	sadd.s32 $0xFFFFFEF7, lr;
	s5 =	simm.s32 $0xFFFFFFFF;
	p2 =	slt.u32 s8, $0xFFFFF086  }
0x1c: {  	p1 =	slt.u32 s9, $0xF7A;
	s5 =	simm.s32 @!p2 $0x0  }
0x1d: {  	s5 =	simm.s32 @p1 $0x1;
	p0 =	seq.s32 s7, s2  }
0x1e: {  	s7 =	smul.u32 @!p0 $0xF7A, s2;
	p2 =	seq.s32 @!p0 s5, $0x0  }
0x1f: {  	s9 =	smul.u32 $0xF7A, s1;
	s8 =	simm.s32 @!p0 $0x1BF5;
	p2 =	por !p2, p0  }
0x20: {  	[sflag:s8] =	ssyncset.s32 @!p0 $0xFFFFF086;
	s6 =	sadd.s32 @!p0 s3, s7;
	s7 =	simm.s32 @!p0 $0x108  }
0x21: {  	s3 =	sadd.s32 s3, s9;
	s6 =	sadd.s32 @!p0 $0x88, s6;
	s7 =	simm.s32 @p2 $0x1082  }
0x22: {  	[simem:s7], [sflag:s8] =	dma.local @!p0 [hbm:s6], $0xF7A  }
0x23: {  	s9 =	sor.u32 $0xD0000000, s2;
	s6 =	simm.s32 $0x108;
	_ =	swait.ge @!p0 [sflag:s8], $0x0  }
0x24: {  	s3 =	sadd.s32 $0x88, s3;
	s6 =	simm.s32 @!p1 $0x1082;
	[sflag:s4] =	ssyncset.s32 $0xFFFFF086  }
0x25: {  	[simem:s6], [sflag:s4] =	dma.local [hbm:s3], $0xF7A  }
0x26: {  	[smem:$0x3F8F] =	sst s1;
	(tag) =	ssettag s2;
	_ =	strace s9  }
0x27: {  	s1 =	sld [smem:$0x3F9F]  }
0x28: {  	s2 =	sld [smem:$0x3FA0]  }
0x29: {  	s4 =	sld [smem:$0x3FA2]  }
0x2a: {  	p0 =	seq.s32 s5, $0x0;
	s5 =	sld [smem:$0x3FA3]  }
0x2b: {  	s6 =	sld [smem:$0x3FA4]  }
0x2c: {  	s7 =	sld [smem:$0x3FA5]  }
0x2d: {  	s3 =	simm.s32 $0x108;
	s8 =	sld [smem:$0x3FA6]  }
0x2e: {  	s3 =	simm.s32 @!p0 $0x1082;
	s9 =	sld [smem:$0x3FA7]  }
0x2f: {  	lr =	sadd.s32 s0, s3;
	s0 =	sld [smem:$0x3F9E]  }
0x30: {  	s3 =	sld [smem:$0x3FA1]  }
0x31: {  	[smem:$0x3FAA] =	sst s10  }
0x32: {  	s10 =	sld [smem:$0x3FA8];
	_ =	sdelay $0x3  }
0x33: {  	p0 =	seq.s32 s10, $0x1;
	s10 =	sld [smem:$0x3FAA];
	_ =	sdelay $0x3  }
0x34: {  	[smem:$0x3FAA] =	sst s10  }
0x35: {  	s10 =	sld [smem:$0x3FA9];
	_ =	sdelay $0x3  }
0x36: {  	p1 =	seq.s32 s10, $0x1;
	s10 =	sld [smem:$0x3FAA];
	_ =	sdelay $0x3  }
0x37: {  	[smem:$0x3FAA] =	sst s10  }
0x38: {  	s10 =	sld [smem:$0x3FAB]  }
0x39: {  	_ = 	snop;
	(pc) =	sbr.ind lr, $3  }
0x3a: {  	_ = 	snop  }
0x3b: {  	_ = 	snop  }
0x3c: {  	p2 =	seq.s32 s10, $0x1;
	s10 =	sld [smem:$0x3FAA]  }
0x3d: {  	_ =	shalt  }
0x3e: {  	_ =	shalt  }
0x3f: {  	_ =	shalt  }
0x40: {  	_ =	shalt  }
0x41: {  	_ =	shalt  }
0x42: {  	_ =	shalt  }
0x43: {  	_ =	shalt  }
0x44: {  	_ =	shalt  }
0x45: {  	_ =	shalt  }
0x46: {  	_ =	shalt  }
0x47: {  	_ =	shalt  }
0x48: {  	_ =	shalt  }
0x49: {  	_ =	shalt  }
0x4a: {  	_ =	shalt  }
0x4b: {  	_ =	shalt  }
0x4c: {  	_ =	shalt  }
0x4d: {  	_ =	shalt  }
0x4e: {  	_ =	shalt  }
0x4f: {  	_ =	shalt  }
0x50: {  	_ =	shalt  }
0x51: {  	_ =	shalt  }
0x52: {  	_ =	shalt  }
0x53: {  	_ =	shalt  }
0x54: {  	_ =	shalt  }
0x55: {  	_ =	shalt  }
0x56: {  	_ =	shalt  }
0x57: {  	_ =	shalt  }
0x58: {  	_ =	shalt  }
0x59: {  	_ =	shalt  }
0x5a: {  	_ =	shalt  }
0x5b: {  	_ =	shalt  }
0x5c: {  	_ =	shalt  }
0x5d: {  	_ =	shalt  }
0x5e: {  	_ =	shalt  }
0x5f: {  	_ =	shalt  }
0x60: {  	_ =	shalt  }
0x61: {  	_ =	shalt  }
0x62: {  	_ =	shalt  }
0x63: {  	_ =	shalt  }
0x64: {  	_ =	shalt  }
0x65: {  	_ =	shalt  }
0x66: {  	_ =	shalt  }
0x67: {  	_ =	shalt  }
0x68: {  	_ =	shalt  }
0x69: {  	_ =	shalt  }
0x6a: {  	_ =	shalt  }
0x6b: {  	_ =	shalt  }
0x6c: {  	_ =	shalt  }
0x6d: {  	_ =	shalt  }
0x6e: {  	_ =	shalt  }
0x6f: {  	_ =	shalt  }
0x70: {  	_ =	shalt  }
0x71: {  	_ =	shalt  }
0x72: {  	_ =	shalt  }
0x73: {  	_ =	shalt  }
0x74: {  	_ =	shalt  }
0x75: {  	_ =	shalt  }
0x76: {  	_ =	shalt  }
0x77: {  	_ =	shalt  }
0x78: {  	_ =	shalt  }
0x79: {  	_ =	shalt  }
0x7a: {  	_ =	shalt  }
0x7b: {  	_ =	shalt  }
0x7c: {  	_ =	shalt  }
0x7d: {  	_ =	shalt  }
0x7e: {  	_ =	shalt  }
0x7f: {  	_ =	shalt  }
0x80: {  	_ =	shalt  }
0x81: {  	_ =	shalt  }
0x82: {  	_ =	shalt  }
0x83: {  	_ =	shalt  }
0x84: {  	_ =	shalt  }
0x85: {  	_ =	shalt  }
0x86: {  	_ =	shalt  }
0x87: {  	_ =	shalt  }
.Lfunc_end0:
.L_simem_size_0:
called_computation.1_lowered:
.L_overlay_start_0:
0x88: {  	s2 =	sld [smem:$0x3FD9]  }
0x89: {  	s3 =	sld [smem:$0x3FFE];
	_ =	sdelay $0x1  }
0x8a: {  	s1 =	srdreg.scid  }
0x8b: {  	s0 =	sand.u32 $0x1, s1  }
0x8c: {  	s16 =	sshll.u32 s0, $0xA;
	s2 =	sadd.s32 s3, s2  }
0x8d: {  	s2 =	sadd.s32 s2, s16  }
0x8e: {  	[smem:$0x3FB6] =	sst s2  }
0x8f: {  	_ = 	snop  }
0x90: {  	(tm) =	ssettm $0x1  }
0x91: {  	s17 =	sld [smem:$0x3FFB];
	_ =	sdelay $0x3  }
0x92: {  	_ =	strace s17  }
0x93: {  	s2 =	sld [smem:$0x3FFC];
	_ =	sdelay $0x3  }
0x94: {  	_ =	strace s2  }
0x95: {  	s2 =	sld [smem:$0x3FFD];
	_ =	sdelay $0x3  }
0x96: {  	_ =	strace s2  }
0x97: {  	_ =	strace $0x8FFFFFFF  }
0x98: {  	s18 =	sld [smem:$0x3FDB];
	_ =	sdelay $0x1  }
0x99: {  	s19 =	simm.s32 $_scs_section_size  }
0x9a: {  	s4 =	simm.s32 $_size__tile_overlayer_lowered;
	s5 =	simm.s32 $_tile_overlayer_lowered  }
0x9b: {  	s22 =	simm.s32 $0x1BFF;
	s21 =	sshll.u32 s5, $0x1;
	s2 =	sadd.s32 s19, s18  }
0x9c: {  	s6 =	simm.s32 $0x0;
	s20 =	sshll.u32 s4, $0x1;
	s4 =	sadd.s32 s21, s2  }
0x9d: {  	[timem:s6], [sflag:s22] =	dma.local [hbm:s4], s20  }
0x9e: {  	_ =	swait.ge [sflag:s22], s20  }
0x9f: {  	s3 =	ssub.s32 $0x0, s20;
	[sflag:s22] =	ssyncset.done $0x0  }
0xa0: {  	[sflag:s22] =	ssyncadd.s32 s3;
	_ =	sdelay $0x1  }
0xa1: {  	s23 =	simm.s32 $0x1B8B  }
0xa2: {  	_ =	swait.ge [sflag:s23], $0x1  }
0xa3: {  	[sflag:s23] =	ssyncset.done $0x0  }
0xa4: {  	s25 =	simm.s32 $0x1B8E;
	s24 =	sld [smem:$0x3FFE];
	[sflag:s23] =	ssyncadd.s32 $0xFFFFFFFF  }
0xa5: {  	s26 =	simm.s32 $execute0_lowered;
	[smem:$0x3FD2] =	sst s25  }
0xa6: {  	s4 =	sshll.u32 s26, $0x1;
	_ =	strace $0x80000049;
	[dreg:$0x1] =	wrdreg $0xFFFFFFFF  }
0xa7: {  	s28 =	simm.s32 $_size_execute0_lowered;
	s2 =	sadd.s32 s2, s4;
	[dreg:$0x0] =	wrdreg $0x0  }
0xa8: {  	s4 =	sshll.u32 s28, $0x1;
	[dreg:$0x2] =	wrdreg s2  }
0xa9: {  	[dreg:$0x3] =	wrdreg s4  }
0xaa: {  	[dreg:$0x4] =	wrdreg $0xC0  }
0xab: {  	_ =	task [dreg:s6], $0x5FFFF  }
0xac: {  	[dreg:$0x1] =	wrdreg $0xFFFFFFFF  }
0xad: {  	[dreg:$0x0] =	wrdreg $0x60  }
0xae: {  	[dreg:$0x2] =	wrdreg s24  }
0xaf: {  	[dreg:$0x3] =	wrdreg $0x9  }
0xb0: {  	_ =	task.clear_ibuf [dreg:s6], $0x4FFFF;
	_ =	strace $0x90000049  }
0xb1: {  	s29 =	simm.s32 $0x9;
	_ =	strace $0x8000004B  }
0xb2: {  	_ =	swait.ge [sflag:s29], $0x1  }
0xb3: {  	[sflag:s29] =	ssyncadd.s32 $0xFFFFFFFF  }
0xb4: {  	_ =	strace $0x9000004B  }
0xb5: {  	_ =	sfence  }
0xb6: {  	s30 =	sld [smem:$0x0];
	_ =	sdelay $0x2  }
0xb7: {  	s31 =	sshll.u32 s1, $0xD;
	s1 =	sshrl.u32 s1, $0x2  }
0xb8: {  	s3 =	sand.u32 $0x4000, s31;
	s1 =	sadd.s32 s1, s30  }
0xb9: {  	s0 =	sor.u32 s3, s0;
	s1 =	sshll.u32 s1, $0x11  }
0xba: {  	s0 =	sor.u32 s1, s0  }
0xbb: {  	s0 =	sadd.s32 $0x8F2B, s0  }
0xbc: {  	[sflag:s0] =	ssyncadd.remote.s32 $0x1  }
0xbd: {  	_ =	sfence.sel $0xFFFF  }
0xbe: {  	[dreg:$0x0] =	wrdreg $0xFFFFFFFF;
	(pc) =	sbr.abs _section_cstart, $3  }
0xbf: {  	[dreg:$0x1] =	wrdreg $0xFFFFFFFF  }
0xc0: {  	_ =	task.clear_ibuf [dreg:s6], $0x2FFFF;
	_ =	strace $0x9FFFFFFF  }
0xc1: {  	(tm) =	ssettm $0x7FFFFFFF  }
tec
execute0_lowered:
.L_overlay_start_1:
0x0: {  	(tag) =	ssettag $0x1  }
0x1: {  	s0 =	rddreg [dreg:$0x0];
	s1 =	srdreg.scid  }
0x2: {  	s2 =	simm.s32 $0x0;
	s3 =	stileid.u32;
	s18 =	simm.s32 $0x1  }
0x3: {  	s20 =	simm.s32 $0x880;
	s21 =	simm.s32 $0x1080;
	s22 =	simm.s32 $0x1880  }
0x4: {  	s23 =	simm.s32 $0x2080;
	s28 =	simm.s32 $0x4080;
	s29 =	simm.s32 $0x4880  }
0x5: {  	s30 =	simm.s32 $0x5080;
	s31 =	simm.s32 $0x5880;
	s11 =	simm.s32 $0x7880  }
0x6: {  	s12 =	simm.s32 $0x8080;
	s13 =	simm.s32 $0x8880;
	s14 =	simm.s32 $0x9080  }
0x7: {  	s15 =	simm.s32 $0x9880;
	s16 =	simm.s32 $0xA080;
	s17 =	simm.s32 $0xA880  }
0x8: {  	s1 =	sand.u32 $0x1, s1;
	[smem:$0x7FF] =	sst s2;
	s3 =	sshll.u32 s3, $0x8  }
0x9: {  	s6 =	sadd.s32 $0x53A00, s0;
	s8 =	sadd.s32 $0x53C00, s0;
	s4 =	sshll.u32 s1, $0x7  }
0xa: {  	_ =	strace $0x8000004A;
	s1 =	ssub.s32 $0x2, s1;
	s5 =	sor.u32 s4, s3  }
0xb: {  	s3 =	sadd.s32 $0x413C00, s0;
	s7 =	sshrl.u32 s1, $0x1;
	s4 =	sshrl.u32 s5, $0x3  }
0xc: {  	s1 =	ssub.s32 s1, s7;
	s24 =	sshll.u32 s5, $0x7;
	s9 =	sor.u32 $0x40, s5  }
0xd: {  	s5 =	sadd.s32 $0x413E00, s0;
	s4 =	sadd.s32 s6, s4;
	s7 =	sadd.s32 s8, s24  }
0xe: {  	s10 =	sshrl.u32 s9, $0x3;
	s9 =	sshll.u32 s9, $0x7;
	[dreg:$0x2] =	wrdreg s4  }
0xf: {  	s24 =	simm.s32 $0x2880;
	s4 =	sadd.s32 $0x413D00, s0;
	[dreg:$0x3] =	wrdreg s7  }
0x10: {  	s25 =	sadd.s32 s6, s10;
	s6 =	sadd.s32 $0x413F00, s0;
	s26 =	sadd.s32 s8, s9  }
0x11: {  	v2 =	vlaneseq.u32;
	s7 =	smax.u32 s1, $0x1;
	s8 =	simm.s32 $0x2;
	s0 =	simm.s32 $0x80  }
0x12: {  	vm0 =	vmmov $0xffff;
	v1 =	vshrl.u32 v2, $0x3;
	s10 =	simm.s32 $0x7080;
	s9 =	simm.s32 $0xB080;
	[dreg:$0x4] =	wrdreg s25  }
0x13: {  	v0 =	vand.u32 $0x7, v2;
	v2 =	vor.u32 $0x8, v2;
	v1 =	vmul.u32 $0x8, v1;
	[dreg:$0x5] =	wrdreg s26;
	s25 =	simm.s32 $0x3080;
	s26 =	simm.s32 $0x3880  }
.LBB2_1:
0x14: {  	s19 =	rddreg [dreg:$0x2]  }
0x15: {  	[tilespmem:s2], [sflag:$0x2] =	stream.linear.gather [hbm4b:s19+s2], $0x40, $0x38;
	[tilespmem:$0x10080] =	vst v63  }
0x16: {  	_ =	swait.ge [sflag:s8], $0x40  }
0x17: {  	[sflag:s8] =	ssyncset.done $0x0  }
0x18: {  	[sflag:s8] =	ssyncadd.s32 $0xFFFFFFC0  }
0x19: {  	v3 =	vld [tilespmem:$0x0];
	_ =	sdelay $0x4  }
0x1a: {  	v4 =	vshll.u32 v3, $0x3  }
0x1b: {  	v3 =	vand.u32 $0x7, v3;
	v4 =	vand.u32 $0xFFFFFFC0, v4  }
0x1c: {  	v3 =	vor.u32 v3, v4  }
0x1d: {  	v4 =	vperm.xlane v3, v0;
	_ =	sdelay $0x1  }
0x1e: {  	v4 =	vadd.s32 v1, v4;
	_ =	sdelay $0x4  }
0x1f: {  	[tilespmem:s0], [sflag:$0x1] =	stream.indirect_vreg.gather [hbm4b:s3+s2], $0x80, v4, vm0, $0xb8;
	[tilespmem:$0x10080] =	vst v63  }
0x20: {  	v3 =	vperm.xlane v3, v2  }
0x21: {  	[tilespmem:s20], [sflag:$0x1] =	stream.indirect_vreg.gather [hbm4b:s4+s2], $0x80, v4, vm0, $0xb8;
	[tilespmem:$0x10080] =	vst v63  }
0x22: {  	v3 =	vadd.s32 v1, v3  }
0x23: {  	[tilespmem:s21], [sflag:$0x1] =	stream.indirect_vreg.gather [hbm4b:s5+s2], $0x80, v4, vm0, $0xb8;
	[tilespmem:$0x10080] =	vst v63  }
0x24: {  	_ = 	snop  }
0x25: {  	[tilespmem:s22], [sflag:$0x1] =	stream.indirect_vreg.gather [hbm4b:s6+s2], $0x80, v4, vm0, $0xb8;
	[tilespmem:$0x10080] =	vst v63  }
0x26: {  	_ = 	snop  }
0x27: {  	[tilespmem:s23], [sflag:$0x1] =	stream.indirect_vreg.gather [hbm4b:s3+s2], $0x80, v3, vm0, $0xb8;
	[tilespmem:$0x10080] =	vst v63  }
0x28: {  	_ = 	snop  }
0x29: {  	[tilespmem:s24], [sflag:$0x1] =	stream.indirect_vreg.gather [hbm4b:s4+s2], $0x80, v3, vm0, $0xb8;
	[tilespmem:$0x10080] =	vst v63  }
0x2a: {  	_ = 	snop  }
0x2b: {  	[tilespmem:s25], [sflag:$0x1] =	stream.indirect_vreg.gather [hbm4b:s5+s2], $0x80, v3, vm0, $0xb8;
	[tilespmem:$0x10080] =	vst v63  }
0x2c: {  	_ = 	snop  }
0x2d: {  	[tilespmem:s26], [sflag:$0x1] =	stream.indirect_vreg.gather [hbm4b:s6+s2], $0x80, v3, vm0, $0xb8;
	[tilespmem:$0x10080] =	vst v63  }
0x2e: {  	v3 =	vld [tilespmem:$0x10];
	_ =	sdelay $0x4  }
0x2f: {  	v57 =	vshll.u32 v3, $0x3  }
0x30: {  	v3 =	vand.u32 $0x7, v3;
	v4 =	vand.u32 $0xFFFFFFC0, v57  }
0x31: {  	v3 =	vor.u32 v3, v4  }
0x32: {  	v4 =	vperm.xlane v3, v0;
	_ =	sdelay $0x1  }
0x33: {  	v4 =	vadd.s32 v1, v4;
	_ =	sdelay $0x4  }
0x34: {  	[tilespmem:s28], [sflag:$0x1] =	stream.indirect_vreg.gather [hbm4b:s3+s2], $0x80, v4, vm0, $0xb8;
	[tilespmem:$0x10080] =	vst v63  }
0x35: {  	v3 =	vperm.xlane v3, v2  }
0x36: {  	[tilespmem:s29], [sflag:$0x1] =	stream.indirect_vreg.gather [hbm4b:s4+s2], $0x80, v4, vm0, $0xb8;
	[tilespmem:$0x10080] =	vst v63  }
0x37: {  	v3 =	vadd.s32 v1, v3  }
0x38: {  	[tilespmem:s30], [sflag:$0x1] =	stream.indirect_vreg.gather [hbm4b:s5+s2], $0x80, v4, vm0, $0xb8;
	[tilespmem:$0x10080] =	vst v63  }
0x39: {  	_ = 	snop  }
0x3a: {  	[tilespmem:s31], [sflag:$0x1] =	stream.indirect_vreg.gather [hbm4b:s6+s2], $0x80, v4, vm0, $0xb8;
	[tilespmem:$0x10080] =	vst v63  }
0x3b: {  	s1 =	simm.s32 $0x6080  }
0x3c: {  	[tilespmem:s1], [sflag:$0x1] =	stream.indirect_vreg.gather [hbm4b:s3+s2], $0x80, v3, vm0, $0xb8;
	[tilespmem:$0x10080] =	vst v63  }
0x3d: {  	s1 =	simm.s32 $0x6880  }
0x3e: {  	[tilespmem:s1], [sflag:$0x1] =	stream.indirect_vreg.gather [hbm4b:s4+s2], $0x80, v3, vm0, $0xb8;
	[tilespmem:$0x10080] =	vst v63  }
0x3f: {  	_ = 	snop  }
0x40: {  	[tilespmem:s10], [sflag:$0x1] =	stream.indirect_vreg.gather [hbm4b:s5+s2], $0x80, v3, vm0, $0xb8;
	[tilespmem:$0x10080] =	vst v63  }
0x41: {  	_ = 	snop  }
0x42: {  	[tilespmem:s11], [sflag:$0x1] =	stream.indirect_vreg.gather [hbm4b:s6+s2], $0x80, v3, vm0, $0xb8;
	[tilespmem:$0x10080] =	vst v63  }
0x43: {  	v3 =	vld [tilespmem:$0x20];
	_ =	sdelay $0x4  }
0x44: {  	v58 =	vshll.u32 v3, $0x3  }
0x45: {  	v3 =	vand.u32 $0x7, v3;
	v4 =	vand.u32 $0xFFFFFFC0, v58  }
0x46: {  	v3 =	vor.u32 v3, v4  }
0x47: {  	v4 =	vperm.xlane v3, v0;
	_ =	sdelay $0x1  }
0x48: {  	v4 =	vadd.s32 v1, v4;
	_ =	sdelay $0x4  }
0x49: {  	[tilespmem:s12], [sflag:$0x1] =	stream.indirect_vreg.gather [hbm4b:s3+s2], $0x80, v4, vm0, $0xb8;
	[tilespmem:$0x10080] =	vst v63  }
0x4a: {  	v3 =	vperm.xlane v3, v2  }
0x4b: {  	[tilespmem:s13], [sflag:$0x1] =	stream.indirect_vreg.gather [hbm4b:s4+s2], $0x80, v4, vm0, $0xb8;
	[tilespmem:$0x10080] =	vst v63  }
0x4c: {  	v3 =	vadd.s32 v1, v3  }
0x4d: {  	[tilespmem:s14], [sflag:$0x1] =	stream.indirect_vreg.gather [hbm4b:s5+s2], $0x80, v4, vm0, $0xb8;
	[tilespmem:$0x10080] =	vst v63  }
0x4e: {  	_ = 	snop  }
0x4f: {  	[tilespmem:s15], [sflag:$0x1] =	stream.indirect_vreg.gather [hbm4b:s6+s2], $0x80, v4, vm0, $0xb8;
	[tilespmem:$0x10080] =	vst v63  }
0x50: {  	_ = 	snop  }
0x51: {  	[tilespmem:s16], [sflag:$0x1] =	stream.indirect_vreg.gather [hbm4b:s3+s2], $0x80, v3, vm0, $0xb8;
	[tilespmem:$0x10080] =	vst v63  }
0x52: {  	_ = 	snop  }
0x53: {  	[tilespmem:s17], [sflag:$0x1] =	stream.indirect_vreg.gather [hbm4b:s4+s2], $0x80, v3, vm0, $0xb8;
	[tilespmem:$0x10080] =	vst v63  }
0x54: {  	_ = 	snop  }
0x55: {  	[tilespmem:s9], [sflag:$0x1] =	stream.indirect_vreg.gather [hbm4b:s5+s2], $0x80, v3, vm0, $0xb8;
	[tilespmem:$0x10080] =	vst v63  }
0x56: {  	s19 =	simm.s32 $0xB880  }
0x57: {  	[tilespmem:s19], [sflag:$0x1] =	stream.indirect_vreg.gather [hbm4b:s6+s2], $0x80, v3, vm0, $0xb8;
	[tilespmem:$0x10080] =	vst v63  }
0x58: {  	v3 =	vld [tilespmem:$0x30];
	_ =	sdelay $0x4  }
0x59: {  	v59 =	vshll.u32 v3, $0x3  }
0x5a: {  	v3 =	vand.u32 $0x7, v3;
	v4 =	vand.u32 $0xFFFFFFC0, v59  }
0x5b: {  	v3 =	vor.u32 v3, v4  }
0x5c: {  	v4 =	vperm.xlane v3, v0;
	_ =	sdelay $0x1  }
0x5d: {  	v4 =	vadd.s32 v1, v4;
	_ =	sdelay $0x3  }
0x5e: {  	s19 =	simm.s32 $0xC080  }
0x5f: {  	[tilespmem:s19], [sflag:$0x1] =	stream.indirect_vreg.gather [hbm4b:s3+s2], $0x80, v4, vm0, $0xb8;
	[tilespmem:$0x10080] =	vst v63  }
0x60: {  	v3 =	vperm.xlane v3, v2;
	s19 =	simm.s32 $0xC880  }
0x61: {  	[tilespmem:s19], [sflag:$0x1] =	stream.indirect_vreg.gather [hbm4b:s4+s2], $0x80, v4, vm0, $0xb8;
	[tilespmem:$0x10080] =	vst v63  }
0x62: {  	v3 =	vadd.s32 v1, v3;
	s19 =	simm.s32 $0xD080  }
0x63: {  	[tilespmem:s19], [sflag:$0x1] =	stream.indirect_vreg.gather [hbm4b:s5+s2], $0x80, v4, vm0, $0xb8;
	[tilespmem:$0x10080] =	vst v63  }
0x64: {  	s19 =	simm.s32 $0xD880  }
0x65: {  	[tilespmem:s19], [sflag:$0x1] =	stream.indirect_vreg.gather [hbm4b:s6+s2], $0x80, v4, vm0, $0xb8;
	[tilespmem:$0x10080] =	vst v63  }
0x66: {  	s19 =	simm.s32 $0xE080  }
0x67: {  	[tilespmem:s19], [sflag:$0x1] =	stream.indirect_vreg.gather [hbm4b:s3+s2], $0x80, v3, vm0, $0xb8;
	[tilespmem:$0x10080] =	vst v63  }
0x68: {  	s19 =	simm.s32 $0xE880  }
0x69: {  	[tilespmem:s19], [sflag:$0x1] =	stream.indirect_vreg.gather [hbm4b:s4+s2], $0x80, v3, vm0, $0xb8;
	[tilespmem:$0x10080] =	vst v63  }
0x6a: {  	s19 =	simm.s32 $0xF080  }
0x6b: {  	[tilespmem:s19], [sflag:$0x1] =	stream.indirect_vreg.gather [hbm4b:s5+s2], $0x80, v3, vm0, $0xb8;
	[tilespmem:$0x10080] =	vst v63  }
0x6c: {  	s19 =	simm.s32 $0xF880  }
0x6d: {  	[tilespmem:s19], [sflag:$0x1] =	stream.indirect_vreg.gather [hbm4b:s6+s2], $0x80, v3, vm0, $0xb8;
	[tilespmem:$0x10080] =	vst v63  }
0x6e: {  	_ =	swait.ge [sflag:s18], $0x10000  }
0x6f: {  	[sflag:s18] =	ssyncset.done $0x0  }
0x70: {  	s19 =	rddreg [dreg:$0x3];
	[sflag:s18] =	ssyncadd.s32 $0xFFFF0000  }
0x71: {  	[hbm4b:s19+s2] =	stream.linear.scatter [tilespmem:s0], [sflag:$0x2], $0x10000, $0x38;
	[tilespmem:$0x10080] =	vst v63  }
0x72: {  	_ =	swait.ge [sflag:s8], $0x10000  }
0x73: {  	[sflag:s8] =	ssyncset.done $0x0  }
0x74: {  	s19 =	rddreg [dreg:$0x4];
	[sflag:s8] =	ssyncadd.s32 $0xFFFF0000  }
0x75: {  	[tilespmem:s2], [sflag:$0x2] =	stream.linear.gather [hbm4b:s19+s2], $0x40, $0x38;
	[tilespmem:$0x10080] =	vst v63  }
0x76: {  	_ =	swait.ge [sflag:s8], $0x40  }
0x77: {  	[sflag:s8] =	ssyncset.done $0x0  }
0x78: {  	[sflag:s8] =	ssyncadd.s32 $0xFFFFFFC0  }
0x79: {  	v3 =	vld [tilespmem:$0x0];
	_ =	sdelay $0x4  }
0x7a: {  	v60 =	vshll.u32 v3, $0x3  }
0x7b: {  	v3 =	vand.u32 $0x7, v3;
	v4 =	vand.u32 $0xFFFFFFC0, v60  }
0x7c: {  	v3 =	vor.u32 v3, v4  }
0x7d: {  	v4 =	vperm.xlane v3, v0;
	_ =	sdelay $0x1  }
0x7e: {  	v4 =	vadd.s32 v1, v4;
	_ =	sdelay $0x4  }
0x7f: {  	[tilespmem:s0], [sflag:$0x1] =	stream.indirect_vreg.gather [hbm4b:s3+s2], $0x80, v4, vm0, $0xb8;
	[tilespmem:$0x10080] =	vst v63  }
0x80: {  	v3 =	vperm.xlane v3, v2  }
0x81: {  	[tilespmem:s20], [sflag:$0x1] =	stream.indirect_vreg.gather [hbm4b:s4+s2], $0x80, v4, vm0, $0xb8;
	[tilespmem:$0x10080] =	vst v63  }
0x82: {  	v3 =	vadd.s32 v1, v3  }
0x83: {  	[tilespmem:s21], [sflag:$0x1] =	stream.indirect_vreg.gather [hbm4b:s5+s2], $0x80, v4, vm0, $0xb8;
	[tilespmem:$0x10080] =	vst v63  }
0x84: {  	_ = 	snop  }
0x85: {  	[tilespmem:s22], [sflag:$0x1] =	stream.indirect_vreg.gather [hbm4b:s6+s2], $0x80, v4, vm0, $0xb8;
	[tilespmem:$0x10080] =	vst v63  }
0x86: {  	_ = 	snop  }
0x87: {  	[tilespmem:s23], [sflag:$0x1] =	stream.indirect_vreg.gather [hbm4b:s3+s2], $0x80, v3, vm0, $0xb8;
	[tilespmem:$0x10080] =	vst v63  }
0x88: {  	_ = 	snop  }
0x89: {  	[tilespmem:s24], [sflag:$0x1] =	stream.indirect_vreg.gather [hbm4b:s4+s2], $0x80, v3, vm0, $0xb8;
	[tilespmem:$0x10080] =	vst v63  }
0x8a: {  	_ = 	snop  }
0x8b: {  	[tilespmem:s25], [sflag:$0x1] =	stream.indirect_vreg.gather [hbm4b:s5+s2], $0x80, v3, vm0, $0xb8;
	[tilespmem:$0x10080] =	vst v63  }
0x8c: {  	_ = 	snop  }
0x8d: {  	[tilespmem:s26], [sflag:$0x1] =	stream.indirect_vreg.gather [hbm4b:s6+s2], $0x80, v3, vm0, $0xb8;
	[tilespmem:$0x10080] =	vst v63  }
0x8e: {  	v3 =	vld [tilespmem:$0x10];
	_ =	sdelay $0x4  }
0x8f: {  	v61 =	vshll.u32 v3, $0x3  }
0x90: {  	v3 =	vand.u32 $0x7, v3;
	v4 =	vand.u32 $0xFFFFFFC0, v61  }
0x91: {  	v3 =	vor.u32 v3, v4  }
0x92: {  	v4 =	vperm.xlane v3, v0;
	_ =	sdelay $0x1  }
0x93: {  	v4 =	vadd.s32 v1, v4;
	_ =	sdelay $0x4  }
0x94: {  	[tilespmem:s28], [sflag:$0x1] =	stream.indirect_vreg.gather [hbm4b:s3+s2], $0x80, v4, vm0, $0xb8;
	[tilespmem:$0x10080] =	vst v63  }
0x95: {  	v3 =	vperm.xlane v3, v2  }
0x96: {  	[tilespmem:s29], [sflag:$0x1] =	stream.indirect_vreg.gather [hbm4b:s4+s2], $0x80, v4, vm0, $0xb8;
	[tilespmem:$0x10080] =	vst v63  }
0x97: {  	v3 =	vadd.s32 v1, v3  }
0x98: {  	[tilespmem:s30], [sflag:$0x1] =	stream.indirect_vreg.gather [hbm4b:s5+s2], $0x80, v4, vm0, $0xb8;
	[tilespmem:$0x10080] =	vst v63  }
0x99: {  	_ = 	snop  }
0x9a: {  	[tilespmem:s31], [sflag:$0x1] =	stream.indirect_vreg.gather [hbm4b:s6+s2], $0x80, v4, vm0, $0xb8;
	[tilespmem:$0x10080] =	vst v63  }
0x9b: {  	s19 =	simm.s32 $0x6080  }
0x9c: {  	[tilespmem:s19], [sflag:$0x1] =	stream.indirect_vreg.gather [hbm4b:s3+s2], $0x80, v3, vm0, $0xb8;
	[tilespmem:$0x10080] =	vst v63  }
0x9d: {  	_ = 	snop  }
0x9e: {  	[tilespmem:s1], [sflag:$0x1] =	stream.indirect_vreg.gather [hbm4b:s4+s2], $0x80, v3, vm0, $0xb8;
	[tilespmem:$0x10080] =	vst v63  }
0x9f: {  	_ = 	snop  }
0xa0: {  	[tilespmem:s10], [sflag:$0x1] =	stream.indirect_vreg.gather [hbm4b:s5+s2], $0x80, v3, vm0, $0xb8;
	[tilespmem:$0x10080] =	vst v63  }
0xa1: {  	_ = 	snop  }
0xa2: {  	[tilespmem:s11], [sflag:$0x1] =	stream.indirect_vreg.gather [hbm4b:s6+s2], $0x80, v3, vm0, $0xb8;
	[tilespmem:$0x10080] =	vst v63  }
0xa3: {  	v3 =	vld [tilespmem:$0x20];
	_ =	sdelay $0x4  }
0xa4: {  	v62 =	vshll.u32 v3, $0x3  }
0xa5: {  	v3 =	vand.u32 $0x7, v3;
	v4 =	vand.u32 $0xFFFFFFC0, v62  }
0xa6: {  	v3 =	vor.u32 v3, v4  }
0xa7: {  	v4 =	vperm.xlane v3, v0;
	_ =	sdelay $0x1  }
0xa8: {  	v4 =	vadd.s32 v1, v4;
	_ =	sdelay $0x4  }
0xa9: {  	[tilespmem:s12], [sflag:$0x1] =	stream.indirect_vreg.gather [hbm4b:s3+s2], $0x80, v4, vm0, $0xb8;
	[tilespmem:$0x10080] =	vst v63  }
0xaa: {  	v3 =	vperm.xlane v3, v2  }
0xab: {  	[tilespmem:s13], [sflag:$0x1] =	stream.indirect_vreg.gather [hbm4b:s4+s2], $0x80, v4, vm0, $0xb8;
	[tilespmem:$0x10080] =	vst v63  }
0xac: {  	v3 =	vadd.s32 v1, v3  }
0xad: {  	[tilespmem:s14], [sflag:$0x1] =	stream.indirect_vreg.gather [hbm4b:s5+s2], $0x80, v4, vm0, $0xb8;
	[tilespmem:$0x10080] =	vst v63  }
0xae: {  	_ = 	snop  }
0xaf: {  	[tilespmem:s15], [sflag:$0x1] =	stream.indirect_vreg.gather [hbm4b:s6+s2], $0x80, v4, vm0, $0xb8;
	[tilespmem:$0x10080] =	vst v63  }
0xb0: {  	_ = 	snop  }
0xb1: {  	[tilespmem:s16], [sflag:$0x1] =	stream.indirect_vreg.gather [hbm4b:s3+s2], $0x80, v3, vm0, $0xb8;
	[tilespmem:$0x10080] =	vst v63  }
0xb2: {  	_ = 	snop  }
0xb3: {  	[tilespmem:s17], [sflag:$0x1] =	stream.indirect_vreg.gather [hbm4b:s4+s2], $0x80, v3, vm0, $0xb8;
	[tilespmem:$0x10080] =	vst v63  }
0xb4: {  	_ = 	snop  }
0xb5: {  	[tilespmem:s9], [sflag:$0x1] =	stream.indirect_vreg.gather [hbm4b:s5+s2], $0x80, v3, vm0, $0xb8;
	[tilespmem:$0x10080] =	vst v63  }
0xb6: {  	s19 =	simm.s32 $0xB880  }
0xb7: {  	[tilespmem:s19], [sflag:$0x1] =	stream.indirect_vreg.gather [hbm4b:s6+s2], $0x80, v3, vm0, $0xb8;
	[tilespmem:$0x10080] =	vst v63  }
0xb8: {  	v3 =	vld [tilespmem:$0x30];
	_ =	sdelay $0x4  }
0xb9: {  	v63 =	vshll.u32 v3, $0x3  }
0xba: {  	v3 =	vand.u32 $0x7, v3;
	v4 =	vand.u32 $0xFFFFFFC0, v63  }
0xbb: {  	v3 =	vor.u32 v3, v4  }
0xbc: {  	v4 =	vperm.xlane v3, v0;
	_ =	sdelay $0x1  }
0xbd: {  	v4 =	vadd.s32 v1, v4;
	_ =	sdelay $0x3  }
0xbe: {  	s19 =	simm.s32 $0xC080  }
0xbf: {  	[tilespmem:s19], [sflag:$0x1] =	stream.indirect_vreg.gather [hbm4b:s3+s2], $0x80, v4, vm0, $0xb8;
	[tilespmem:$0x10080] =	vst v63  }
0xc0: {  	v3 =	vperm.xlane v3, v2;
	s19 =	simm.s32 $0xC880  }
0xc1: {  	[tilespmem:s19], [sflag:$0x1] =	stream.indirect_vreg.gather [hbm4b:s4+s2], $0x80, v4, vm0, $0xb8;
	[tilespmem:$0x10080] =	vst v63  }
0xc2: {  	v3 =	vadd.s32 v1, v3;
	s19 =	simm.s32 $0xD080  }
0xc3: {  	[tilespmem:s19], [sflag:$0x1] =	stream.indirect_vreg.gather [hbm4b:s5+s2], $0x80, v4, vm0, $0xb8;
	[tilespmem:$0x10080] =	vst v63  }
0xc4: {  	s19 =	simm.s32 $0xD880  }
0xc5: {  	[tilespmem:s19], [sflag:$0x1] =	stream.indirect_vreg.gather [hbm4b:s6+s2], $0x80, v4, vm0, $0xb8;
	[tilespmem:$0x10080] =	vst v63  }
0xc6: {  	s19 =	simm.s32 $0xE080  }
0xc7: {  	[tilespmem:s19], [sflag:$0x1] =	stream.indirect_vreg.gather [hbm4b:s3+s2], $0x80, v3, vm0, $0xb8;
	[tilespmem:$0x10080] =	vst v63  }
0xc8: {  	s19 =	simm.s32 $0xE880  }
0xc9: {  	[tilespmem:s19], [sflag:$0x1] =	stream.indirect_vreg.gather [hbm4b:s4+s2], $0x80, v3, vm0, $0xb8;
	[tilespmem:$0x10080] =	vst v63  }
0xca: {  	s19 =	simm.s32 $0xF080  }
0xcb: {  	[tilespmem:s19], [sflag:$0x1] =	stream.indirect_vreg.gather [hbm4b:s5+s2], $0x80, v3, vm0, $0xb8;
	[tilespmem:$0x10080] =	vst v63  }
0xcc: {  	s19 =	simm.s32 $0xF880  }
0xcd: {  	[tilespmem:s19], [sflag:$0x1] =	stream.indirect_vreg.gather [hbm4b:s6+s2], $0x80, v3, vm0, $0xb8;
	[tilespmem:$0x10080] =	vst v63  }
0xce: {  	_ =	swait.ge [sflag:s18], $0x10000  }
0xcf: {  	p0 =	sne.s32 s7, $0x1;
	[sflag:s18] =	ssyncset.done $0x0  }
.Ltmp0:
0xd0: {  	s1 =	rddreg [dreg:$0x5];
	[sflag:s18] =	ssyncadd.s32 $0xFFFF0000;
	(pc) =	sbr.rel @p0 .LBB2_1-.Ltmp0, $4  }
0xd1: {  	[hbm4b:s1+s2] =	stream.linear.scatter [tilespmem:s0], [sflag:$0x2], $0x10000, $0x38;
	[tilespmem:$0x10080] =	vst v63  }
0xd2: {  	_ =	swait.ge [sflag:s8], $0x10000  }
0xd3: {  	[sflag:s8] =	ssyncset.done $0x0  }
0xd4: {  	s7 =	sadd.s32 $0xFFFFFFFF, s7;
	[sflag:s8] =	ssyncadd.s32 $0xFFFF0000  }
0xd5: {  	_ =	sfence.sel $0x180000  }
0xd6: {  	[bflag:$0x0] =	sbarrier.arrive $0xFFFF  }
0xd7: {  	_ =	strace $0x9000004A  }
0xd8: {  	s0 =	stileid.u32;
	[bflag:$0x2] =	sbarrier.arrive $0xFFFF  }
0xd9: {  	p0 =	sne.s32 s0, $0x0;
	s0 =	rddreg [dreg:$0x1]  }
0xda: {  	s0 =	sadd.s32 @!p0 $0x100000, s0  }
0xdb: {  	[sflag:s0] =	ssyncadd.tile.s32 @!p0 $0x1;
	_ =	shalt  }
.Lfunc_end2:
_tile_overlayer_lowered:
.L_overlay_start_2:
0xdc: {  	(tag) =	ssettag $0x2  }
0xdd: {  	s0 =	rddreg [dreg:$0x0];
	s2 =	stileid.u32  }
0xde: {  	s1 =	rddreg [dreg:$0x1];
	p0 =	sne.s32 s2, $0x0  }
0xdf: {  	s3 =	rddreg [dreg:$0x2];
	[bflag:$0x3] =	sbarrier.arrive $0xFFFF;
	s2 =	simm.s32 @!p0 $0x1C02  }
0xe0: {  	[timem:s3], [sflag:s2] =	dma.local @!p0 [hbm:s0], s1  }
0xe1: {  	s0 =	simm.s32 @!p0 $0x2  }
0xe2: {  	_ =	swait.ge @!p0 [sflag:s0], s1  }
0xe3: {  	s1 =	ssub.s32 @!p0 $0x0, s1;
	[sflag:s0] =	ssyncset.done @!p0 $0x0  }
0xe4: {  	[sflag:s0] =	ssyncadd.s32 @!p0 s1  }
0xe5: {  	[bflag:$0x3] =	sbarrier.arrive $0xFFFF  }
0xe6: {  	_ =	shalt  }

</sc_bundles>
